<compile_context>
chip_gen: v7x
topology: tpu7x:2x2x1
jax: 0.10.2.dev20260603
libtpu: 0.0.44.dev20260713+nightly
codegen_flags: <defaults>
</compile_context>

<pallas_src>
import functools

import jax
import jax.numpy as jnp
from jax import lax
from jax.experimental import pallas as pl
from jax.experimental.pallas import tpu as pltpu
from jax.experimental.pallas import tpu_sc as plsc

N = 32768
DIM = 512
NCLS = 2
K = 6553

IBLK = 1024
JBLK = 2048

NUM_WORKERS = 32
CHUNK = N // NUM_WORKERS
GRP = 128


def _mm_body(h_ref, w_ref, b_ref, proj_ref, sm_ref):
    p = jnp.dot(h_ref[...], w_ref[...], preferred_element_type=jnp.float32)
    p = p + b_ref[...]
    proj_ref[...] = p
    m = jnp.max(p, axis=1, keepdims=True)
    e = jnp.exp(p - m)
    sm_ref[...] = e / jnp.sum(e, axis=1, keepdims=True)


def _proj_softmax(h, w, b):
    return pl.pallas_call(
        _mm_body,
        grid=(N // IBLK,),
        in_specs=[
            pl.BlockSpec((IBLK, DIM), lambda i: (i, 0)),
            pl.BlockSpec((DIM, NCLS), lambda i: (0, 0)),
            pl.BlockSpec((1, NCLS), lambda i: (0, 0)),
        ],
        out_specs=[
            pl.BlockSpec((IBLK, NCLS), lambda i: (i, 0)),
            pl.BlockSpec((IBLK, NCLS), lambda i: (i, 0)),
        ],
        out_shape=[
            jax.ShapeDtypeStruct((N, NCLS), jnp.float32),
            jax.ShapeDtypeStruct((N, NCLS), jnp.float32),
        ],
    )(h, w, b)


def _rank_body(si_ref, sall_ref, pos_ref, neg_ref):
    i = pl.program_id(0)
    si = si_ref[...]
    ii = i * IBLK + lax.broadcasted_iota(jnp.int32, (IBLK, 1), 0)

    def step(c, carry):
        g_acc, e_acc, b_acc = carry
        sj = sall_ref[:, pl.ds(c * JBLK, JBLK)]
        jj = c * JBLK + lax.broadcasted_iota(jnp.int32, (1, JBLK), 1)
        gt = (sj > si)
        eq = (sj == si)
        blt = eq & (jj < ii)
        g_acc = g_acc + jnp.sum(gt.astype(jnp.int32), axis=1, keepdims=True)
        e_acc = e_acc + jnp.sum(eq.astype(jnp.int32), axis=1, keepdims=True)
        b_acc = b_acc + jnp.sum(blt.astype(jnp.int32), axis=1, keepdims=True)
        return g_acc, e_acc, b_acc

    zero = jnp.zeros((IBLK, 1), jnp.int32)
    g, e, bb = lax.fori_loop(0, N // JBLK, step, (zero, zero, zero))
    col = lax.broadcasted_iota(jnp.int32, (IBLK, 4), 1)
    pos_ref[...] = 4 * (g + bb) + col
    neg_ref[...] = 4 * (N - g - e + bb) + col


def _ranks(scores_col, scores_row):
    return pl.pallas_call(
        _rank_body,
        grid=(N // IBLK,),
        in_specs=[
            pl.BlockSpec((IBLK, 1), lambda i: (i, 0)),
            pl.BlockSpec((1, N), lambda i: (0, 0)),
        ],
        out_specs=[
            pl.BlockSpec((IBLK, 4), lambda i: (i, 0)),
            pl.BlockSpec((IBLK, 4), lambda i: (i, 0)),
        ],
        out_shape=[
            jax.ShapeDtypeStruct((N, 4), jnp.int32),
            jax.ShapeDtypeStruct((N, 4), jnp.int32),
        ],
    )(scores_col, scores_row)


@functools.lru_cache(maxsize=None)
def _make_scatter():
    mesh = plsc.VectorSubcoreMesh(core_axis_name="c", subcore_axis_name="s")
    cw = CHUNK * 4
    ng = cw // GRP

    @functools.partial(
        pl.kernel,
        out_type=[
            jax.ShapeDtypeStruct((N * 4,), jnp.float32),
            jax.ShapeDtypeStruct((N * 4,), jnp.float32),
        ],
        mesh=mesh,
        scratch_types=[
            pltpu.VMEM((cw,), jnp.float32),
            pltpu.VMEM((ng, GRP), jnp.int32),
            pltpu.VMEM((ng, GRP), jnp.int32),
            pltpu.SemaphoreType.DMA,
        ],
    )
    def scatter_k(pay_hbm, pr_hbm, nr_hbm, outp_hbm, outn_hbm,
                  pay_v, pidx_v, nidx_v, sem):
        wid = lax.axis_index("s") * 2 + lax.axis_index("c")
        pltpu.sync_copy(pay_hbm.at[pl.ds(wid * cw, cw)], pay_v)
        pltpu.sync_copy(pr_hbm.at[wid], pidx_v)
        pltpu.sync_copy(nr_hbm.at[wid], nidx_v)
        copies = []
        for g in range(ng):
            src = pay_v.at[pl.ds(g * GRP, GRP)]
            copies.append(
                pltpu.async_copy(src, outp_hbm.at[pidx_v.at[g]], sem))
            copies.append(
                pltpu.async_copy(src, outn_hbm.at[nidx_v.at[g]], sem))
        for cp in copies:
            cp.wait()

    return scatter_k


def kernel(bag_label, h, A, W, b):
    scores = lax.dynamic_index_in_dim(A, bag_label, axis=2, keepdims=False)
    scores = scores[:, 0]
    scores_col = scores.reshape(N, 1)
    scores_row = scores.reshape(1, N)

    proj, sm = _proj_softmax(h, W, b.reshape(1, NCLS))
    posrank, negrank = _ranks(scores_col, scores_row)

    payload = jnp.concatenate([proj, sm], axis=1).reshape(N * 4)
    pr = posrank.reshape(NUM_WORKERS, CHUNK * 4 // GRP, GRP)
    nr = negrank.reshape(NUM_WORKERS, CHUNK * 4 // GRP, GRP)
    outp, outn = _make_scatter()(payload, pr, nr)
    outp = outp.reshape(N, 4)
    outn = outn.reshape(N, 4)

    un = jnp.concatenate([outp[:K, :2], outn[:K, :2]], axis=0)
    smx = jnp.concatenate([outp[:K, 2:4], outn[:K, 2:4]], axis=0)
    labels = jnp.concatenate(
        [jnp.ones((K,), jnp.int32), jnp.zeros((K,), jnp.int32)])
    return (labels, un, smx)

# --- scband reference (transcript-rebuilt; emitter-appended) ---
"""Pipeline reference for scband-ins-31559419691549 (READ-ONLY COPY).

The authoritative reference and input builder live on the scoring server;
editing this copy changes nothing except your own understanding.
"""

import jax, jax.numpy as jnp
import numpy as np

DIM = 512
N_CLASS = 2
TOP_K_PERCENT = 0.2
N = 32768


def setup_inputs(seed: int = 0) -> dict:
    key = jax.random.key(seed)
    k1, k2, k3, k4 = jax.random.split(key, 4)
    h = jax.random.normal(k1, (N, DIM), dtype=jnp.float32)
    A = jax.random.normal(k2, (N, 1, N_CLASS), dtype=jnp.float32)
    # learned params of the shared instance-classifier Dense(512 -> 2)
    W = jax.random.normal(k3, (DIM, N_CLASS), dtype=jnp.float32) * (1.0 / np.sqrt(DIM))
    b = jnp.zeros((N_CLASS,), dtype=jnp.float32)
    bag_label = 1
    return {"bag_label": bag_label, "h": h, "A": A, "W": W, "b": b}


def reference(bag_label, h, A, W, b):
    # mut_ex=False: only the in_call branch for class i == bag_label runs.
    n = h.shape[0]
    n_ins = int(TOP_K_PERCENT * n)
    # A_I = [A[j][0][bag_label] for j in range(N)]
    A_I = A[:, 0, bag_label]
    # positive instances: top-k by attention score
    _, pos_ids = jax.lax.top_k(A_I, n_ins)
    # negative instances: top-k of negated scores (i.e. bottom-k)
    _, neg_ids = jax.lax.top_k(-A_I, n_ins)
    top_pos = jnp.take(h, pos_ids, axis=0)
    top_neg = jnp.take(h, neg_ids, axis=0)
    ins_in = jnp.concatenate([top_pos, top_neg], axis=0)  # [2*n_ins, DIM]
    # shared Dense classifier applied per instance
    logits_unnorm = ins_in @ W + b  # [2*n_ins, N_CLASS]
    logits = jax.nn.softmax(logits_unnorm, axis=-1)
    pos_label = jnp.ones((n_ins,), dtype=jnp.int32)
    neg_label = jnp.zeros((n_ins,), dtype=jnp.int32)
    ins_labels = jnp.concatenate([pos_label, neg_label], axis=0)
    return (ins_labels, logits_unnorm, logits)

if __name__ == "__main__":
    import jax
    _d = setup_inputs()
    print(jax.jit(kernel)(*tuple(_d.values())))

</pallas_src>

<mosaic_0001>
#map = affine_map<(d0, d1) -> (0)>
#map1 = affine_map<(d0, d1) -> (0, 0, 0)>
module attributes {stable_mosaic.version = 14 : i64} {
  func.func @scatter_k(%arg0: i32, %arg1: i32, %arg2: memref<131072xf32, #tpu.memory_space<hbm>>, %arg3: memref<32x32x128xi32, #tpu.memory_space<hbm>>, %arg4: memref<32x32x128xi32, #tpu.memory_space<hbm>>, %arg5: memref<131072xf32, #tpu.memory_space<hbm>>, %arg6: memref<131072xf32, #tpu.memory_space<hbm>>, %arg7: memref<4096xf32, #tpu.memory_space<vmem>>, %arg8: memref<32x128xi32, #tpu.memory_space<vmem>>, %arg9: memref<32x128xi32, #tpu.memory_space<vmem>>, %arg10: memref<!tpu.dma_semaphore, #tpu.memory_space<semaphore_mem>>) attributes {dimension_semantics = [#tpu.dimension_semantics<core_parallel>, #tpu.dimension_semantics<subcore_parallel>], iteration_bounds = array<i64: 2, 16>, scalar_prefetch = 0 : i64, scratch_operands = 4 : i64, tpu.core_type = #tpu.core_type<sc_vector_subcore>, window_params = [{transform_indices = #map}, {transform_indices = #map1}, {transform_indices = #map1}, {transform_indices = #map}, {transform_indices = #map}]} {
    %mul3A = arith.constant 2 : i32
    %mul3A_0 = arith.muli %arg1, %mul3A : i32
    %add3A = arith.addi %mul3A_0, %arg0 : i32
    %mul3A_1 = arith.constant 4096 : i32
    %mul3A_2 = arith.muli %add3A, %mul3A_1 : i32
    "tpu.region"() ({
      %run_scoped3A = tpu.sem_alloc : memref<!tpu.dma_semaphore, #tpu.memory_space<semaphore_mem>>
      %dma_start3A_1025 = tpu.memref_slice %arg2[%mul3A_2] : memref<131072xf32, #tpu.memory_space<hbm>> -> memref<4096xf32, #tpu.memory_space<hbm>>
      %dma_start3A_1026 = tpu.memref_slice %arg2[%mul3A_2] : memref<131072xf32, #tpu.memory_space<hbm>> -> memref<4096xf32, #tpu.memory_space<hbm>>
      tpu.enqueue_dma source(%dma_start3A_1026 : memref<4096xf32, #tpu.memory_space<hbm>>) target(%arg7 : memref<4096xf32, #tpu.memory_space<vmem>>) target_semaphore(%run_scoped3A : memref<!tpu.dma_semaphore, #tpu.memory_space<semaphore_mem>>)
      %dma_wait3A_1027 = tpu.memref_slice %arg2[%mul3A_2] : memref<131072xf32, #tpu.memory_space<hbm>> -> memref<4096xf32, #tpu.memory_space<hbm>>
      %dma_wait3A_1028 = tpu.memref_slice %arg2[%mul3A_2] : memref<131072xf32, #tpu.memory_space<hbm>> -> memref<4096xf32, #tpu.memory_space<hbm>>
      tpu.wait_dma2 semaphore(%run_scoped3A : memref<!tpu.dma_semaphore, #tpu.memory_space<semaphore_mem>>) src(%dma_wait3A_1028 : memref<4096xf32, #tpu.memory_space<hbm>>) dst(%arg7 : memref<4096xf32, #tpu.memory_space<vmem>>)
      tpu.yield
    }) : () -> ()
    "tpu.region"() ({
      %run_scoped3A = tpu.sem_alloc : memref<!tpu.dma_semaphore, #tpu.memory_space<semaphore_mem>>
      %dma_start3A_1025 = arith.constant 0 : i32
      %dma_start3A_1026 = arith.constant 0 : i32
      %dma_start3A_1027 = tpu.memref_slice %arg3[%add3A, %dma_start3A_1025, %dma_start3A_1026] : memref<32x32x128xi32, #tpu.memory_space<hbm>> -> memref<1x32x128xi32, #tpu.memory_space<hbm>>
      %dma_start3A_1028 = tpu.memref_squeeze %dma_start3A_1027 : memref<1x32x128xi32, #tpu.memory_space<hbm>> -> memref<32x128xi32, #tpu.memory_space<hbm>>
      %dma_start3A_1029 = arith.constant 0 : i32
      %dma_start3A_1030 = arith.constant 0 : i32
      %dma_start3A_1031 = tpu.memref_slice %arg3[%add3A, %dma_start3A_1029, %dma_start3A_1030] : memref<32x32x128xi32, #tpu.memory_space<hbm>> -> memref<1x32x128xi32, #tpu.memory_space<hbm>>
      %dma_start3A_1032 = tpu.memref_squeeze %dma_start3A_1031 : memref<1x32x128xi32, #tpu.memory_space<hbm>> -> memref<32x128xi32, #tpu.memory_space<hbm>>
      tpu.enqueue_dma source(%dma_start3A_1032 : memref<32x128xi32, #tpu.memory_space<hbm>>) target(%arg8 : memref<32x128xi32, #tpu.memory_space<vmem>>) target_semaphore(%run_scoped3A : memref<!tpu.dma_semaphore, #tpu.memory_space<semaphore_mem>>)
      %dma_wait3A_1033 = arith.constant 0 : i32
      %dma_wait3A_1034 = arith.constant 0 : i32
      %dma_wait3A_1035 = tpu.memref_slice %arg3[%add3A, %dma_wait3A_1033, %dma_wait3A_1034] : memref<32x32x128xi32, #tpu.memory_space<hbm>> -> memref<1x32x128xi32, #tpu.memory_space<hbm>>
      %dma_wait3A_1036 = tpu.memref_squeeze %dma_wait3A_1035 : memref<1x32x128xi32, #tpu.memory_space<hbm>> -> memref<32x128xi32, #tpu.memory_space<hbm>>
      %dma_wait3A_1037 = arith.constant 0 : i32
      %dma_wait3A_1038 = arith.constant 0 : i32
      %dma_wait3A_1039 = tpu.memref_slice %arg3[%add3A, %dma_wait3A_1037, %dma_wait3A_1038] : memref<32x32x128xi32, #tpu.memory_space<hbm>> -> memref<1x32x128xi32, #tpu.memory_space<hbm>>
      %dma_wait3A_1040 = tpu.memref_squeeze %dma_wait3A_1039 : memref<1x32x128xi32, #tpu.memory_space<hbm>> -> memref<32x128xi32, #tpu.memory_space<hbm>>
      tpu.wait_dma2 semaphore(%run_scoped3A : memref<!tpu.dma_semaphore, #tpu.memory_space<semaphore_mem>>) src(%dma_wait3A_1040 : memref<32x128xi32, #tpu.memory_space<hbm>>) dst(%arg8 : memref<32x128xi32, #tpu.memory_space<vmem>>)
      tpu.yield
    }) : () -> ()
    "tpu.region"() ({
      %run_scoped3A = tpu.sem_alloc : memref<!tpu.dma_semaphore, #tpu.memory_space<semaphore_mem>>
      %dma_start3A_1025 = arith.constant 0 : i32
      %dma_start3A_1026 = arith.constant 0 : i32
      %dma_start3A_1027 = tpu.memref_slice %arg4[%add3A, %dma_start3A_1025, %dma_start3A_1026] : memref<32x32x128xi32, #tpu.memory_space<hbm>> -> memref<1x32x128xi32, #tpu.memory_space<hbm>>
      %dma_start3A_1028 = tpu.memref_squeeze %dma_start3A_1027 : memref<1x32x128xi32, #tpu.memory_space<hbm>> -> memref<32x128xi32, #tpu.memory_space<hbm>>
      %dma_start3A_1029 = arith.constant 0 : i32
      %dma_start3A_1030 = arith.constant 0 : i32
      %dma_start3A_1031 = tpu.memref_slice %arg4[%add3A, %dma_start3A_1029, %dma_start3A_1030] : memref<32x32x128xi32, #tpu.memory_space<hbm>> -> memref<1x32x128xi32, #tpu.memory_space<hbm>>
      %dma_start3A_1032 = tpu.memref_squeeze %dma_start3A_1031 : memref<1x32x128xi32, #tpu.memory_space<hbm>> -> memref<32x128xi32, #tpu.memory_space<hbm>>
      tpu.enqueue_dma source(%dma_start3A_1032 : memref<32x128xi32, #tpu.memory_space<hbm>>) target(%arg9 : memref<32x128xi32, #tpu.memory_space<vmem>>) target_semaphore(%run_scoped3A : memref<!tpu.dma_semaphore, #tpu.memory_space<semaphore_mem>>)
      %dma_wait3A_1033 = arith.constant 0 : i32
      %dma_wait3A_1034 = arith.constant 0 : i32
      %dma_wait3A_1035 = tpu.memref_slice %arg4[%add3A, %dma_wait3A_1033, %dma_wait3A_1034] : memref<32x32x128xi32, #tpu.memory_space<hbm>> -> memref<1x32x128xi32, #tpu.memory_space<hbm>>
      %dma_wait3A_1036 = tpu.memref_squeeze %dma_wait3A_1035 : memref<1x32x128xi32, #tpu.memory_space<hbm>> -> memref<32x128xi32, #tpu.memory_space<hbm>>
      %dma_wait3A_1037 = arith.constant 0 : i32
      %dma_wait3A_1038 = arith.constant 0 : i32
      %dma_wait3A_1039 = tpu.memref_slice %arg4[%add3A, %dma_wait3A_1037, %dma_wait3A_1038] : memref<32x32x128xi32, #tpu.memory_space<hbm>> -> memref<1x32x128xi32, #tpu.memory_space<hbm>>
      %dma_wait3A_1040 = tpu.memref_squeeze %dma_wait3A_1039 : memref<1x32x128xi32, #tpu.memory_space<hbm>> -> memref<32x128xi32, #tpu.memory_space<hbm>>
      tpu.wait_dma2 semaphore(%run_scoped3A : memref<!tpu.dma_semaphore, #tpu.memory_space<semaphore_mem>>) src(%dma_wait3A_1040 : memref<32x128xi32, #tpu.memory_space<hbm>>) dst(%arg9 : memref<32x128xi32, #tpu.memory_space<vmem>>)
      tpu.yield
    }) : () -> ()
    %dma_start3A = arith.constant 0 : i32
    %dma_start3A_3 = arith.constant 0 : i32
    %dma_start3A_4 = tpu.memref_slice %arg7[%dma_start3A_3] : memref<4096xf32, #tpu.memory_space<vmem>> -> memref<128xf32, #tpu.memory_space<vmem>>
    %dma_start3A_5 = arith.constant 0 : i32
    %dma_start3A_6 = tpu.memref_slice %arg8[%dma_start3A, %dma_start3A_5] : memref<32x128xi32, #tpu.memory_space<vmem>> -> memref<1x128xi32, #tpu.memory_space<vmem>>
    %dma_start3A_7 = tpu.memref_squeeze %dma_start3A_6 : memref<1x128xi32, #tpu.memory_space<vmem>> -> memref<128xi32, #tpu.memory_space<vmem>>
    %dma_start3A_8 = arith.constant 0 : i32
    %dma_start3A_9 = tpu.memref_slice %arg5[%dma_start3A_8] : memref<131072xf32, #tpu.memory_space<hbm>> -> memref<131072xf32, #tpu.memory_space<hbm>>
    tpu.enqueue_indirect_dma source(%dma_start3A_4 : memref<128xf32, #tpu.memory_space<vmem>>) target(%dma_start3A_9 : memref<131072xf32, #tpu.memory_space<hbm>>) offsets(%dma_start3A_7 : memref<128xi32, #tpu.memory_space<vmem>>) semaphore(%arg10 : memref<!tpu.dma_semaphore, #tpu.memory_space<semaphore_mem>>)
    %dma_start3A_10 = arith.constant 0 : i32
    %dma_start3A_11 = arith.constant 0 : i32
    %dma_start3A_12 = tpu.memref_slice %arg7[%dma_start3A_11] : memref<4096xf32, #tpu.memory_space<vmem>> -> memref<128xf32, #tpu.memory_space<vmem>>
    %dma_start3A_13 = arith.constant 0 : i32
    %dma_start3A_14 = tpu.memref_slice %arg9[%dma_start3A_10, %dma_start3A_13] : memref<32x128xi32, #tpu.memory_space<vmem>> -> memref<1x128xi32, #tpu.memory_space<vmem>>
    %dma_start3A_15 = tpu.memref_squeeze %dma_start3A_14 : memref<1x128xi32, #tpu.memory_space<vmem>> -> memref<128xi32, #tpu.memory_space<vmem>>
    %dma_start3A_16 = arith.constant 0 : i32
    %dma_start3A_17 = tpu.memref_slice %arg6[%dma_start3A_16] : memref<131072xf32, #tpu.memory_space<hbm>> -> memref<131072xf32, #tpu.memory_space<hbm>>
    tpu.enqueue_indirect_dma source(%dma_start3A_12 : memref<128xf32, #tpu.memory_space<vmem>>) target(%dma_start3A_17 : memref<131072xf32, #tpu.memory_space<hbm>>) offsets(%dma_start3A_15 : memref<128xi32, #tpu.memory_space<vmem>>) semaphore(%arg10 : memref<!tpu.dma_semaphore, #tpu.memory_space<semaphore_mem>>)
    %dma_start3A_18 = arith.constant 1 : i32
    %dma_start3A_19 = arith.constant 128 : i32
    %dma_start3A_20 = tpu.memref_slice %arg7[%dma_start3A_19] : memref<4096xf32, #tpu.memory_space<vmem>> -> memref<128xf32, #tpu.memory_space<vmem>>
    %dma_start3A_21 = arith.constant 0 : i32
    %dma_start3A_22 = tpu.memref_slice %arg8[%dma_start3A_18, %dma_start3A_21] : memref<32x128xi32, #tpu.memory_space<vmem>> -> memref<1x128xi32, #tpu.memory_space<vmem>>
    %dma_start3A_23 = tpu.memref_squeeze %dma_start3A_22 : memref<1x128xi32, #tpu.memory_space<vmem>> -> memref<128xi32, #tpu.memory_space<vmem>>
    %dma_start3A_24 = arith.constant 0 : i32
    %dma_start3A_25 = tpu.memref_slice %arg5[%dma_start3A_24] : memref<131072xf32, #tpu.memory_space<hbm>> -> memref<131072xf32, #tpu.memory_space<hbm>>
    tpu.enqueue_indirect_dma source(%dma_start3A_20 : memref<128xf32, #tpu.memory_space<vmem>>) target(%dma_start3A_25 : memref<131072xf32, #tpu.memory_space<hbm>>) offsets(%dma_start3A_23 : memref<128xi32, #tpu.memory_space<vmem>>) semaphore(%arg10 : memref<!tpu.dma_semaphore, #tpu.memory_space<semaphore_mem>>)
    %dma_start3A_26 = arith.constant 1 : i32
    %dma_start3A_27 = arith.constant 128 : i32
    %dma_start3A_28 = tpu.memref_slice %arg7[%dma_start3A_27] : memref<4096xf32, #tpu.memory_space<vmem>> -> memref<128xf32, #tpu.memory_space<vmem>>
    %dma_start3A_29 = arith.constant 0 : i32
    %dma_start3A_30 = tpu.memref_slice %arg9[%dma_start3A_26, %dma_start3A_29] : memref<32x128xi32, #tpu.memory_space<vmem>> -> memref<1x128xi32, #tpu.memory_space<vmem>>
    %dma_start3A_31 = tpu.memref_squeeze %dma_start3A_30 : memref<1x128xi32, #tpu.memory_space<vmem>> -> memref<128xi32, #tpu.memory_space<vmem>>
    %dma_start3A_32 = arith.constant 0 : i32
    %dma_start3A_33 = tpu.memref_slice %arg6[%dma_start3A_32] : memref<131072xf32, #tpu.memory_space<hbm>> -> memref<131072xf32, #tpu.memory_space<hbm>>
    tpu.enqueue_indirect_dma source(%dma_start3A_28 : memref<128xf32, #tpu.memory_space<vmem>>) target(%dma_start3A_33 : memref<131072xf32, #tpu.memory_space<hbm>>) offsets(%dma_start3A_31 : memref<128xi32, #tpu.memory_space<vmem>>) semaphore(%arg10 : memref<!tpu.dma_semaphore, #tpu.memory_space<semaphore_mem>>)
    %dma_start3A_34 = arith.constant 2 : i32
    %dma_start3A_35 = arith.constant 256 : i32
    %dma_start3A_36 = tpu.memref_slice %arg7[%dma_start3A_35] : memref<4096xf32, #tpu.memory_space<vmem>> -> memref<128xf32, #tpu.memory_space<vmem>>
    %dma_start3A_37 = arith.constant 0 : i32
    %dma_start3A_38 = tpu.memref_slice %arg8[%dma_start3A_34, %dma_start3A_37] : memref<32x128xi32, #tpu.memory_space<vmem>> -> memref<1x128xi32, #tpu.memory_space<vmem>>
    %dma_start3A_39 = tpu.memref_squeeze %dma_start3A_38 : memref<1x128xi32, #tpu.memory_space<vmem>> -> memref<128xi32, #tpu.memory_space<vmem>>
    %dma_start3A_40 = arith.constant 0 : i32
    %dma_start3A_41 = tpu.memref_slice %arg5[%dma_start3A_40] : memref<131072xf32, #tpu.memory_space<hbm>> -> memref<131072xf32, #tpu.memory_space<hbm>>
    tpu.enqueue_indirect_dma source(%dma_start3A_36 : memref<128xf32, #tpu.memory_space<vmem>>) target(%dma_start3A_41 : memref<131072xf32, #tpu.memory_space<hbm>>) offsets(%dma_start3A_39 : memref<128xi32, #tpu.memory_space<vmem>>) semaphore(%arg10 : memref<!tpu.dma_semaphore, #tpu.memory_space<semaphore_mem>>)
    %dma_start3A_42 = arith.constant 2 : i32
    %dma_start3A_43 = arith.constant 256 : i32
    %dma_start3A_44 = tpu.memref_slice %arg7[%dma_start3A_43] : memref<4096xf32, #tpu.memory_space<vmem>> -> memref<128xf32, #tpu.memory_space<vmem>>
    %dma_start3A_45 = arith.constant 0 : i32
    %dma_start3A_46 = tpu.memref_slice %arg9[%dma_start3A_42, %dma_start3A_45] : memref<32x128xi32, #tpu.memory_space<vmem>> -> memref<1x128xi32, #tpu.memory_space<vmem>>
    %dma_start3A_47 = tpu.memref_squeeze %dma_start3A_46 : memref<1x128xi32, #tpu.memory_space<vmem>> -> memref<128xi32, #tpu.memory_space<vmem>>
    %dma_start3A_48 = arith.constant 0 : i32
    %dma_start3A_49 = tpu.memref_slice %arg6[%dma_start3A_48] : memref<131072xf32, #tpu.memory_space<hbm>> -> memref<131072xf32, #tpu.memory_space<hbm>>
    tpu.enqueue_indirect_dma source(%dma_start3A_44 : memref<128xf32, #tpu.memory_space<vmem>>) target(%dma_start3A_49 : memref<131072xf32, #tpu.memory_space<hbm>>) offsets(%dma_start3A_47 : memref<128xi32, #tpu.memory_space<vmem>>) semaphore(%arg10 : memref<!tpu.dma_semaphore, #tpu.memory_space<semaphore_mem>>)
    %dma_start3A_50 = arith.constant 3 : i32
    %dma_start3A_51 = arith.constant 384 : i32
    %dma_start3A_52 = tpu.memref_slice %arg7[%dma_start3A_51] : memref<4096xf32, #tpu.memory_space<vmem>> -> memref<128xf32, #tpu.memory_space<vmem>>
    %dma_start3A_53 = arith.constant 0 : i32
    %dma_start3A_54 = tpu.memref_slice %arg8[%dma_start3A_50, %dma_start3A_53] : memref<32x128xi32, #tpu.memory_space<vmem>> -> memref<1x128xi32, #tpu.memory_space<vmem>>
    %dma_start3A_55 = tpu.memref_squeeze %dma_start3A_54 : memref<1x128xi32, #tpu.memory_space<vmem>> -> memref<128xi32, #tpu.memory_space<vmem>>
    %dma_start3A_56 = arith.constant 0 : i32
    %dma_start3A_57 = tpu.memref_slice %arg5[%dma_start3A_56] : memref<131072xf32, #tpu.memory_space<hbm>> -> memref<131072xf32, #tpu.memory_space<hbm>>
    tpu.enqueue_indirect_dma source(%dma_start3A_52 : memref<128xf32, #tpu.memory_space<vmem>>) target(%dma_start3A_57 : memref<131072xf32, #tpu.memory_space<hbm>>) offsets(%dma_start3A_55 : memref<128xi32, #tpu.memory_space<vmem>>) semaphore(%arg10 : memref<!tpu.dma_semaphore, #tpu.memory_space<semaphore_mem>>)
    %dma_start3A_58 = arith.constant 3 : i32
    %dma_start3A_59 = arith.constant 384 : i32
    %dma_start3A_60 = tpu.memref_slice %arg7[%dma_start3A_59] : memref<4096xf32, #tpu.memory_space<vmem>> -> memref<128xf32, #tpu.memory_space<vmem>>
    %dma_start3A_61 = arith.constant 0 : i32
    %dma_start3A_62 = tpu.memref_slice %arg9[%dma_start3A_58, %dma_start3A_61] : memref<32x128xi32, #tpu.memory_space<vmem>> -> memref<1x128xi32, #tpu.memory_space<vmem>>
    %dma_start3A_63 = tpu.memref_squeeze %dma_start3A_62 : memref<1x128xi32, #tpu.memory_space<vmem>> -> memref<128xi32, #tpu.memory_space<vmem>>
    %dma_start3A_64 = arith.constant 0 : i32
    %dma_start3A_65 = tpu.memref_slice %arg6[%dma_start3A_64] : memref<131072xf32, #tpu.memory_space<hbm>> -> memref<131072xf32, #tpu.memory_space<hbm>>
    tpu.enqueue_indirect_dma source(%dma_start3A_60 : memref<128xf32, #tpu.memory_space<vmem>>) target(%dma_start3A_65 : memref<131072xf32, #tpu.memory_space<hbm>>) offsets(%dma_start3A_63 : memref<128xi32, #tpu.memory_space<vmem>>) semaphore(%arg10 : memref<!tpu.dma_semaphore, #tpu.memory_space<semaphore_mem>>)
    %dma_start3A_66 = arith.constant 4 : i32
    %dma_start3A_67 = arith.constant 512 : i32
    %dma_start3A_68 = tpu.memref_slice %arg7[%dma_start3A_67] : memref<4096xf32, #tpu.memory_space<vmem>> -> memref<128xf32, #tpu.memory_space<vmem>>
    %dma_start3A_69 = arith.constant 0 : i32
    %dma_start3A_70 = tpu.memref_slice %arg8[%dma_start3A_66, %dma_start3A_69] : memref<32x128xi32, #tpu.memory_space<vmem>> -> memref<1x128xi32, #tpu.memory_space<vmem>>
    %dma_start3A_71 = tpu.memref_squeeze %dma_start3A_70 : memref<1x128xi32, #tpu.memory_space<vmem>> -> memref<128xi32, #tpu.memory_space<vmem>>
    %dma_start3A_72 = arith.constant 0 : i32
    %dma_start3A_73 = tpu.memref_slice %arg5[%dma_start3A_72] : memref<131072xf32, #tpu.memory_space<hbm>> -> memref<131072xf32, #tpu.memory_space<hbm>>
    tpu.enqueue_indirect_dma source(%dma_start3A_68 : memref<128xf32, #tpu.memory_space<vmem>>) target(%dma_start3A_73 : memref<131072xf32, #tpu.memory_space<hbm>>) offsets(%dma_start3A_71 : memref<128xi32, #tpu.memory_space<vmem>>) semaphore(%arg10 : memref<!tpu.dma_semaphore, #tpu.memory_space<semaphore_mem>>)
    %dma_start3A_74 = arith.constant 4 : i32
    %dma_start3A_75 = arith.constant 512 : i32
    %dma_start3A_76 = tpu.memref_slice %arg7[%dma_start3A_75] : memref<4096xf32, #tpu.memory_space<vmem>> -> memref<128xf32, #tpu.memory_space<vmem>>
    %dma_start3A_77 = arith.constant 0 : i32
    %dma_start3A_78 = tpu.memref_slice %arg9[%dma_start3A_74, %dma_start3A_77] : memref<32x128xi32, #tpu.memory_space<vmem>> -> memref<1x128xi32, #tpu.memory_space<vmem>>
    %dma_start3A_79 = tpu.memref_squeeze %dma_start3A_78 : memref<1x128xi32, #tpu.memory_space<vmem>> -> memref<128xi32, #tpu.memory_space<vmem>>
    %dma_start3A_80 = arith.constant 0 : i32
    %dma_start3A_81 = tpu.memref_slice %arg6[%dma_start3A_80] : memref<131072xf32, #tpu.memory_space<hbm>> -> memref<131072xf32, #tpu.memory_space<hbm>>
    tpu.enqueue_indirect_dma source(%dma_start3A_76 : memref<128xf32, #tpu.memory_space<vmem>>) target(%dma_start3A_81 : memref<131072xf32, #tpu.memory_space<hbm>>) offsets(%dma_start3A_79 : memref<128xi32, #tpu.memory_space<vmem>>) semaphore(%arg10 : memref<!tpu.dma_semaphore, #tpu.memory_space<semaphore_mem>>)
    %dma_start3A_82 = arith.constant 5 : i32
    %dma_start3A_83 = arith.constant 640 : i32
    %dma_start3A_84 = tpu.memref_slice %arg7[%dma_start3A_83] : memref<4096xf32, #tpu.memory_space<vmem>> -> memref<128xf32, #tpu.memory_space<vmem>>
    %dma_start3A_85 = arith.constant 0 : i32
    %dma_start3A_86 = tpu.memref_slice %arg8[%dma_start3A_82, %dma_start3A_85] : memref<32x128xi32, #tpu.memory_space<vmem>> -> memref<1x128xi32, #tpu.memory_space<vmem>>
    %dma_start3A_87 = tpu.memref_squeeze %dma_start3A_86 : memref<1x128xi32, #tpu.memory_space<vmem>> -> memref<128xi32, #tpu.memory_space<vmem>>
    %dma_start3A_88 = arith.constant 0 : i32
    %dma_start3A_89 = tpu.memref_slice %arg5[%dma_start3A_88] : memref<131072xf32, #tpu.memory_space<hbm>> -> memref<131072xf32, #tpu.memory_space<hbm>>
    tpu.enqueue_indirect_dma source(%dma_start3A_84 : memref<128xf32, #tpu.memory_space<vmem>>) target(%dma_start3A_89 : memref<131072xf32, #tpu.memory_space<hbm>>) offsets(%dma_start3A_87 : memref<128xi32, #tpu.memory_space<vmem>>) semaphore(%arg10 : memref<!tpu.dma_semaphore, #tpu.memory_space<semaphore_mem>>)
    %dma_start3A_90 = arith.constant 5 : i32
    %dma_start3A_91 = arith.constant 640 : i32
    %dma_start3A_92 = tpu.memref_slice %arg7[%dma_start3A_91] : memref<4096xf32, #tpu.memory_space<vmem>> -> memref<128xf32, #tpu.memory_space<vmem>>
    %dma_start3A_93 = arith.constant 0 : i32
    %dma_start3A_94 = tpu.memref_slice %arg9[%dma_start3A_90, %dma_start3A_93] : memref<32x128xi32, #tpu.memory_space<vmem>> -> memref<1x128xi32, #tpu.memory_space<vmem>>
    %dma_start3A_95 = tpu.memref_squeeze %dma_start3A_94 : memref<1x128xi32, #tpu.memory_space<vmem>> -> memref<128xi32, #tpu.memory_space<vmem>>
    %dma_start3A_96 = arith.constant 0 : i32
    %dma_start3A_97 = tpu.memref_slice %arg6[%dma_start3A_96] : memref<131072xf32, #tpu.memory_space<hbm>> -> memref<131072xf32, #tpu.memory_space<hbm>>
    tpu.enqueue_indirect_dma source(%dma_start3A_92 : memref<128xf32, #tpu.memory_space<vmem>>) target(%dma_start3A_97 : memref<131072xf32, #tpu.memory_space<hbm>>) offsets(%dma_start3A_95 : memref<128xi32, #tpu.memory_space<vmem>>) semaphore(%arg10 : memref<!tpu.dma_semaphore, #tpu.memory_space<semaphore_mem>>)
    %dma_start3A_98 = arith.constant 6 : i32
    %dma_start3A_99 = arith.constant 768 : i32
    %dma_start3A_100 = tpu.memref_slice %arg7[%dma_start3A_99] : memref<4096xf32, #tpu.memory_space<vmem>> -> memref<128xf32, #tpu.memory_space<vmem>>
    %dma_start3A_101 = arith.constant 0 : i32
    %dma_start3A_102 = tpu.memref_slice %arg8[%dma_start3A_98, %dma_start3A_101] : memref<32x128xi32, #tpu.memory_space<vmem>> -> memref<1x128xi32, #tpu.memory_space<vmem>>
    %dma_start3A_103 = tpu.memref_squeeze %dma_start3A_102 : memref<1x128xi32, #tpu.memory_space<vmem>> -> memref<128xi32, #tpu.memory_space<vmem>>
    %dma_start3A_104 = arith.constant 0 : i32
    %dma_start3A_105 = tpu.memref_slice %arg5[%dma_start3A_104] : memref<131072xf32, #tpu.memory_space<hbm>> -> memref<131072xf32, #tpu.memory_space<hbm>>
    tpu.enqueue_indirect_dma source(%dma_start3A_100 : memref<128xf32, #tpu.memory_space<vmem>>) target(%dma_start3A_105 : memref<131072xf32, #tpu.memory_space<hbm>>) offsets(%dma_start3A_103 : memref<128xi32, #tpu.memory_space<vmem>>) semaphore(%arg10 : memref<!tpu.dma_semaphore, #tpu.memory_space<semaphore_mem>>)
    %dma_start3A_106 = arith.constant 6 : i32
    %dma_start3A_107 = arith.constant 768 : i32
    %dma_start3A_108 = tpu.memref_slice %arg7[%dma_start3A_107] : memref<4096xf32, #tpu.memory_space<vmem>> -> memref<128xf32, #tpu.memory_space<vmem>>
    %dma_start3A_109 = arith.constant 0 : i32
    %dma_start3A_110 = tpu.memref_slice %arg9[%dma_start3A_106, %dma_start3A_109] : memref<32x128xi32, #tpu.memory_space<vmem>> -> memref<1x128xi32, #tpu.memory_space<vmem>>
    %dma_start3A_111 = tpu.memref_squeeze %dma_start3A_110 : memref<1x128xi32, #tpu.memory_space<vmem>> -> memref<128xi32, #tpu.memory_space<vmem>>
    %dma_start3A_112 = arith.constant 0 : i32
    %dma_start3A_113 = tpu.memref_slice %arg6[%dma_start3A_112] : memref<131072xf32, #tpu.memory_space<hbm>> -> memref<131072xf32, #tpu.memory_space<hbm>>
    tpu.enqueue_indirect_dma source(%dma_start3A_108 : memref<128xf32, #tpu.memory_space<vmem>>) target(%dma_start3A_113 : memref<131072xf32, #tpu.memory_space<hbm>>) offsets(%dma_start3A_111 : memref<128xi32, #tpu.memory_space<vmem>>) semaphore(%arg10 : memref<!tpu.dma_semaphore, #tpu.memory_space<semaphore_mem>>)
    %dma_start3A_114 = arith.constant 7 : i32
    %dma_start3A_115 = arith.constant 896 : i32
    %dma_start3A_116 = tpu.memref_slice %arg7[%dma_start3A_115] : memref<4096xf32, #tpu.memory_space<vmem>> -> memref<128xf32, #tpu.memory_space<vmem>>
    %dma_start3A_117 = arith.constant 0 : i32
    %dma_start3A_118 = tpu.memref_slice %arg8[%dma_start3A_114, %dma_start3A_117] : memref<32x128xi32, #tpu.memory_space<vmem>> -> memref<1x128xi32, #tpu.memory_space<vmem>>
    %dma_start3A_119 = tpu.memref_squeeze %dma_start3A_118 : memref<1x128xi32, #tpu.memory_space<vmem>> -> memref<128xi32, #tpu.memory_space<vmem>>
    %dma_start3A_120 = arith.constant 0 : i32
    %dma_start3A_121 = tpu.memref_slice %arg5[%dma_start3A_120] : memref<131072xf32, #tpu.memory_space<hbm>> -> memref<131072xf32, #tpu.memory_space<hbm>>
    tpu.enqueue_indirect_dma source(%dma_start3A_116 : memref<128xf32, #tpu.memory_space<vmem>>) target(%dma_start3A_121 : memref<131072xf32, #tpu.memory_space<hbm>>) offsets(%dma_start3A_119 : memref<128xi32, #tpu.memory_space<vmem>>) semaphore(%arg10 : memref<!tpu.dma_semaphore, #tpu.memory_space<semaphore_mem>>)
    %dma_start3A_122 = arith.constant 7 : i32
    %dma_start3A_123 = arith.constant 896 : i32
    %dma_start3A_124 = tpu.memref_slice %arg7[%dma_start3A_123] : memref<4096xf32, #tpu.memory_space<vmem>> -> memref<128xf32, #tpu.memory_space<vmem>>
    %dma_start3A_125 = arith.constant 0 : i32
    %dma_start3A_126 = tpu.memref_slice %arg9[%dma_start3A_122, %dma_start3A_125] : memref<32x128xi32, #tpu.memory_space<vmem>> -> memref<1x128xi32, #tpu.memory_space<vmem>>
    %dma_start3A_127 = tpu.memref_squeeze %dma_start3A_126 : memref<1x128xi32, #tpu.memory_space<vmem>> -> memref<128xi32, #tpu.memory_space<vmem>>
    %dma_start3A_128 = arith.constant 0 : i32
    %dma_start3A_129 = tpu.memref_slice %arg6[%dma_start3A_128] : memref<131072xf32, #tpu.memory_space<hbm>> -> memref<131072xf32, #tpu.memory_space<hbm>>
    tpu.enqueue_indirect_dma source(%dma_start3A_124 : memref<128xf32, #tpu.memory_space<vmem>>) target(%dma_start3A_129 : memref<131072xf32, #tpu.memory_space<hbm>>) offsets(%dma_start3A_127 : memref<128xi32, #tpu.memory_space<vmem>>) semaphore(%arg10 : memref<!tpu.dma_semaphore, #tpu.memory_space<semaphore_mem>>)
    %dma_start3A_130 = arith.constant 8 : i32
    %dma_start3A_131 = arith.constant 1024 : i32
    %dma_start3A_132 = tpu.memref_slice %arg7[%dma_start3A_131] : memref<4096xf32, #tpu.memory_space<vmem>> -> memref<128xf32, #tpu.memory_space<vmem>>
    %dma_start3A_133 = arith.constant 0 : i32
    %dma_start3A_134 = tpu.memref_slice %arg8[%dma_start3A_130, %dma_start3A_133] : memref<32x128xi32, #tpu.memory_space<vmem>> -> memref<1x128xi32, #tpu.memory_space<vmem>>
    %dma_start3A_135 = tpu.memref_squeeze %dma_start3A_134 : memref<1x128xi32, #tpu.memory_space<vmem>> -> memref<128xi32, #tpu.memory_space<vmem>>
    %dma_start3A_136 = arith.constant 0 : i32
    %dma_start3A_137 = tpu.memref_slice %arg5[%dma_start3A_136] : memref<131072xf32, #tpu.memory_space<hbm>> -> memref<131072xf32, #tpu.memory_space<hbm>>
    tpu.enqueue_indirect_dma source(%dma_start3A_132 : memref<128xf32, #tpu.memory_space<vmem>>) target(%dma_start3A_137 : memref<131072xf32, #tpu.memory_space<hbm>>) offsets(%dma_start3A_135 : memref<128xi32, #tpu.memory_space<vmem>>) semaphore(%arg10 : memref<!tpu.dma_semaphore, #tpu.memory_space<semaphore_mem>>)
    %dma_start3A_138 = arith.constant 8 : i32
    %dma_start3A_139 = arith.constant 1024 : i32
    %dma_start3A_140 = tpu.memref_slice %arg7[%dma_start3A_139] : memref<4096xf32, #tpu.memory_space<vmem>> -> memref<128xf32, #tpu.memory_space<vmem>>
    %dma_start3A_141 = arith.constant 0 : i32
    %dma_start3A_142 = tpu.memref_slice %arg9[%dma_start3A_138, %dma_start3A_141] : memref<32x128xi32, #tpu.memory_space<vmem>> -> memref<1x128xi32, #tpu.memory_space<vmem>>
    %dma_start3A_143 = tpu.memref_squeeze %dma_start3A_142 : memref<1x128xi32, #tpu.memory_space<vmem>> -> memref<128xi32, #tpu.memory_space<vmem>>
    %dma_start3A_144 = arith.constant 0 : i32
    %dma_start3A_145 = tpu.memref_slice %arg6[%dma_start3A_144] : memref<131072xf32, #tpu.memory_space<hbm>> -> memref<131072xf32, #tpu.memory_space<hbm>>
    tpu.enqueue_indirect_dma source(%dma_start3A_140 : memref<128xf32, #tpu.memory_space<vmem>>) target(%dma_start3A_145 : memref<131072xf32, #tpu.memory_space<hbm>>) offsets(%dma_start3A_143 : memref<128xi32, #tpu.memory_space<vmem>>) semaphore(%arg10 : memref<!tpu.dma_semaphore, #tpu.memory_space<semaphore_mem>>)
    %dma_start3A_146 = arith.constant 9 : i32
    %dma_start3A_147 = arith.constant 1152 : i32
    %dma_start3A_148 = tpu.memref_slice %arg7[%dma_start3A_147] : memref<4096xf32, #tpu.memory_space<vmem>> -> memref<128xf32, #tpu.memory_space<vmem>>
    %dma_start3A_149 = arith.constant 0 : i32
    %dma_start3A_150 = tpu.memref_slice %arg8[%dma_start3A_146, %dma_start3A_149] : memref<32x128xi32, #tpu.memory_space<vmem>> -> memref<1x128xi32, #tpu.memory_space<vmem>>
    %dma_start3A_151 = tpu.memref_squeeze %dma_start3A_150 : memref<1x128xi32, #tpu.memory_space<vmem>> -> memref<128xi32, #tpu.memory_space<vmem>>
    %dma_start3A_152 = arith.constant 0 : i32
    %dma_start3A_153 = tpu.memref_slice %arg5[%dma_start3A_152] : memref<131072xf32, #tpu.memory_space<hbm>> -> memref<131072xf32, #tpu.memory_space<hbm>>
    tpu.enqueue_indirect_dma source(%dma_start3A_148 : memref<128xf32, #tpu.memory_space<vmem>>) target(%dma_start3A_153 : memref<131072xf32, #tpu.memory_space<hbm>>) offsets(%dma_start3A_151 : memref<128xi32, #tpu.memory_space<vmem>>) semaphore(%arg10 : memref<!tpu.dma_semaphore, #tpu.memory_space<semaphore_mem>>)
    %dma_start3A_154 = arith.constant 9 : i32
    %dma_start3A_155 = arith.constant 1152 : i32
    %dma_start3A_156 = tpu.memref_slice %arg7[%dma_start3A_155] : memref<4096xf32, #tpu.memory_space<vmem>> -> memref<128xf32, #tpu.memory_space<vmem>>
    %dma_start3A_157 = arith.constant 0 : i32
    %dma_start3A_158 = tpu.memref_slice %arg9[%dma_start3A_154, %dma_start3A_157] : memref<32x128xi32, #tpu.memory_space<vmem>> -> memref<1x128xi32, #tpu.memory_space<vmem>>
    %dma_start3A_159 = tpu.memref_squeeze %dma_start3A_158 : memref<1x128xi32, #tpu.memory_space<vmem>> -> memref<128xi32, #tpu.memory_space<vmem>>
    %dma_start3A_160 = arith.constant 0 : i32
    %dma_start3A_161 = tpu.memref_slice %arg6[%dma_start3A_160] : memref<131072xf32, #tpu.memory_space<hbm>> -> memref<131072xf32, #tpu.memory_space<hbm>>
    tpu.enqueue_indirect_dma source(%dma_start3A_156 : memref<128xf32, #tpu.memory_space<vmem>>) target(%dma_start3A_161 : memref<131072xf32, #tpu.memory_space<hbm>>) offsets(%dma_start3A_159 : memref<128xi32, #tpu.memory_space<vmem>>) semaphore(%arg10 : memref<!tpu.dma_semaphore, #tpu.memory_space<semaphore_mem>>)
    %dma_start3A_162 = arith.constant 10 : i32
    %dma_start3A_163 = arith.constant 1280 : i32
    %dma_start3A_164 = tpu.memref_slice %arg7[%dma_start3A_163] : memref<4096xf32, #tpu.memory_space<vmem>> -> memref<128xf32, #tpu.memory_space<vmem>>
    %dma_start3A_165 = arith.constant 0 : i32
    %dma_start3A_166 = tpu.memref_slice %arg8[%dma_start3A_162, %dma_start3A_165] : memref<32x128xi32, #tpu.memory_space<vmem>> -> memref<1x128xi32, #tpu.memory_space<vmem>>
    %dma_start3A_167 = tpu.memref_squeeze %dma_start3A_166 : memref<1x128xi32, #tpu.memory_space<vmem>> -> memref<128xi32, #tpu.memory_space<vmem>>
    %dma_start3A_168 = arith.constant 0 : i32
    %dma_start3A_169 = tpu.memref_slice %arg5[%dma_start3A_168] : memref<131072xf32, #tpu.memory_space<hbm>> -> memref<131072xf32, #tpu.memory_space<hbm>>
    tpu.enqueue_indirect_dma source(%dma_start3A_164 : memref<128xf32, #tpu.memory_space<vmem>>) target(%dma_start3A_169 : memref<131072xf32, #tpu.memory_space<hbm>>) offsets(%dma_start3A_167 : memref<128xi32, #tpu.memory_space<vmem>>) semaphore(%arg10 : memref<!tpu.dma_semaphore, #tpu.memory_space<semaphore_mem>>)
    %dma_start3A_170 = arith.constant 10 : i32
    %dma_start3A_171 = arith.constant 1280 : i32
    %dma_start3A_172 = tpu.memref_slice %arg7[%dma_start3A_171] : memref<4096xf32, #tpu.memory_space<vmem>> -> memref<128xf32, #tpu.memory_space<vmem>>
    %dma_start3A_173 = arith.constant 0 : i32
    %dma_start3A_174 = tpu.memref_slice %arg9[%dma_start3A_170, %dma_start3A_173] : memref<32x128xi32, #tpu.memory_space<vmem>> -> memref<1x128xi32, #tpu.memory_space<vmem>>
    %dma_start3A_175 = tpu.memref_squeeze %dma_start3A_174 : memref<1x128xi32, #tpu.memory_space<vmem>> -> memref<128xi32, #tpu.memory_space<vmem>>
    %dma_start3A_176 = arith.constant 0 : i32
    %dma_start3A_177 = tpu.memref_slice %arg6[%dma_start3A_176] : memref<131072xf32, #tpu.memory_space<hbm>> -> memref<131072xf32, #tpu.memory_space<hbm>>
    tpu.enqueue_indirect_dma source(%dma_start3A_172 : memref<128xf32, #tpu.memory_space<vmem>>) target(%dma_start3A_177 : memref<131072xf32, #tpu.memory_space<hbm>>) offsets(%dma_start3A_175 : memref<128xi32, #tpu.memory_space<vmem>>) semaphore(%arg10 : memref<!tpu.dma_semaphore, #tpu.memory_space<semaphore_mem>>)
    %dma_start3A_178 = arith.constant 11 : i32
    %dma_start3A_179 = arith.constant 1408 : i32
    %dma_start3A_180 = tpu.memref_slice %arg7[%dma_start3A_179] : memref<4096xf32, #tpu.memory_space<vmem>> -> memref<128xf32, #tpu.memory_space<vmem>>
    %dma_start3A_181 = arith.constant 0 : i32
    %dma_start3A_182 = tpu.memref_slice %arg8[%dma_start3A_178, %dma_start3A_181] : memref<32x128xi32, #tpu.memory_space<vmem>> -> memref<1x128xi32, #tpu.memory_space<vmem>>
    %dma_start3A_183 = tpu.memref_squeeze %dma_start3A_182 : memref<1x128xi32, #tpu.memory_space<vmem>> -> memref<128xi32, #tpu.memory_space<vmem>>
    %dma_start3A_184 = arith.constant 0 : i32
    %dma_start3A_185 = tpu.memref_slice %arg5[%dma_start3A_184] : memref<131072xf32, #tpu.memory_space<hbm>> -> memref<131072xf32, #tpu.memory_space<hbm>>
    tpu.enqueue_indirect_dma source(%dma_start3A_180 : memref<128xf32, #tpu.memory_space<vmem>>) target(%dma_start3A_185 : memref<131072xf32, #tpu.memory_space<hbm>>) offsets(%dma_start3A_183 : memref<128xi32, #tpu.memory_space<vmem>>) semaphore(%arg10 : memref<!tpu.dma_semaphore, #tpu.memory_space<semaphore_mem>>)
    %dma_start3A_186 = arith.constant 11 : i32
    %dma_start3A_187 = arith.constant 1408 : i32
    %dma_start3A_188 = tpu.memref_slice %arg7[%dma_start3A_187] : memref<4096xf32, #tpu.memory_space<vmem>> -> memref<128xf32, #tpu.memory_space<vmem>>
    %dma_start3A_189 = arith.constant 0 : i32
    %dma_start3A_190 = tpu.memref_slice %arg9[%dma_start3A_186, %dma_start3A_189] : memref<32x128xi32, #tpu.memory_space<vmem>> -> memref<1x128xi32, #tpu.memory_space<vmem>>
    %dma_start3A_191 = tpu.memref_squeeze %dma_start3A_190 : memref<1x128xi32, #tpu.memory_space<vmem>> -> memref<128xi32, #tpu.memory_space<vmem>>
    %dma_start3A_192 = arith.constant 0 : i32
    %dma_start3A_193 = tpu.memref_slice %arg6[%dma_start3A_192] : memref<131072xf32, #tpu.memory_space<hbm>> -> memref<131072xf32, #tpu.memory_space<hbm>>
    tpu.enqueue_indirect_dma source(%dma_start3A_188 : memref<128xf32, #tpu.memory_space<vmem>>) target(%dma_start3A_193 : memref<131072xf32, #tpu.memory_space<hbm>>) offsets(%dma_start3A_191 : memref<128xi32, #tpu.memory_space<vmem>>) semaphore(%arg10 : memref<!tpu.dma_semaphore, #tpu.memory_space<semaphore_mem>>)
    %dma_start3A_194 = arith.constant 12 : i32
    %dma_start3A_195 = arith.constant 1536 : i32
    %dma_start3A_196 = tpu.memref_slice %arg7[%dma_start3A_195] : memref<4096xf32, #tpu.memory_space<vmem>> -> memref<128xf32, #tpu.memory_space<vmem>>
    %dma_start3A_197 = arith.constant 0 : i32
    %dma_start3A_198 = tpu.memref_slice %arg8[%dma_start3A_194, %dma_start3A_197] : memref<32x128xi32, #tpu.memory_space<vmem>> -> memref<1x128xi32, #tpu.memory_space<vmem>>
    %dma_start3A_199 = tpu.memref_squeeze %dma_start3A_198 : memref<1x128xi32, #tpu.memory_space<vmem>> -> memref<128xi32, #tpu.memory_space<vmem>>
    %dma_start3A_200 = arith.constant 0 : i32
    %dma_start3A_201 = tpu.memref_slice %arg5[%dma_start3A_200] : memref<131072xf32, #tpu.memory_space<hbm>> -> memref<131072xf32, #tpu.memory_space<hbm>>
    tpu.enqueue_indirect_dma source(%dma_start3A_196 : memref<128xf32, #tpu.memory_space<vmem>>) target(%dma_start3A_201 : memref<131072xf32, #tpu.memory_space<hbm>>) offsets(%dma_start3A_199 : memref<128xi32, #tpu.memory_space<vmem>>) semaphore(%arg10 : memref<!tpu.dma_semaphore, #tpu.memory_space<semaphore_mem>>)
    %dma_start3A_202 = arith.constant 12 : i32
    %dma_start3A_203 = arith.constant 1536 : i32
    %dma_start3A_204 = tpu.memref_slice %arg7[%dma_start3A_203] : memref<4096xf32, #tpu.memory_space<vmem>> -> memref<128xf32, #tpu.memory_space<vmem>>
    %dma_start3A_205 = arith.constant 0 : i32
    %dma_start3A_206 = tpu.memref_slice %arg9[%dma_start3A_202, %dma_start3A_205] : memref<32x128xi32, #tpu.memory_space<vmem>> -> memref<1x128xi32, #tpu.memory_space<vmem>>
    %dma_start3A_207 = tpu.memref_squeeze %dma_start3A_206 : memref<1x128xi32, #tpu.memory_space<vmem>> -> memref<128xi32, #tpu.memory_space<vmem>>
    %dma_start3A_208 = arith.constant 0 : i32
    %dma_start3A_209 = tpu.memref_slice %arg6[%dma_start3A_208] : memref<131072xf32, #tpu.memory_space<hbm>> -> memref<131072xf32, #tpu.memory_space<hbm>>
    tpu.enqueue_indirect_dma source(%dma_start3A_204 : memref<128xf32, #tpu.memory_space<vmem>>) target(%dma_start3A_209 : memref<131072xf32, #tpu.memory_space<hbm>>) offsets(%dma_start3A_207 : memref<128xi32, #tpu.memory_space<vmem>>) semaphore(%arg10 : memref<!tpu.dma_semaphore, #tpu.memory_space<semaphore_mem>>)
    %dma_start3A_210 = arith.constant 13 : i32
    %dma_start3A_211 = arith.constant 1664 : i32
    %dma_start3A_212 = tpu.memref_slice %arg7[%dma_start3A_211] : memref<4096xf32, #tpu.memory_space<vmem>> -> memref<128xf32, #tpu.memory_space<vmem>>
    %dma_start3A_213 = arith.constant 0 : i32
    %dma_start3A_214 = tpu.memref_slice %arg8[%dma_start3A_210, %dma_start3A_213] : memref<32x128xi32, #tpu.memory_space<vmem>> -> memref<1x128xi32, #tpu.memory_space<vmem>>
    %dma_start3A_215 = tpu.memref_squeeze %dma_start3A_214 : memref<1x128xi32, #tpu.memory_space<vmem>> -> memref<128xi32, #tpu.memory_space<vmem>>
    %dma_start3A_216 = arith.constant 0 : i32
    %dma_start3A_217 = tpu.memref_slice %arg5[%dma_start3A_216] : memref<131072xf32, #tpu.memory_space<hbm>> -> memref<131072xf32, #tpu.memory_space<hbm>>
    tpu.enqueue_indirect_dma source(%dma_start3A_212 : memref<128xf32, #tpu.memory_space<vmem>>) target(%dma_start3A_217 : memref<131072xf32, #tpu.memory_space<hbm>>) offsets(%dma_start3A_215 : memref<128xi32, #tpu.memory_space<vmem>>) semaphore(%arg10 : memref<!tpu.dma_semaphore, #tpu.memory_space<semaphore_mem>>)
    %dma_start3A_218 = arith.constant 13 : i32
    %dma_start3A_219 = arith.constant 1664 : i32
    %dma_start3A_220 = tpu.memref_slice %arg7[%dma_start3A_219] : memref<4096xf32, #tpu.memory_space<vmem>> -> memref<128xf32, #tpu.memory_space<vmem>>
    %dma_start3A_221 = arith.constant 0 : i32
    %dma_start3A_222 = tpu.memref_slice %arg9[%dma_start3A_218, %dma_start3A_221] : memref<32x128xi32, #tpu.memory_space<vmem>> -> memref<1x128xi32, #tpu.memory_space<vmem>>
    %dma_start3A_223 = tpu.memref_squeeze %dma_start3A_222 : memref<1x128xi32, #tpu.memory_space<vmem>> -> memref<128xi32, #tpu.memory_space<vmem>>
    %dma_start3A_224 = arith.constant 0 : i32
    %dma_start3A_225 = tpu.memref_slice %arg6[%dma_start3A_224] : memref<131072xf32, #tpu.memory_space<hbm>> -> memref<131072xf32, #tpu.memory_space<hbm>>
    tpu.enqueue_indirect_dma source(%dma_start3A_220 : memref<128xf32, #tpu.memory_space<vmem>>) target(%dma_start3A_225 : memref<131072xf32, #tpu.memory_space<hbm>>) offsets(%dma_start3A_223 : memref<128xi32, #tpu.memory_space<vmem>>) semaphore(%arg10 : memref<!tpu.dma_semaphore, #tpu.memory_space<semaphore_mem>>)
    %dma_start3A_226 = arith.constant 14 : i32
    %dma_start3A_227 = arith.constant 1792 : i32
    %dma_start3A_228 = tpu.memref_slice %arg7[%dma_start3A_227] : memref<4096xf32, #tpu.memory_space<vmem>> -> memref<128xf32, #tpu.memory_space<vmem>>
    %dma_start3A_229 = arith.constant 0 : i32
    %dma_start3A_230 = tpu.memref_slice %arg8[%dma_start3A_226, %dma_start3A_229] : memref<32x128xi32, #tpu.memory_space<vmem>> -> memref<1x128xi32, #tpu.memory_space<vmem>>
    %dma_start3A_231 = tpu.memref_squeeze %dma_start3A_230 : memref<1x128xi32, #tpu.memory_space<vmem>> -> memref<128xi32, #tpu.memory_space<vmem>>
    %dma_start3A_232 = arith.constant 0 : i32
    %dma_start3A_233 = tpu.memref_slice %arg5[%dma_start3A_232] : memref<131072xf32, #tpu.memory_space<hbm>> -> memref<131072xf32, #tpu.memory_space<hbm>>
    tpu.enqueue_indirect_dma source(%dma_start3A_228 : memref<128xf32, #tpu.memory_space<vmem>>) target(%dma_start3A_233 : memref<131072xf32, #tpu.memory_space<hbm>>) offsets(%dma_start3A_231 : memref<128xi32, #tpu.memory_space<vmem>>) semaphore(%arg10 : memref<!tpu.dma_semaphore, #tpu.memory_space<semaphore_mem>>)
    %dma_start3A_234 = arith.constant 14 : i32
    %dma_start3A_235 = arith.constant 1792 : i32
    %dma_start3A_236 = tpu.memref_slice %arg7[%dma_start3A_235] : memref<4096xf32, #tpu.memory_space<vmem>> -> memref<128xf32, #tpu.memory_space<vmem>>
    %dma_start3A_237 = arith.constant 0 : i32
    %dma_start3A_238 = tpu.memref_slice %arg9[%dma_start3A_234, %dma_start3A_237] : memref<32x128xi32, #tpu.memory_space<vmem>> -> memref<1x128xi32, #tpu.memory_space<vmem>>
    %dma_start3A_239 = tpu.memref_squeeze %dma_start3A_238 : memref<1x128xi32, #tpu.memory_space<vmem>> -> memref<128xi32, #tpu.memory_space<vmem>>
    %dma_start3A_240 = arith.constant 0 : i32
    %dma_start3A_241 = tpu.memref_slice %arg6[%dma_start3A_240] : memref<131072xf32, #tpu.memory_space<hbm>> -> memref<131072xf32, #tpu.memory_space<hbm>>
    tpu.enqueue_indirect_dma source(%dma_start3A_236 : memref<128xf32, #tpu.memory_space<vmem>>) target(%dma_start3A_241 : memref<131072xf32, #tpu.memory_space<hbm>>) offsets(%dma_start3A_239 : memref<128xi32, #tpu.memory_space<vmem>>) semaphore(%arg10 : memref<!tpu.dma_semaphore, #tpu.memory_space<semaphore_mem>>)
    %dma_start3A_242 = arith.constant 15 : i32
    %dma_start3A_243 = arith.constant 1920 : i32
    %dma_start3A_244 = tpu.memref_slice %arg7[%dma_start3A_243] : memref<4096xf32, #tpu.memory_space<vmem>> -> memref<128xf32, #tpu.memory_space<vmem>>
    %dma_start3A_245 = arith.constant 0 : i32
    %dma_start3A_246 = tpu.memref_slice %arg8[%dma_start3A_242, %dma_start3A_245] : memref<32x128xi32, #tpu.memory_space<vmem>> -> memref<1x128xi32, #tpu.memory_space<vmem>>
    %dma_start3A_247 = tpu.memref_squeeze %dma_start3A_246 : memref<1x128xi32, #tpu.memory_space<vmem>> -> memref<128xi32, #tpu.memory_space<vmem>>
    %dma_start3A_248 = arith.constant 0 : i32
    %dma_start3A_249 = tpu.memref_slice %arg5[%dma_start3A_248] : memref<131072xf32, #tpu.memory_space<hbm>> -> memref<131072xf32, #tpu.memory_space<hbm>>
    tpu.enqueue_indirect_dma source(%dma_start3A_244 : memref<128xf32, #tpu.memory_space<vmem>>) target(%dma_start3A_249 : memref<131072xf32, #tpu.memory_space<hbm>>) offsets(%dma_start3A_247 : memref<128xi32, #tpu.memory_space<vmem>>) semaphore(%arg10 : memref<!tpu.dma_semaphore, #tpu.memory_space<semaphore_mem>>)
    %dma_start3A_250 = arith.constant 15 : i32
    %dma_start3A_251 = arith.constant 1920 : i32
    %dma_start3A_252 = tpu.memref_slice %arg7[%dma_start3A_251] : memref<4096xf32, #tpu.memory_space<vmem>> -> memref<128xf32, #tpu.memory_space<vmem>>
    %dma_start3A_253 = arith.constant 0 : i32
    %dma_start3A_254 = tpu.memref_slice %arg9[%dma_start3A_250, %dma_start3A_253] : memref<32x128xi32, #tpu.memory_space<vmem>> -> memref<1x128xi32, #tpu.memory_space<vmem>>
    %dma_start3A_255 = tpu.memref_squeeze %dma_start3A_254 : memref<1x128xi32, #tpu.memory_space<vmem>> -> memref<128xi32, #tpu.memory_space<vmem>>
    %dma_start3A_256 = arith.constant 0 : i32
    %dma_start3A_257 = tpu.memref_slice %arg6[%dma_start3A_256] : memref<131072xf32, #tpu.memory_space<hbm>> -> memref<131072xf32, #tpu.memory_space<hbm>>
    tpu.enqueue_indirect_dma source(%dma_start3A_252 : memref<128xf32, #tpu.memory_space<vmem>>) target(%dma_start3A_257 : memref<131072xf32, #tpu.memory_space<hbm>>) offsets(%dma_start3A_255 : memref<128xi32, #tpu.memory_space<vmem>>) semaphore(%arg10 : memref<!tpu.dma_semaphore, #tpu.memory_space<semaphore_mem>>)
    %dma_start3A_258 = arith.constant 16 : i32
    %dma_start3A_259 = arith.constant 2048 : i32
    %dma_start3A_260 = tpu.memref_slice %arg7[%dma_start3A_259] : memref<4096xf32, #tpu.memory_space<vmem>> -> memref<128xf32, #tpu.memory_space<vmem>>
    %dma_start3A_261 = arith.constant 0 : i32
    %dma_start3A_262 = tpu.memref_slice %arg8[%dma_start3A_258, %dma_start3A_261] : memref<32x128xi32, #tpu.memory_space<vmem>> -> memref<1x128xi32, #tpu.memory_space<vmem>>
    %dma_start3A_263 = tpu.memref_squeeze %dma_start3A_262 : memref<1x128xi32, #tpu.memory_space<vmem>> -> memref<128xi32, #tpu.memory_space<vmem>>
    %dma_start3A_264 = arith.constant 0 : i32
    %dma_start3A_265 = tpu.memref_slice %arg5[%dma_start3A_264] : memref<131072xf32, #tpu.memory_space<hbm>> -> memref<131072xf32, #tpu.memory_space<hbm>>
    tpu.enqueue_indirect_dma source(%dma_start3A_260 : memref<128xf32, #tpu.memory_space<vmem>>) target(%dma_start3A_265 : memref<131072xf32, #tpu.memory_space<hbm>>) offsets(%dma_start3A_263 : memref<128xi32, #tpu.memory_space<vmem>>) semaphore(%arg10 : memref<!tpu.dma_semaphore, #tpu.memory_space<semaphore_mem>>)
    %dma_start3A_266 = arith.constant 16 : i32
    %dma_start3A_267 = arith.constant 2048 : i32
    %dma_start3A_268 = tpu.memref_slice %arg7[%dma_start3A_267] : memref<4096xf32, #tpu.memory_space<vmem>> -> memref<128xf32, #tpu.memory_space<vmem>>
    %dma_start3A_269 = arith.constant 0 : i32
    %dma_start3A_270 = tpu.memref_slice %arg9[%dma_start3A_266, %dma_start3A_269] : memref<32x128xi32, #tpu.memory_space<vmem>> -> memref<1x128xi32, #tpu.memory_space<vmem>>
    %dma_start3A_271 = tpu.memref_squeeze %dma_start3A_270 : memref<1x128xi32, #tpu.memory_space<vmem>> -> memref<128xi32, #tpu.memory_space<vmem>>
    %dma_start3A_272 = arith.constant 0 : i32
    %dma_start3A_273 = tpu.memref_slice %arg6[%dma_start3A_272] : memref<131072xf32, #tpu.memory_space<hbm>> -> memref<131072xf32, #tpu.memory_space<hbm>>
    tpu.enqueue_indirect_dma source(%dma_start3A_268 : memref<128xf32, #tpu.memory_space<vmem>>) target(%dma_start3A_273 : memref<131072xf32, #tpu.memory_space<hbm>>) offsets(%dma_start3A_271 : memref<128xi32, #tpu.memory_space<vmem>>) semaphore(%arg10 : memref<!tpu.dma_semaphore, #tpu.memory_space<semaphore_mem>>)
    %dma_start3A_274 = arith.constant 17 : i32
    %dma_start3A_275 = arith.constant 2176 : i32
    %dma_start3A_276 = tpu.memref_slice %arg7[%dma_start3A_275] : memref<4096xf32, #tpu.memory_space<vmem>> -> memref<128xf32, #tpu.memory_space<vmem>>
    %dma_start3A_277 = arith.constant 0 : i32
    %dma_start3A_278 = tpu.memref_slice %arg8[%dma_start3A_274, %dma_start3A_277] : memref<32x128xi32, #tpu.memory_space<vmem>> -> memref<1x128xi32, #tpu.memory_space<vmem>>
    %dma_start3A_279 = tpu.memref_squeeze %dma_start3A_278 : memref<1x128xi32, #tpu.memory_space<vmem>> -> memref<128xi32, #tpu.memory_space<vmem>>
    %dma_start3A_280 = arith.constant 0 : i32
    %dma_start3A_281 = tpu.memref_slice %arg5[%dma_start3A_280] : memref<131072xf32, #tpu.memory_space<hbm>> -> memref<131072xf32, #tpu.memory_space<hbm>>
    tpu.enqueue_indirect_dma source(%dma_start3A_276 : memref<128xf32, #tpu.memory_space<vmem>>) target(%dma_start3A_281 : memref<131072xf32, #tpu.memory_space<hbm>>) offsets(%dma_start3A_279 : memref<128xi32, #tpu.memory_space<vmem>>) semaphore(%arg10 : memref<!tpu.dma_semaphore, #tpu.memory_space<semaphore_mem>>)
    %dma_start3A_282 = arith.constant 17 : i32
    %dma_start3A_283 = arith.constant 2176 : i32
    %dma_start3A_284 = tpu.memref_slice %arg7[%dma_start3A_283] : memref<4096xf32, #tpu.memory_space<vmem>> -> memref<128xf32, #tpu.memory_space<vmem>>
    %dma_start3A_285 = arith.constant 0 : i32
    %dma_start3A_286 = tpu.memref_slice %arg9[%dma_start3A_282, %dma_start3A_285] : memref<32x128xi32, #tpu.memory_space<vmem>> -> memref<1x128xi32, #tpu.memory_space<vmem>>
    %dma_start3A_287 = tpu.memref_squeeze %dma_start3A_286 : memref<1x128xi32, #tpu.memory_space<vmem>> -> memref<128xi32, #tpu.memory_space<vmem>>
    %dma_start3A_288 = arith.constant 0 : i32
    %dma_start3A_289 = tpu.memref_slice %arg6[%dma_start3A_288] : memref<131072xf32, #tpu.memory_space<hbm>> -> memref<131072xf32, #tpu.memory_space<hbm>>
    tpu.enqueue_indirect_dma source(%dma_start3A_284 : memref<128xf32, #tpu.memory_space<vmem>>) target(%dma_start3A_289 : memref<131072xf32, #tpu.memory_space<hbm>>) offsets(%dma_start3A_287 : memref<128xi32, #tpu.memory_space<vmem>>) semaphore(%arg10 : memref<!tpu.dma_semaphore, #tpu.memory_space<semaphore_mem>>)
    %dma_start3A_290 = arith.constant 18 : i32
    %dma_start3A_291 = arith.constant 2304 : i32
    %dma_start3A_292 = tpu.memref_slice %arg7[%dma_start3A_291] : memref<4096xf32, #tpu.memory_space<vmem>> -> memref<128xf32, #tpu.memory_space<vmem>>
    %dma_start3A_293 = arith.constant 0 : i32
    %dma_start3A_294 = tpu.memref_slice %arg8[%dma_start3A_290, %dma_start3A_293] : memref<32x128xi32, #tpu.memory_space<vmem>> -> memref<1x128xi32, #tpu.memory_space<vmem>>
    %dma_start3A_295 = tpu.memref_squeeze %dma_start3A_294 : memref<1x128xi32, #tpu.memory_space<vmem>> -> memref<128xi32, #tpu.memory_space<vmem>>
    %dma_start3A_296 = arith.constant 0 : i32
    %dma_start3A_297 = tpu.memref_slice %arg5[%dma_start3A_296] : memref<131072xf32, #tpu.memory_space<hbm>> -> memref<131072xf32, #tpu.memory_space<hbm>>
    tpu.enqueue_indirect_dma source(%dma_start3A_292 : memref<128xf32, #tpu.memory_space<vmem>>) target(%dma_start3A_297 : memref<131072xf32, #tpu.memory_space<hbm>>) offsets(%dma_start3A_295 : memref<128xi32, #tpu.memory_space<vmem>>) semaphore(%arg10 : memref<!tpu.dma_semaphore, #tpu.memory_space<semaphore_mem>>)
    %dma_start3A_298 = arith.constant 18 : i32
    %dma_start3A_299 = arith.constant 2304 : i32
    %dma_start3A_300 = tpu.memref_slice %arg7[%dma_start3A_299] : memref<4096xf32, #tpu.memory_space<vmem>> -> memref<128xf32, #tpu.memory_space<vmem>>
    %dma_start3A_301 = arith.constant 0 : i32
    %dma_start3A_302 = tpu.memref_slice %arg9[%dma_start3A_298, %dma_start3A_301] : memref<32x128xi32, #tpu.memory_space<vmem>> -> memref<1x128xi32, #tpu.memory_space<vmem>>
    %dma_start3A_303 = tpu.memref_squeeze %dma_start3A_302 : memref<1x128xi32, #tpu.memory_space<vmem>> -> memref<128xi32, #tpu.memory_space<vmem>>
    %dma_start3A_304 = arith.constant 0 : i32
    %dma_start3A_305 = tpu.memref_slice %arg6[%dma_start3A_304] : memref<131072xf32, #tpu.memory_space<hbm>> -> memref<131072xf32, #tpu.memory_space<hbm>>
    tpu.enqueue_indirect_dma source(%dma_start3A_300 : memref<128xf32, #tpu.memory_space<vmem>>) target(%dma_start3A_305 : memref<131072xf32, #tpu.memory_space<hbm>>) offsets(%dma_start3A_303 : memref<128xi32, #tpu.memory_space<vmem>>) semaphore(%arg10 : memref<!tpu.dma_semaphore, #tpu.memory_space<semaphore_mem>>)
    %dma_start3A_306 = arith.constant 19 : i32
    %dma_start3A_307 = arith.constant 2432 : i32
    %dma_start3A_308 = tpu.memref_slice %arg7[%dma_start3A_307] : memref<4096xf32, #tpu.memory_space<vmem>> -> memref<128xf32, #tpu.memory_space<vmem>>
    %dma_start3A_309 = arith.constant 0 : i32
    %dma_start3A_310 = tpu.memref_slice %arg8[%dma_start3A_306, %dma_start3A_309] : memref<32x128xi32, #tpu.memory_space<vmem>> -> memref<1x128xi32, #tpu.memory_space<vmem>>
    %dma_start3A_311 = tpu.memref_squeeze %dma_start3A_310 : memref<1x128xi32, #tpu.memory_space<vmem>> -> memref<128xi32, #tpu.memory_space<vmem>>
    %dma_start3A_312 = arith.constant 0 : i32
    %dma_start3A_313 = tpu.memref_slice %arg5[%dma_start3A_312] : memref<131072xf32, #tpu.memory_space<hbm>> -> memref<131072xf32, #tpu.memory_space<hbm>>
    tpu.enqueue_indirect_dma source(%dma_start3A_308 : memref<128xf32, #tpu.memory_space<vmem>>) target(%dma_start3A_313 : memref<131072xf32, #tpu.memory_space<hbm>>) offsets(%dma_start3A_311 : memref<128xi32, #tpu.memory_space<vmem>>) semaphore(%arg10 : memref<!tpu.dma_semaphore, #tpu.memory_space<semaphore_mem>>)
    %dma_start3A_314 = arith.constant 19 : i32
    %dma_start3A_315 = arith.constant 2432 : i32
    %dma_start3A_316 = tpu.memref_slice %arg7[%dma_start3A_315] : memref<4096xf32, #tpu.memory_space<vmem>> -> memref<128xf32, #tpu.memory_space<vmem>>
    %dma_start3A_317 = arith.constant 0 : i32
    %dma_start3A_318 = tpu.memref_slice %arg9[%dma_start3A_314, %dma_start3A_317] : memref<32x128xi32, #tpu.memory_space<vmem>> -> memref<1x128xi32, #tpu.memory_space<vmem>>
    %dma_start3A_319 = tpu.memref_squeeze %dma_start3A_318 : memref<1x128xi32, #tpu.memory_space<vmem>> -> memref<128xi32, #tpu.memory_space<vmem>>
    %dma_start3A_320 = arith.constant 0 : i32
    %dma_start3A_321 = tpu.memref_slice %arg6[%dma_start3A_320] : memref<131072xf32, #tpu.memory_space<hbm>> -> memref<131072xf32, #tpu.memory_space<hbm>>
    tpu.enqueue_indirect_dma source(%dma_start3A_316 : memref<128xf32, #tpu.memory_space<vmem>>) target(%dma_start3A_321 : memref<131072xf32, #tpu.memory_space<hbm>>) offsets(%dma_start3A_319 : memref<128xi32, #tpu.memory_space<vmem>>) semaphore(%arg10 : memref<!tpu.dma_semaphore, #tpu.memory_space<semaphore_mem>>)
    %dma_start3A_322 = arith.constant 20 : i32
    %dma_start3A_323 = arith.constant 2560 : i32
    %dma_start3A_324 = tpu.memref_slice %arg7[%dma_start3A_323] : memref<4096xf32, #tpu.memory_space<vmem>> -> memref<128xf32, #tpu.memory_space<vmem>>
    %dma_start3A_325 = arith.constant 0 : i32
    %dma_start3A_326 = tpu.memref_slice %arg8[%dma_start3A_322, %dma_start3A_325] : memref<32x128xi32, #tpu.memory_space<vmem>> -> memref<1x128xi32, #tpu.memory_space<vmem>>
    %dma_start3A_327 = tpu.memref_squeeze %dma_start3A_326 : memref<1x128xi32, #tpu.memory_space<vmem>> -> memref<128xi32, #tpu.memory_space<vmem>>
    %dma_start3A_328 = arith.constant 0 : i32
    %dma_start3A_329 = tpu.memref_slice %arg5[%dma_start3A_328] : memref<131072xf32, #tpu.memory_space<hbm>> -> memref<131072xf32, #tpu.memory_space<hbm>>
    tpu.enqueue_indirect_dma source(%dma_start3A_324 : memref<128xf32, #tpu.memory_space<vmem>>) target(%dma_start3A_329 : memref<131072xf32, #tpu.memory_space<hbm>>) offsets(%dma_start3A_327 : memref<128xi32, #tpu.memory_space<vmem>>) semaphore(%arg10 : memref<!tpu.dma_semaphore, #tpu.memory_space<semaphore_mem>>)
    %dma_start3A_330 = arith.constant 20 : i32
    %dma_start3A_331 = arith.constant 2560 : i32
    %dma_start3A_332 = tpu.memref_slice %arg7[%dma_start3A_331] : memref<4096xf32, #tpu.memory_space<vmem>> -> memref<128xf32, #tpu.memory_space<vmem>>
    %dma_start3A_333 = arith.constant 0 : i32
    %dma_start3A_334 = tpu.memref_slice %arg9[%dma_start3A_330, %dma_start3A_333] : memref<32x128xi32, #tpu.memory_space<vmem>> -> memref<1x128xi32, #tpu.memory_space<vmem>>
    %dma_start3A_335 = tpu.memref_squeeze %dma_start3A_334 : memref<1x128xi32, #tpu.memory_space<vmem>> -> memref<128xi32, #tpu.memory_space<vmem>>
    %dma_start3A_336 = arith.constant 0 : i32
    %dma_start3A_337 = tpu.memref_slice %arg6[%dma_start3A_336] : memref<131072xf32, #tpu.memory_space<hbm>> -> memref<131072xf32, #tpu.memory_space<hbm>>
    tpu.enqueue_indirect_dma source(%dma_start3A_332 : memref<128xf32, #tpu.memory_space<vmem>>) target(%dma_start3A_337 : memref<131072xf32, #tpu.memory_space<hbm>>) offsets(%dma_start3A_335 : memref<128xi32, #tpu.memory_space<vmem>>) semaphore(%arg10 : memref<!tpu.dma_semaphore, #tpu.memory_space<semaphore_mem>>)
    %dma_start3A_338 = arith.constant 21 : i32
    %dma_start3A_339 = arith.constant 2688 : i32
    %dma_start3A_340 = tpu.memref_slice %arg7[%dma_start3A_339] : memref<4096xf32, #tpu.memory_space<vmem>> -> memref<128xf32, #tpu.memory_space<vmem>>
    %dma_start3A_341 = arith.constant 0 : i32
    %dma_start3A_342 = tpu.memref_slice %arg8[%dma_start3A_338, %dma_start3A_341] : memref<32x128xi32, #tpu.memory_space<vmem>> -> memref<1x128xi32, #tpu.memory_space<vmem>>
    %dma_start3A_343 = tpu.memref_squeeze %dma_start3A_342 : memref<1x128xi32, #tpu.memory_space<vmem>> -> memref<128xi32, #tpu.memory_space<vmem>>
    %dma_start3A_344 = arith.constant 0 : i32
    %dma_start3A_345 = tpu.memref_slice %arg5[%dma_start3A_344] : memref<131072xf32, #tpu.memory_space<hbm>> -> memref<131072xf32, #tpu.memory_space<hbm>>
    tpu.enqueue_indirect_dma source(%dma_start3A_340 : memref<128xf32, #tpu.memory_space<vmem>>) target(%dma_start3A_345 : memref<131072xf32, #tpu.memory_space<hbm>>) offsets(%dma_start3A_343 : memref<128xi32, #tpu.memory_space<vmem>>) semaphore(%arg10 : memref<!tpu.dma_semaphore, #tpu.memory_space<semaphore_mem>>)
    %dma_start3A_346 = arith.constant 21 : i32
    %dma_start3A_347 = arith.constant 2688 : i32
    %dma_start3A_348 = tpu.memref_slice %arg7[%dma_start3A_347] : memref<4096xf32, #tpu.memory_space<vmem>> -> memref<128xf32, #tpu.memory_space<vmem>>
    %dma_start3A_349 = arith.constant 0 : i32
    %dma_start3A_350 = tpu.memref_slice %arg9[%dma_start3A_346, %dma_start3A_349] : memref<32x128xi32, #tpu.memory_space<vmem>> -> memref<1x128xi32, #tpu.memory_space<vmem>>
    %dma_start3A_351 = tpu.memref_squeeze %dma_start3A_350 : memref<1x128xi32, #tpu.memory_space<vmem>> -> memref<128xi32, #tpu.memory_space<vmem>>
    %dma_start3A_352 = arith.constant 0 : i32
    %dma_start3A_353 = tpu.memref_slice %arg6[%dma_start3A_352] : memref<131072xf32, #tpu.memory_space<hbm>> -> memref<131072xf32, #tpu.memory_space<hbm>>
    tpu.enqueue_indirect_dma source(%dma_start3A_348 : memref<128xf32, #tpu.memory_space<vmem>>) target(%dma_start3A_353 : memref<131072xf32, #tpu.memory_space<hbm>>) offsets(%dma_start3A_351 : memref<128xi32, #tpu.memory_space<vmem>>) semaphore(%arg10 : memref<!tpu.dma_semaphore, #tpu.memory_space<semaphore_mem>>)
    %dma_start3A_354 = arith.constant 22 : i32
    %dma_start3A_355 = arith.constant 2816 : i32
    %dma_start3A_356 = tpu.memref_slice %arg7[%dma_start3A_355] : memref<4096xf32, #tpu.memory_space<vmem>> -> memref<128xf32, #tpu.memory_space<vmem>>
    %dma_start3A_357 = arith.constant 0 : i32
    %dma_start3A_358 = tpu.memref_slice %arg8[%dma_start3A_354, %dma_start3A_357] : memref<32x128xi32, #tpu.memory_space<vmem>> -> memref<1x128xi32, #tpu.memory_space<vmem>>
    %dma_start3A_359 = tpu.memref_squeeze %dma_start3A_358 : memref<1x128xi32, #tpu.memory_space<vmem>> -> memref<128xi32, #tpu.memory_space<vmem>>
    %dma_start3A_360 = arith.constant 0 : i32
    %dma_start3A_361 = tpu.memref_slice %arg5[%dma_start3A_360] : memref<131072xf32, #tpu.memory_space<hbm>> -> memref<131072xf32, #tpu.memory_space<hbm>>
    tpu.enqueue_indirect_dma source(%dma_start3A_356 : memref<128xf32, #tpu.memory_space<vmem>>) target(%dma_start3A_361 : memref<131072xf32, #tpu.memory_space<hbm>>) offsets(%dma_start3A_359 : memref<128xi32, #tpu.memory_space<vmem>>) semaphore(%arg10 : memref<!tpu.dma_semaphore, #tpu.memory_space<semaphore_mem>>)
    %dma_start3A_362 = arith.constant 22 : i32
    %dma_start3A_363 = arith.constant 2816 : i32
    %dma_start3A_364 = tpu.memref_slice %arg7[%dma_start3A_363] : memref<4096xf32, #tpu.memory_space<vmem>> -> memref<128xf32, #tpu.memory_space<vmem>>
    %dma_start3A_365 = arith.constant 0 : i32
    %dma_start3A_366 = tpu.memref_slice %arg9[%dma_start3A_362, %dma_start3A_365] : memref<32x128xi32, #tpu.memory_space<vmem>> -> memref<1x128xi32, #tpu.memory_space<vmem>>
    %dma_start3A_367 = tpu.memref_squeeze %dma_start3A_366 : memref<1x128xi32, #tpu.memory_space<vmem>> -> memref<128xi32, #tpu.memory_space<vmem>>
    %dma_start3A_368 = arith.constant 0 : i32
    %dma_start3A_369 = tpu.memref_slice %arg6[%dma_start3A_368] : memref<131072xf32, #tpu.memory_space<hbm>> -> memref<131072xf32, #tpu.memory_space<hbm>>
    tpu.enqueue_indirect_dma source(%dma_start3A_364 : memref<128xf32, #tpu.memory_space<vmem>>) target(%dma_start3A_369 : memref<131072xf32, #tpu.memory_space<hbm>>) offsets(%dma_start3A_367 : memref<128xi32, #tpu.memory_space<vmem>>) semaphore(%arg10 : memref<!tpu.dma_semaphore, #tpu.memory_space<semaphore_mem>>)
    %dma_start3A_370 = arith.constant 23 : i32
    %dma_start3A_371 = arith.constant 2944 : i32
    %dma_start3A_372 = tpu.memref_slice %arg7[%dma_start3A_371] : memref<4096xf32, #tpu.memory_space<vmem>> -> memref<128xf32, #tpu.memory_space<vmem>>
    %dma_start3A_373 = arith.constant 0 : i32
    %dma_start3A_374 = tpu.memref_slice %arg8[%dma_start3A_370, %dma_start3A_373] : memref<32x128xi32, #tpu.memory_space<vmem>> -> memref<1x128xi32, #tpu.memory_space<vmem>>
    %dma_start3A_375 = tpu.memref_squeeze %dma_start3A_374 : memref<1x128xi32, #tpu.memory_space<vmem>> -> memref<128xi32, #tpu.memory_space<vmem>>
    %dma_start3A_376 = arith.constant 0 : i32
    %dma_start3A_377 = tpu.memref_slice %arg5[%dma_start3A_376] : memref<131072xf32, #tpu.memory_space<hbm>> -> memref<131072xf32, #tpu.memory_space<hbm>>
    tpu.enqueue_indirect_dma source(%dma_start3A_372 : memref<128xf32, #tpu.memory_space<vmem>>) target(%dma_start3A_377 : memref<131072xf32, #tpu.memory_space<hbm>>) offsets(%dma_start3A_375 : memref<128xi32, #tpu.memory_space<vmem>>) semaphore(%arg10 : memref<!tpu.dma_semaphore, #tpu.memory_space<semaphore_mem>>)
    %dma_start3A_378 = arith.constant 23 : i32
    %dma_start3A_379 = arith.constant 2944 : i32
    %dma_start3A_380 = tpu.memref_slice %arg7[%dma_start3A_379] : memref<4096xf32, #tpu.memory_space<vmem>> -> memref<128xf32, #tpu.memory_space<vmem>>
    %dma_start3A_381 = arith.constant 0 : i32
    %dma_start3A_382 = tpu.memref_slice %arg9[%dma_start3A_378, %dma_start3A_381] : memref<32x128xi32, #tpu.memory_space<vmem>> -> memref<1x128xi32, #tpu.memory_space<vmem>>
    %dma_start3A_383 = tpu.memref_squeeze %dma_start3A_382 : memref<1x128xi32, #tpu.memory_space<vmem>> -> memref<128xi32, #tpu.memory_space<vmem>>
    %dma_start3A_384 = arith.constant 0 : i32
    %dma_start3A_385 = tpu.memref_slice %arg6[%dma_start3A_384] : memref<131072xf32, #tpu.memory_space<hbm>> -> memref<131072xf32, #tpu.memory_space<hbm>>
    tpu.enqueue_indirect_dma source(%dma_start3A_380 : memref<128xf32, #tpu.memory_space<vmem>>) target(%dma_start3A_385 : memref<131072xf32, #tpu.memory_space<hbm>>) offsets(%dma_start3A_383 : memref<128xi32, #tpu.memory_space<vmem>>) semaphore(%arg10 : memref<!tpu.dma_semaphore, #tpu.memory_space<semaphore_mem>>)
    %dma_start3A_386 = arith.constant 24 : i32
    %dma_start3A_387 = arith.constant 3072 : i32
    %dma_start3A_388 = tpu.memref_slice %arg7[%dma_start3A_387] : memref<4096xf32, #tpu.memory_space<vmem>> -> memref<128xf32, #tpu.memory_space<vmem>>
    %dma_start3A_389 = arith.constant 0 : i32
    %dma_start3A_390 = tpu.memref_slice %arg8[%dma_start3A_386, %dma_start3A_389] : memref<32x128xi32, #tpu.memory_space<vmem>> -> memref<1x128xi32, #tpu.memory_space<vmem>>
    %dma_start3A_391 = tpu.memref_squeeze %dma_start3A_390 : memref<1x128xi32, #tpu.memory_space<vmem>> -> memref<128xi32, #tpu.memory_space<vmem>>
    %dma_start3A_392 = arith.constant 0 : i32
    %dma_start3A_393 = tpu.memref_slice %arg5[%dma_start3A_392] : memref<131072xf32, #tpu.memory_space<hbm>> -> memref<131072xf32, #tpu.memory_space<hbm>>
    tpu.enqueue_indirect_dma source(%dma_start3A_388 : memref<128xf32, #tpu.memory_space<vmem>>) target(%dma_start3A_393 : memref<131072xf32, #tpu.memory_space<hbm>>) offsets(%dma_start3A_391 : memref<128xi32, #tpu.memory_space<vmem>>) semaphore(%arg10 : memref<!tpu.dma_semaphore, #tpu.memory_space<semaphore_mem>>)
    %dma_start3A_394 = arith.constant 24 : i32
    %dma_start3A_395 = arith.constant 3072 : i32
    %dma_start3A_396 = tpu.memref_slice %arg7[%dma_start3A_395] : memref<4096xf32, #tpu.memory_space<vmem>> -> memref<128xf32, #tpu.memory_space<vmem>>
    %dma_start3A_397 = arith.constant 0 : i32
    %dma_start3A_398 = tpu.memref_slice %arg9[%dma_start3A_394, %dma_start3A_397] : memref<32x128xi32, #tpu.memory_space<vmem>> -> memref<1x128xi32, #tpu.memory_space<vmem>>
    %dma_start3A_399 = tpu.memref_squeeze %dma_start3A_398 : memref<1x128xi32, #tpu.memory_space<vmem>> -> memref<128xi32, #tpu.memory_space<vmem>>
    %dma_start3A_400 = arith.constant 0 : i32
    %dma_start3A_401 = tpu.memref_slice %arg6[%dma_start3A_400] : memref<131072xf32, #tpu.memory_space<hbm>> -> memref<131072xf32, #tpu.memory_space<hbm>>
    tpu.enqueue_indirect_dma source(%dma_start3A_396 : memref<128xf32, #tpu.memory_space<vmem>>) target(%dma_start3A_401 : memref<131072xf32, #tpu.memory_space<hbm>>) offsets(%dma_start3A_399 : memref<128xi32, #tpu.memory_space<vmem>>) semaphore(%arg10 : memref<!tpu.dma_semaphore, #tpu.memory_space<semaphore_mem>>)
    %dma_start3A_402 = arith.constant 25 : i32
    %dma_start3A_403 = arith.constant 3200 : i32
    %dma_start3A_404 = tpu.memref_slice %arg7[%dma_start3A_403] : memref<4096xf32, #tpu.memory_space<vmem>> -> memref<128xf32, #tpu.memory_space<vmem>>
    %dma_start3A_405 = arith.constant 0 : i32
    %dma_start3A_406 = tpu.memref_slice %arg8[%dma_start3A_402, %dma_start3A_405] : memref<32x128xi32, #tpu.memory_space<vmem>> -> memref<1x128xi32, #tpu.memory_space<vmem>>
    %dma_start3A_407 = tpu.memref_squeeze %dma_start3A_406 : memref<1x128xi32, #tpu.memory_space<vmem>> -> memref<128xi32, #tpu.memory_space<vmem>>
    %dma_start3A_408 = arith.constant 0 : i32
    %dma_start3A_409 = tpu.memref_slice %arg5[%dma_start3A_408] : memref<131072xf32, #tpu.memory_space<hbm>> -> memref<131072xf32, #tpu.memory_space<hbm>>
    tpu.enqueue_indirect_dma source(%dma_start3A_404 : memref<128xf32, #tpu.memory_space<vmem>>) target(%dma_start3A_409 : memref<131072xf32, #tpu.memory_space<hbm>>) offsets(%dma_start3A_407 : memref<128xi32, #tpu.memory_space<vmem>>) semaphore(%arg10 : memref<!tpu.dma_semaphore, #tpu.memory_space<semaphore_mem>>)
    %dma_start3A_410 = arith.constant 25 : i32
    %dma_start3A_411 = arith.constant 3200 : i32
    %dma_start3A_412 = tpu.memref_slice %arg7[%dma_start3A_411] : memref<4096xf32, #tpu.memory_space<vmem>> -> memref<128xf32, #tpu.memory_space<vmem>>
    %dma_start3A_413 = arith.constant 0 : i32
    %dma_start3A_414 = tpu.memref_slice %arg9[%dma_start3A_410, %dma_start3A_413] : memref<32x128xi32, #tpu.memory_space<vmem>> -> memref<1x128xi32, #tpu.memory_space<vmem>>
    %dma_start3A_415 = tpu.memref_squeeze %dma_start3A_414 : memref<1x128xi32, #tpu.memory_space<vmem>> -> memref<128xi32, #tpu.memory_space<vmem>>
    %dma_start3A_416 = arith.constant 0 : i32
    %dma_start3A_417 = tpu.memref_slice %arg6[%dma_start3A_416] : memref<131072xf32, #tpu.memory_space<hbm>> -> memref<131072xf32, #tpu.memory_space<hbm>>
    tpu.enqueue_indirect_dma source(%dma_start3A_412 : memref<128xf32, #tpu.memory_space<vmem>>) target(%dma_start3A_417 : memref<131072xf32, #tpu.memory_space<hbm>>) offsets(%dma_start3A_415 : memref<128xi32, #tpu.memory_space<vmem>>) semaphore(%arg10 : memref<!tpu.dma_semaphore, #tpu.memory_space<semaphore_mem>>)
    %dma_start3A_418 = arith.constant 26 : i32
    %dma_start3A_419 = arith.constant 3328 : i32
    %dma_start3A_420 = tpu.memref_slice %arg7[%dma_start3A_419] : memref<4096xf32, #tpu.memory_space<vmem>> -> memref<128xf32, #tpu.memory_space<vmem>>
    %dma_start3A_421 = arith.constant 0 : i32
    %dma_start3A_422 = tpu.memref_slice %arg8[%dma_start3A_418, %dma_start3A_421] : memref<32x128xi32, #tpu.memory_space<vmem>> -> memref<1x128xi32, #tpu.memory_space<vmem>>
    %dma_start3A_423 = tpu.memref_squeeze %dma_start3A_422 : memref<1x128xi32, #tpu.memory_space<vmem>> -> memref<128xi32, #tpu.memory_space<vmem>>
    %dma_start3A_424 = arith.constant 0 : i32
    %dma_start3A_425 = tpu.memref_slice %arg5[%dma_start3A_424] : memref<131072xf32, #tpu.memory_space<hbm>> -> memref<131072xf32, #tpu.memory_space<hbm>>
    tpu.enqueue_indirect_dma source(%dma_start3A_420 : memref<128xf32, #tpu.memory_space<vmem>>) target(%dma_start3A_425 : memref<131072xf32, #tpu.memory_space<hbm>>) offsets(%dma_start3A_423 : memref<128xi32, #tpu.memory_space<vmem>>) semaphore(%arg10 : memref<!tpu.dma_semaphore, #tpu.memory_space<semaphore_mem>>)
    %dma_start3A_426 = arith.constant 26 : i32
    %dma_start3A_427 = arith.constant 3328 : i32
    %dma_start3A_428 = tpu.memref_slice %arg7[%dma_start3A_427] : memref<4096xf32, #tpu.memory_space<vmem>> -> memref<128xf32, #tpu.memory_space<vmem>>
    %dma_start3A_429 = arith.constant 0 : i32
    %dma_start3A_430 = tpu.memref_slice %arg9[%dma_start3A_426, %dma_start3A_429] : memref<32x128xi32, #tpu.memory_space<vmem>> -> memref<1x128xi32, #tpu.memory_space<vmem>>
    %dma_start3A_431 = tpu.memref_squeeze %dma_start3A_430 : memref<1x128xi32, #tpu.memory_space<vmem>> -> memref<128xi32, #tpu.memory_space<vmem>>
    %dma_start3A_432 = arith.constant 0 : i32
    %dma_start3A_433 = tpu.memref_slice %arg6[%dma_start3A_432] : memref<131072xf32, #tpu.memory_space<hbm>> -> memref<131072xf32, #tpu.memory_space<hbm>>
    tpu.enqueue_indirect_dma source(%dma_start3A_428 : memref<128xf32, #tpu.memory_space<vmem>>) target(%dma_start3A_433 : memref<131072xf32, #tpu.memory_space<hbm>>) offsets(%dma_start3A_431 : memref<128xi32, #tpu.memory_space<vmem>>) semaphore(%arg10 : memref<!tpu.dma_semaphore, #tpu.memory_space<semaphore_mem>>)
    %dma_start3A_434 = arith.constant 27 : i32
    %dma_start3A_435 = arith.constant 3456 : i32
    %dma_start3A_436 = tpu.memref_slice %arg7[%dma_start3A_435] : memref<4096xf32, #tpu.memory_space<vmem>> -> memref<128xf32, #tpu.memory_space<vmem>>
    %dma_start3A_437 = arith.constant 0 : i32
    %dma_start3A_438 = tpu.memref_slice %arg8[%dma_start3A_434, %dma_start3A_437] : memref<32x128xi32, #tpu.memory_space<vmem>> -> memref<1x128xi32, #tpu.memory_space<vmem>>
    %dma_start3A_439 = tpu.memref_squeeze %dma_start3A_438 : memref<1x128xi32, #tpu.memory_space<vmem>> -> memref<128xi32, #tpu.memory_space<vmem>>
    %dma_start3A_440 = arith.constant 0 : i32
    %dma_start3A_441 = tpu.memref_slice %arg5[%dma_start3A_440] : memref<131072xf32, #tpu.memory_space<hbm>> -> memref<131072xf32, #tpu.memory_space<hbm>>
    tpu.enqueue_indirect_dma source(%dma_start3A_436 : memref<128xf32, #tpu.memory_space<vmem>>) target(%dma_start3A_441 : memref<131072xf32, #tpu.memory_space<hbm>>) offsets(%dma_start3A_439 : memref<128xi32, #tpu.memory_space<vmem>>) semaphore(%arg10 : memref<!tpu.dma_semaphore, #tpu.memory_space<semaphore_mem>>)
    %dma_start3A_442 = arith.constant 27 : i32
    %dma_start3A_443 = arith.constant 3456 : i32
    %dma_start3A_444 = tpu.memref_slice %arg7[%dma_start3A_443] : memref<4096xf32, #tpu.memory_space<vmem>> -> memref<128xf32, #tpu.memory_space<vmem>>
    %dma_start3A_445 = arith.constant 0 : i32
    %dma_start3A_446 = tpu.memref_slice %arg9[%dma_start3A_442, %dma_start3A_445] : memref<32x128xi32, #tpu.memory_space<vmem>> -> memref<1x128xi32, #tpu.memory_space<vmem>>
    %dma_start3A_447 = tpu.memref_squeeze %dma_start3A_446 : memref<1x128xi32, #tpu.memory_space<vmem>> -> memref<128xi32, #tpu.memory_space<vmem>>
    %dma_start3A_448 = arith.constant 0 : i32
    %dma_start3A_449 = tpu.memref_slice %arg6[%dma_start3A_448] : memref<131072xf32, #tpu.memory_space<hbm>> -> memref<131072xf32, #tpu.memory_space<hbm>>
    tpu.enqueue_indirect_dma source(%dma_start3A_444 : memref<128xf32, #tpu.memory_space<vmem>>) target(%dma_start3A_449 : memref<131072xf32, #tpu.memory_space<hbm>>) offsets(%dma_start3A_447 : memref<128xi32, #tpu.memory_space<vmem>>) semaphore(%arg10 : memref<!tpu.dma_semaphore, #tpu.memory_space<semaphore_mem>>)
    %dma_start3A_450 = arith.constant 28 : i32
    %dma_start3A_451 = arith.constant 3584 : i32
    %dma_start3A_452 = tpu.memref_slice %arg7[%dma_start3A_451] : memref<4096xf32, #tpu.memory_space<vmem>> -> memref<128xf32, #tpu.memory_space<vmem>>
    %dma_start3A_453 = arith.constant 0 : i32
    %dma_start3A_454 = tpu.memref_slice %arg8[%dma_start3A_450, %dma_start3A_453] : memref<32x128xi32, #tpu.memory_space<vmem>> -> memref<1x128xi32, #tpu.memory_space<vmem>>
    %dma_start3A_455 = tpu.memref_squeeze %dma_start3A_454 : memref<1x128xi32, #tpu.memory_space<vmem>> -> memref<128xi32, #tpu.memory_space<vmem>>
    %dma_start3A_456 = arith.constant 0 : i32
    %dma_start3A_457 = tpu.memref_slice %arg5[%dma_start3A_456] : memref<131072xf32, #tpu.memory_space<hbm>> -> memref<131072xf32, #tpu.memory_space<hbm>>
    tpu.enqueue_indirect_dma source(%dma_start3A_452 : memref<128xf32, #tpu.memory_space<vmem>>) target(%dma_start3A_457 : memref<131072xf32, #tpu.memory_space<hbm>>) offsets(%dma_start3A_455 : memref<128xi32, #tpu.memory_space<vmem>>) semaphore(%arg10 : memref<!tpu.dma_semaphore, #tpu.memory_space<semaphore_mem>>)
    %dma_start3A_458 = arith.constant 28 : i32
    %dma_start3A_459 = arith.constant 3584 : i32
    %dma_start3A_460 = tpu.memref_slice %arg7[%dma_start3A_459] : memref<4096xf32, #tpu.memory_space<vmem>> -> memref<128xf32, #tpu.memory_space<vmem>>
    %dma_start3A_461 = arith.constant 0 : i32
    %dma_start3A_462 = tpu.memref_slice %arg9[%dma_start3A_458, %dma_start3A_461] : memref<32x128xi32, #tpu.memory_space<vmem>> -> memref<1x128xi32, #tpu.memory_space<vmem>>
    %dma_start3A_463 = tpu.memref_squeeze %dma_start3A_462 : memref<1x128xi32, #tpu.memory_space<vmem>> -> memref<128xi32, #tpu.memory_space<vmem>>
    %dma_start3A_464 = arith.constant 0 : i32
    %dma_start3A_465 = tpu.memref_slice %arg6[%dma_start3A_464] : memref<131072xf32, #tpu.memory_space<hbm>> -> memref<131072xf32, #tpu.memory_space<hbm>>
    tpu.enqueue_indirect_dma source(%dma_start3A_460 : memref<128xf32, #tpu.memory_space<vmem>>) target(%dma_start3A_465 : memref<131072xf32, #tpu.memory_space<hbm>>) offsets(%dma_start3A_463 : memref<128xi32, #tpu.memory_space<vmem>>) semaphore(%arg10 : memref<!tpu.dma_semaphore, #tpu.memory_space<semaphore_mem>>)
    %dma_start3A_466 = arith.constant 29 : i32
    %dma_start3A_467 = arith.constant 3712 : i32
    %dma_start3A_468 = tpu.memref_slice %arg7[%dma_start3A_467] : memref<4096xf32, #tpu.memory_space<vmem>> -> memref<128xf32, #tpu.memory_space<vmem>>
    %dma_start3A_469 = arith.constant 0 : i32
    %dma_start3A_470 = tpu.memref_slice %arg8[%dma_start3A_466, %dma_start3A_469] : memref<32x128xi32, #tpu.memory_space<vmem>> -> memref<1x128xi32, #tpu.memory_space<vmem>>
    %dma_start3A_471 = tpu.memref_squeeze %dma_start3A_470 : memref<1x128xi32, #tpu.memory_space<vmem>> -> memref<128xi32, #tpu.memory_space<vmem>>
    %dma_start3A_472 = arith.constant 0 : i32
    %dma_start3A_473 = tpu.memref_slice %arg5[%dma_start3A_472] : memref<131072xf32, #tpu.memory_space<hbm>> -> memref<131072xf32, #tpu.memory_space<hbm>>
    tpu.enqueue_indirect_dma source(%dma_start3A_468 : memref<128xf32, #tpu.memory_space<vmem>>) target(%dma_start3A_473 : memref<131072xf32, #tpu.memory_space<hbm>>) offsets(%dma_start3A_471 : memref<128xi32, #tpu.memory_space<vmem>>) semaphore(%arg10 : memref<!tpu.dma_semaphore, #tpu.memory_space<semaphore_mem>>)
    %dma_start3A_474 = arith.constant 29 : i32
    %dma_start3A_475 = arith.constant 3712 : i32
    %dma_start3A_476 = tpu.memref_slice %arg7[%dma_start3A_475] : memref<4096xf32, #tpu.memory_space<vmem>> -> memref<128xf32, #tpu.memory_space<vmem>>
    %dma_start3A_477 = arith.constant 0 : i32
    %dma_start3A_478 = tpu.memref_slice %arg9[%dma_start3A_474, %dma_start3A_477] : memref<32x128xi32, #tpu.memory_space<vmem>> -> memref<1x128xi32, #tpu.memory_space<vmem>>
    %dma_start3A_479 = tpu.memref_squeeze %dma_start3A_478 : memref<1x128xi32, #tpu.memory_space<vmem>> -> memref<128xi32, #tpu.memory_space<vmem>>
    %dma_start3A_480 = arith.constant 0 : i32
    %dma_start3A_481 = tpu.memref_slice %arg6[%dma_start3A_480] : memref<131072xf32, #tpu.memory_space<hbm>> -> memref<131072xf32, #tpu.memory_space<hbm>>
    tpu.enqueue_indirect_dma source(%dma_start3A_476 : memref<128xf32, #tpu.memory_space<vmem>>) target(%dma_start3A_481 : memref<131072xf32, #tpu.memory_space<hbm>>) offsets(%dma_start3A_479 : memref<128xi32, #tpu.memory_space<vmem>>) semaphore(%arg10 : memref<!tpu.dma_semaphore, #tpu.memory_space<semaphore_mem>>)
    %dma_start3A_482 = arith.constant 30 : i32
    %dma_start3A_483 = arith.constant 3840 : i32
    %dma_start3A_484 = tpu.memref_slice %arg7[%dma_start3A_483] : memref<4096xf32, #tpu.memory_space<vmem>> -> memref<128xf32, #tpu.memory_space<vmem>>
    %dma_start3A_485 = arith.constant 0 : i32
    %dma_start3A_486 = tpu.memref_slice %arg8[%dma_start3A_482, %dma_start3A_485] : memref<32x128xi32, #tpu.memory_space<vmem>> -> memref<1x128xi32, #tpu.memory_space<vmem>>
    %dma_start3A_487 = tpu.memref_squeeze %dma_start3A_486 : memref<1x128xi32, #tpu.memory_space<vmem>> -> memref<128xi32, #tpu.memory_space<vmem>>
    %dma_start3A_488 = arith.constant 0 : i32
    %dma_start3A_489 = tpu.memref_slice %arg5[%dma_start3A_488] : memref<131072xf32, #tpu.memory_space<hbm>> -> memref<131072xf32, #tpu.memory_space<hbm>>
    tpu.enqueue_indirect_dma source(%dma_start3A_484 : memref<128xf32, #tpu.memory_space<vmem>>) target(%dma_start3A_489 : memref<131072xf32, #tpu.memory_space<hbm>>) offsets(%dma_start3A_487 : memref<128xi32, #tpu.memory_space<vmem>>) semaphore(%arg10 : memref<!tpu.dma_semaphore, #tpu.memory_space<semaphore_mem>>)
    %dma_start3A_490 = arith.constant 30 : i32
    %dma_start3A_491 = arith.constant 3840 : i32
    %dma_start3A_492 = tpu.memref_slice %arg7[%dma_start3A_491] : memref<4096xf32, #tpu.memory_space<vmem>> -> memref<128xf32, #tpu.memory_space<vmem>>
    %dma_start3A_493 = arith.constant 0 : i32
    %dma_start3A_494 = tpu.memref_slice %arg9[%dma_start3A_490, %dma_start3A_493] : memref<32x128xi32, #tpu.memory_space<vmem>> -> memref<1x128xi32, #tpu.memory_space<vmem>>
    %dma_start3A_495 = tpu.memref_squeeze %dma_start3A_494 : memref<1x128xi32, #tpu.memory_space<vmem>> -> memref<128xi32, #tpu.memory_space<vmem>>
    %dma_start3A_496 = arith.constant 0 : i32
    %dma_start3A_497 = tpu.memref_slice %arg6[%dma_start3A_496] : memref<131072xf32, #tpu.memory_space<hbm>> -> memref<131072xf32, #tpu.memory_space<hbm>>
    tpu.enqueue_indirect_dma source(%dma_start3A_492 : memref<128xf32, #tpu.memory_space<vmem>>) target(%dma_start3A_497 : memref<131072xf32, #tpu.memory_space<hbm>>) offsets(%dma_start3A_495 : memref<128xi32, #tpu.memory_space<vmem>>) semaphore(%arg10 : memref<!tpu.dma_semaphore, #tpu.memory_space<semaphore_mem>>)
    %dma_start3A_498 = arith.constant 31 : i32
    %dma_start3A_499 = arith.constant 3968 : i32
    %dma_start3A_500 = tpu.memref_slice %arg7[%dma_start3A_499] : memref<4096xf32, #tpu.memory_space<vmem>> -> memref<128xf32, #tpu.memory_space<vmem>>
    %dma_start3A_501 = arith.constant 0 : i32
    %dma_start3A_502 = tpu.memref_slice %arg8[%dma_start3A_498, %dma_start3A_501] : memref<32x128xi32, #tpu.memory_space<vmem>> -> memref<1x128xi32, #tpu.memory_space<vmem>>
    %dma_start3A_503 = tpu.memref_squeeze %dma_start3A_502 : memref<1x128xi32, #tpu.memory_space<vmem>> -> memref<128xi32, #tpu.memory_space<vmem>>
    %dma_start3A_504 = arith.constant 0 : i32
    %dma_start3A_505 = tpu.memref_slice %arg5[%dma_start3A_504] : memref<131072xf32, #tpu.memory_space<hbm>> -> memref<131072xf32, #tpu.memory_space<hbm>>
    tpu.enqueue_indirect_dma source(%dma_start3A_500 : memref<128xf32, #tpu.memory_space<vmem>>) target(%dma_start3A_505 : memref<131072xf32, #tpu.memory_space<hbm>>) offsets(%dma_start3A_503 : memref<128xi32, #tpu.memory_space<vmem>>) semaphore(%arg10 : memref<!tpu.dma_semaphore, #tpu.memory_space<semaphore_mem>>)
    %dma_start3A_506 = arith.constant 31 : i32
    %dma_start3A_507 = arith.constant 3968 : i32
    %dma_start3A_508 = tpu.memref_slice %arg7[%dma_start3A_507] : memref<4096xf32, #tpu.memory_space<vmem>> -> memref<128xf32, #tpu.memory_space<vmem>>
    %dma_start3A_509 = arith.constant 0 : i32
    %dma_start3A_510 = tpu.memref_slice %arg9[%dma_start3A_506, %dma_start3A_509] : memref<32x128xi32, #tpu.memory_space<vmem>> -> memref<1x128xi32, #tpu.memory_space<vmem>>
    %dma_start3A_511 = tpu.memref_squeeze %dma_start3A_510 : memref<1x128xi32, #tpu.memory_space<vmem>> -> memref<128xi32, #tpu.memory_space<vmem>>
    %dma_start3A_512 = arith.constant 0 : i32
    %dma_start3A_513 = tpu.memref_slice %arg6[%dma_start3A_512] : memref<131072xf32, #tpu.memory_space<hbm>> -> memref<131072xf32, #tpu.memory_space<hbm>>
    tpu.enqueue_indirect_dma source(%dma_start3A_508 : memref<128xf32, #tpu.memory_space<vmem>>) target(%dma_start3A_513 : memref<131072xf32, #tpu.memory_space<hbm>>) offsets(%dma_start3A_511 : memref<128xi32, #tpu.memory_space<vmem>>) semaphore(%arg10 : memref<!tpu.dma_semaphore, #tpu.memory_space<semaphore_mem>>)
    %dma_wait3A = arith.constant 0 : i32
    %dma_wait3A_514 = arith.constant 0 : i32
    %dma_wait3A_515 = tpu.memref_slice %arg7[%dma_wait3A_514] : memref<4096xf32, #tpu.memory_space<vmem>> -> memref<128xf32, #tpu.memory_space<vmem>>
    %dma_wait3A_516 = arith.constant 0 : i32
    %dma_wait3A_517 = tpu.memref_slice %arg8[%dma_wait3A, %dma_wait3A_516] : memref<32x128xi32, #tpu.memory_space<vmem>> -> memref<1x128xi32, #tpu.memory_space<vmem>>
    %dma_wait3A_518 = tpu.memref_squeeze %dma_wait3A_517 : memref<1x128xi32, #tpu.memory_space<vmem>> -> memref<128xi32, #tpu.memory_space<vmem>>
    %dma_wait3A_519 = arith.constant 0 : i32
    %dma_wait3A_520 = tpu.memref_slice %arg5[%dma_wait3A_519] : memref<131072xf32, #tpu.memory_space<hbm>> -> memref<131072xf32, #tpu.memory_space<hbm>>
    tpu.wait_indirect_dma semaphore(%arg10 : memref<!tpu.dma_semaphore, #tpu.memory_space<semaphore_mem>>) src(%dma_wait3A_515 : memref<128xf32, #tpu.memory_space<vmem>>) dst(%dma_wait3A_520 : memref<131072xf32, #tpu.memory_space<hbm>>)
    %dma_wait3A_521 = arith.constant 0 : i32
    %dma_wait3A_522 = arith.constant 0 : i32
    %dma_wait3A_523 = tpu.memref_slice %arg7[%dma_wait3A_522] : memref<4096xf32, #tpu.memory_space<vmem>> -> memref<128xf32, #tpu.memory_space<vmem>>
    %dma_wait3A_524 = arith.constant 0 : i32
    %dma_wait3A_525 = tpu.memref_slice %arg9[%dma_wait3A_521, %dma_wait3A_524] : memref<32x128xi32, #tpu.memory_space<vmem>> -> memref<1x128xi32, #tpu.memory_space<vmem>>
    %dma_wait3A_526 = tpu.memref_squeeze %dma_wait3A_525 : memref<1x128xi32, #tpu.memory_space<vmem>> -> memref<128xi32, #tpu.memory_space<vmem>>
    %dma_wait3A_527 = arith.constant 0 : i32
    %dma_wait3A_528 = tpu.memref_slice %arg6[%dma_wait3A_527] : memref<131072xf32, #tpu.memory_space<hbm>> -> memref<131072xf32, #tpu.memory_space<hbm>>
    tpu.wait_indirect_dma semaphore(%arg10 : memref<!tpu.dma_semaphore, #tpu.memory_space<semaphore_mem>>) src(%dma_wait3A_523 : memref<128xf32, #tpu.memory_space<vmem>>) dst(%dma_wait3A_528 : memref<131072xf32, #tpu.memory_space<hbm>>)
    %dma_wait3A_529 = arith.constant 1 : i32
    %dma_wait3A_530 = arith.constant 128 : i32
    %dma_wait3A_531 = tpu.memref_slice %arg7[%dma_wait3A_530] : memref<4096xf32, #tpu.memory_space<vmem>> -> memref<128xf32, #tpu.memory_space<vmem>>
    %dma_wait3A_532 = arith.constant 0 : i32
    %dma_wait3A_533 = tpu.memref_slice %arg8[%dma_wait3A_529, %dma_wait3A_532] : memref<32x128xi32, #tpu.memory_space<vmem>> -> memref<1x128xi32, #tpu.memory_space<vmem>>
    %dma_wait3A_534 = tpu.memref_squeeze %dma_wait3A_533 : memref<1x128xi32, #tpu.memory_space<vmem>> -> memref<128xi32, #tpu.memory_space<vmem>>
    %dma_wait3A_535 = arith.constant 0 : i32
    %dma_wait3A_536 = tpu.memref_slice %arg5[%dma_wait3A_535] : memref<131072xf32, #tpu.memory_space<hbm>> -> memref<131072xf32, #tpu.memory_space<hbm>>
    tpu.wait_indirect_dma semaphore(%arg10 : memref<!tpu.dma_semaphore, #tpu.memory_space<semaphore_mem>>) src(%dma_wait3A_531 : memref<128xf32, #tpu.memory_space<vmem>>) dst(%dma_wait3A_536 : memref<131072xf32, #tpu.memory_space<hbm>>)
    %dma_wait3A_537 = arith.constant 1 : i32
    %dma_wait3A_538 = arith.constant 128 : i32
    %dma_wait3A_539 = tpu.memref_slice %arg7[%dma_wait3A_538] : memref<4096xf32, #tpu.memory_space<vmem>> -> memref<128xf32, #tpu.memory_space<vmem>>
    %dma_wait3A_540 = arith.constant 0 : i32
    %dma_wait3A_541 = tpu.memref_slice %arg9[%dma_wait3A_537, %dma_wait3A_540] : memref<32x128xi32, #tpu.memory_space<vmem>> -> memref<1x128xi32, #tpu.memory_space<vmem>>
    %dma_wait3A_542 = tpu.memref_squeeze %dma_wait3A_541 : memref<1x128xi32, #tpu.memory_space<vmem>> -> memref<128xi32, #tpu.memory_space<vmem>>
    %dma_wait3A_543 = arith.constant 0 : i32
    %dma_wait3A_544 = tpu.memref_slice %arg6[%dma_wait3A_543] : memref<131072xf32, #tpu.memory_space<hbm>> -> memref<131072xf32, #tpu.memory_space<hbm>>
    tpu.wait_indirect_dma semaphore(%arg10 : memref<!tpu.dma_semaphore, #tpu.memory_space<semaphore_mem>>) src(%dma_wait3A_539 : memref<128xf32, #tpu.memory_space<vmem>>) dst(%dma_wait3A_544 : memref<131072xf32, #tpu.memory_space<hbm>>)
    %dma_wait3A_545 = arith.constant 2 : i32
    %dma_wait3A_546 = arith.constant 256 : i32
    %dma_wait3A_547 = tpu.memref_slice %arg7[%dma_wait3A_546] : memref<4096xf32, #tpu.memory_space<vmem>> -> memref<128xf32, #tpu.memory_space<vmem>>
    %dma_wait3A_548 = arith.constant 0 : i32
    %dma_wait3A_549 = tpu.memref_slice %arg8[%dma_wait3A_545, %dma_wait3A_548] : memref<32x128xi32, #tpu.memory_space<vmem>> -> memref<1x128xi32, #tpu.memory_space<vmem>>
    %dma_wait3A_550 = tpu.memref_squeeze %dma_wait3A_549 : memref<1x128xi32, #tpu.memory_space<vmem>> -> memref<128xi32, #tpu.memory_space<vmem>>
    %dma_wait3A_551 = arith.constant 0 : i32
    %dma_wait3A_552 = tpu.memref_slice %arg5[%dma_wait3A_551] : memref<131072xf32, #tpu.memory_space<hbm>> -> memref<131072xf32, #tpu.memory_space<hbm>>
    tpu.wait_indirect_dma semaphore(%arg10 : memref<!tpu.dma_semaphore, #tpu.memory_space<semaphore_mem>>) src(%dma_wait3A_547 : memref<128xf32, #tpu.memory_space<vmem>>) dst(%dma_wait3A_552 : memref<131072xf32, #tpu.memory_space<hbm>>)
    %dma_wait3A_553 = arith.constant 2 : i32
    %dma_wait3A_554 = arith.constant 256 : i32
    %dma_wait3A_555 = tpu.memref_slice %arg7[%dma_wait3A_554] : memref<4096xf32, #tpu.memory_space<vmem>> -> memref<128xf32, #tpu.memory_space<vmem>>
    %dma_wait3A_556 = arith.constant 0 : i32
    %dma_wait3A_557 = tpu.memref_slice %arg9[%dma_wait3A_553, %dma_wait3A_556] : memref<32x128xi32, #tpu.memory_space<vmem>> -> memref<1x128xi32, #tpu.memory_space<vmem>>
    %dma_wait3A_558 = tpu.memref_squeeze %dma_wait3A_557 : memref<1x128xi32, #tpu.memory_space<vmem>> -> memref<128xi32, #tpu.memory_space<vmem>>
    %dma_wait3A_559 = arith.constant 0 : i32
    %dma_wait3A_560 = tpu.memref_slice %arg6[%dma_wait3A_559] : memref<131072xf32, #tpu.memory_space<hbm>> -> memref<131072xf32, #tpu.memory_space<hbm>>
    tpu.wait_indirect_dma semaphore(%arg10 : memref<!tpu.dma_semaphore, #tpu.memory_space<semaphore_mem>>) src(%dma_wait3A_555 : memref<128xf32, #tpu.memory_space<vmem>>) dst(%dma_wait3A_560 : memref<131072xf32, #tpu.memory_space<hbm>>)
    %dma_wait3A_561 = arith.constant 3 : i32
    %dma_wait3A_562 = arith.constant 384 : i32
    %dma_wait3A_563 = tpu.memref_slice %arg7[%dma_wait3A_562] : memref<4096xf32, #tpu.memory_space<vmem>> -> memref<128xf32, #tpu.memory_space<vmem>>
    %dma_wait3A_564 = arith.constant 0 : i32
    %dma_wait3A_565 = tpu.memref_slice %arg8[%dma_wait3A_561, %dma_wait3A_564] : memref<32x128xi32, #tpu.memory_space<vmem>> -> memref<1x128xi32, #tpu.memory_space<vmem>>
    %dma_wait3A_566 = tpu.memref_squeeze %dma_wait3A_565 : memref<1x128xi32, #tpu.memory_space<vmem>> -> memref<128xi32, #tpu.memory_space<vmem>>
    %dma_wait3A_567 = arith.constant 0 : i32
    %dma_wait3A_568 = tpu.memref_slice %arg5[%dma_wait3A_567] : memref<131072xf32, #tpu.memory_space<hbm>> -> memref<131072xf32, #tpu.memory_space<hbm>>
    tpu.wait_indirect_dma semaphore(%arg10 : memref<!tpu.dma_semaphore, #tpu.memory_space<semaphore_mem>>) src(%dma_wait3A_563 : memref<128xf32, #tpu.memory_space<vmem>>) dst(%dma_wait3A_568 : memref<131072xf32, #tpu.memory_space<hbm>>)
    %dma_wait3A_569 = arith.constant 3 : i32
    %dma_wait3A_570 = arith.constant 384 : i32
    %dma_wait3A_571 = tpu.memref_slice %arg7[%dma_wait3A_570] : memref<4096xf32, #tpu.memory_space<vmem>> -> memref<128xf32, #tpu.memory_space<vmem>>
    %dma_wait3A_572 = arith.constant 0 : i32
    %dma_wait3A_573 = tpu.memref_slice %arg9[%dma_wait3A_569, %dma_wait3A_572] : memref<32x128xi32, #tpu.memory_space<vmem>> -> memref<1x128xi32, #tpu.memory_space<vmem>>
    %dma_wait3A_574 = tpu.memref_squeeze %dma_wait3A_573 : memref<1x128xi32, #tpu.memory_space<vmem>> -> memref<128xi32, #tpu.memory_space<vmem>>
    %dma_wait3A_575 = arith.constant 0 : i32
    %dma_wait3A_576 = tpu.memref_slice %arg6[%dma_wait3A_575] : memref<131072xf32, #tpu.memory_space<hbm>> -> memref<131072xf32, #tpu.memory_space<hbm>>
    tpu.wait_indirect_dma semaphore(%arg10 : memref<!tpu.dma_semaphore, #tpu.memory_space<semaphore_mem>>) src(%dma_wait3A_571 : memref<128xf32, #tpu.memory_space<vmem>>) dst(%dma_wait3A_576 : memref<131072xf32, #tpu.memory_space<hbm>>)
    %dma_wait3A_577 = arith.constant 4 : i32
    %dma_wait3A_578 = arith.constant 512 : i32
    %dma_wait3A_579 = tpu.memref_slice %arg7[%dma_wait3A_578] : memref<4096xf32, #tpu.memory_space<vmem>> -> memref<128xf32, #tpu.memory_space<vmem>>
    %dma_wait3A_580 = arith.constant 0 : i32
    %dma_wait3A_581 = tpu.memref_slice %arg8[%dma_wait3A_577, %dma_wait3A_580] : memref<32x128xi32, #tpu.memory_space<vmem>> -> memref<1x128xi32, #tpu.memory_space<vmem>>
    %dma_wait3A_582 = tpu.memref_squeeze %dma_wait3A_581 : memref<1x128xi32, #tpu.memory_space<vmem>> -> memref<128xi32, #tpu.memory_space<vmem>>
    %dma_wait3A_583 = arith.constant 0 : i32
    %dma_wait3A_584 = tpu.memref_slice %arg5[%dma_wait3A_583] : memref<131072xf32, #tpu.memory_space<hbm>> -> memref<131072xf32, #tpu.memory_space<hbm>>
    tpu.wait_indirect_dma semaphore(%arg10 : memref<!tpu.dma_semaphore, #tpu.memory_space<semaphore_mem>>) src(%dma_wait3A_579 : memref<128xf32, #tpu.memory_space<vmem>>) dst(%dma_wait3A_584 : memref<131072xf32, #tpu.memory_space<hbm>>)
    %dma_wait3A_585 = arith.constant 4 : i32
    %dma_wait3A_586 = arith.constant 512 : i32
    %dma_wait3A_587 = tpu.memref_slice %arg7[%dma_wait3A_586] : memref<4096xf32, #tpu.memory_space<vmem>> -> memref<128xf32, #tpu.memory_space<vmem>>
    %dma_wait3A_588 = arith.constant 0 : i32
    %dma_wait3A_589 = tpu.memref_slice %arg9[%dma_wait3A_585, %dma_wait3A_588] : memref<32x128xi32, #tpu.memory_space<vmem>> -> memref<1x128xi32, #tpu.memory_space<vmem>>
    %dma_wait3A_590 = tpu.memref_squeeze %dma_wait3A_589 : memref<1x128xi32, #tpu.memory_space<vmem>> -> memref<128xi32, #tpu.memory_space<vmem>>
    %dma_wait3A_591 = arith.constant 0 : i32
    %dma_wait3A_592 = tpu.memref_slice %arg6[%dma_wait3A_591] : memref<131072xf32, #tpu.memory_space<hbm>> -> memref<131072xf32, #tpu.memory_space<hbm>>
    tpu.wait_indirect_dma semaphore(%arg10 : memref<!tpu.dma_semaphore, #tpu.memory_space<semaphore_mem>>) src(%dma_wait3A_587 : memref<128xf32, #tpu.memory_space<vmem>>) dst(%dma_wait3A_592 : memref<131072xf32, #tpu.memory_space<hbm>>)
    %dma_wait3A_593 = arith.constant 5 : i32
    %dma_wait3A_594 = arith.constant 640 : i32
    %dma_wait3A_595 = tpu.memref_slice %arg7[%dma_wait3A_594] : memref<4096xf32, #tpu.memory_space<vmem>> -> memref<128xf32, #tpu.memory_space<vmem>>
    %dma_wait3A_596 = arith.constant 0 : i32
    %dma_wait3A_597 = tpu.memref_slice %arg8[%dma_wait3A_593, %dma_wait3A_596] : memref<32x128xi32, #tpu.memory_space<vmem>> -> memref<1x128xi32, #tpu.memory_space<vmem>>
    %dma_wait3A_598 = tpu.memref_squeeze %dma_wait3A_597 : memref<1x128xi32, #tpu.memory_space<vmem>> -> memref<128xi32, #tpu.memory_space<vmem>>
    %dma_wait3A_599 = arith.constant 0 : i32
    %dma_wait3A_600 = tpu.memref_slice %arg5[%dma_wait3A_599] : memref<131072xf32, #tpu.memory_space<hbm>> -> memref<131072xf32, #tpu.memory_space<hbm>>
    tpu.wait_indirect_dma semaphore(%arg10 : memref<!tpu.dma_semaphore, #tpu.memory_space<semaphore_mem>>) src(%dma_wait3A_595 : memref<128xf32, #tpu.memory_space<vmem>>) dst(%dma_wait3A_600 : memref<131072xf32, #tpu.memory_space<hbm>>)
    %dma_wait3A_601 = arith.constant 5 : i32
    %dma_wait3A_602 = arith.constant 640 : i32
    %dma_wait3A_603 = tpu.memref_slice %arg7[%dma_wait3A_602] : memref<4096xf32, #tpu.memory_space<vmem>> -> memref<128xf32, #tpu.memory_space<vmem>>
    %dma_wait3A_604 = arith.constant 0 : i32
    %dma_wait3A_605 = tpu.memref_slice %arg9[%dma_wait3A_601, %dma_wait3A_604] : memref<32x128xi32, #tpu.memory_space<vmem>> -> memref<1x128xi32, #tpu.memory_space<vmem>>
    %dma_wait3A_606 = tpu.memref_squeeze %dma_wait3A_605 : memref<1x128xi32, #tpu.memory_space<vmem>> -> memref<128xi32, #tpu.memory_space<vmem>>
    %dma_wait3A_607 = arith.constant 0 : i32
    %dma_wait3A_608 = tpu.memref_slice %arg6[%dma_wait3A_607] : memref<131072xf32, #tpu.memory_space<hbm>> -> memref<131072xf32, #tpu.memory_space<hbm>>
    tpu.wait_indirect_dma semaphore(%arg10 : memref<!tpu.dma_semaphore, #tpu.memory_space<semaphore_mem>>) src(%dma_wait3A_603 : memref<128xf32, #tpu.memory_space<vmem>>) dst(%dma_wait3A_608 : memref<131072xf32, #tpu.memory_space<hbm>>)
    %dma_wait3A_609 = arith.constant 6 : i32
    %dma_wait3A_610 = arith.constant 768 : i32
    %dma_wait3A_611 = tpu.memref_slice %arg7[%dma_wait3A_610] : memref<4096xf32, #tpu.memory_space<vmem>> -> memref<128xf32, #tpu.memory_space<vmem>>
    %dma_wait3A_612 = arith.constant 0 : i32
    %dma_wait3A_613 = tpu.memref_slice %arg8[%dma_wait3A_609, %dma_wait3A_612] : memref<32x128xi32, #tpu.memory_space<vmem>> -> memref<1x128xi32, #tpu.memory_space<vmem>>
    %dma_wait3A_614 = tpu.memref_squeeze %dma_wait3A_613 : memref<1x128xi32, #tpu.memory_space<vmem>> -> memref<128xi32, #tpu.memory_space<vmem>>
    %dma_wait3A_615 = arith.constant 0 : i32
    %dma_wait3A_616 = tpu.memref_slice %arg5[%dma_wait3A_615] : memref<131072xf32, #tpu.memory_space<hbm>> -> memref<131072xf32, #tpu.memory_space<hbm>>
    tpu.wait_indirect_dma semaphore(%arg10 : memref<!tpu.dma_semaphore, #tpu.memory_space<semaphore_mem>>) src(%dma_wait3A_611 : memref<128xf32, #tpu.memory_space<vmem>>) dst(%dma_wait3A_616 : memref<131072xf32, #tpu.memory_space<hbm>>)
    %dma_wait3A_617 = arith.constant 6 : i32
    %dma_wait3A_618 = arith.constant 768 : i32
    %dma_wait3A_619 = tpu.memref_slice %arg7[%dma_wait3A_618] : memref<4096xf32, #tpu.memory_space<vmem>> -> memref<128xf32, #tpu.memory_space<vmem>>
    %dma_wait3A_620 = arith.constant 0 : i32
    %dma_wait3A_621 = tpu.memref_slice %arg9[%dma_wait3A_617, %dma_wait3A_620] : memref<32x128xi32, #tpu.memory_space<vmem>> -> memref<1x128xi32, #tpu.memory_space<vmem>>
    %dma_wait3A_622 = tpu.memref_squeeze %dma_wait3A_621 : memref<1x128xi32, #tpu.memory_space<vmem>> -> memref<128xi32, #tpu.memory_space<vmem>>
    %dma_wait3A_623 = arith.constant 0 : i32
    %dma_wait3A_624 = tpu.memref_slice %arg6[%dma_wait3A_623] : memref<131072xf32, #tpu.memory_space<hbm>> -> memref<131072xf32, #tpu.memory_space<hbm>>
    tpu.wait_indirect_dma semaphore(%arg10 : memref<!tpu.dma_semaphore, #tpu.memory_space<semaphore_mem>>) src(%dma_wait3A_619 : memref<128xf32, #tpu.memory_space<vmem>>) dst(%dma_wait3A_624 : memref<131072xf32, #tpu.memory_space<hbm>>)
    %dma_wait3A_625 = arith.constant 7 : i32
    %dma_wait3A_626 = arith.constant 896 : i32
    %dma_wait3A_627 = tpu.memref_slice %arg7[%dma_wait3A_626] : memref<4096xf32, #tpu.memory_space<vmem>> -> memref<128xf32, #tpu.memory_space<vmem>>
    %dma_wait3A_628 = arith.constant 0 : i32
    %dma_wait3A_629 = tpu.memref_slice %arg8[%dma_wait3A_625, %dma_wait3A_628] : memref<32x128xi32, #tpu.memory_space<vmem>> -> memref<1x128xi32, #tpu.memory_space<vmem>>
    %dma_wait3A_630 = tpu.memref_squeeze %dma_wait3A_629 : memref<1x128xi32, #tpu.memory_space<vmem>> -> memref<128xi32, #tpu.memory_space<vmem>>
    %dma_wait3A_631 = arith.constant 0 : i32
    %dma_wait3A_632 = tpu.memref_slice %arg5[%dma_wait3A_631] : memref<131072xf32, #tpu.memory_space<hbm>> -> memref<131072xf32, #tpu.memory_space<hbm>>
    tpu.wait_indirect_dma semaphore(%arg10 : memref<!tpu.dma_semaphore, #tpu.memory_space<semaphore_mem>>) src(%dma_wait3A_627 : memref<128xf32, #tpu.memory_space<vmem>>) dst(%dma_wait3A_632 : memref<131072xf32, #tpu.memory_space<hbm>>)
    %dma_wait3A_633 = arith.constant 7 : i32
    %dma_wait3A_634 = arith.constant 896 : i32
    %dma_wait3A_635 = tpu.memref_slice %arg7[%dma_wait3A_634] : memref<4096xf32, #tpu.memory_space<vmem>> -> memref<128xf32, #tpu.memory_space<vmem>>
    %dma_wait3A_636 = arith.constant 0 : i32
    %dma_wait3A_637 = tpu.memref_slice %arg9[%dma_wait3A_633, %dma_wait3A_636] : memref<32x128xi32, #tpu.memory_space<vmem>> -> memref<1x128xi32, #tpu.memory_space<vmem>>
    %dma_wait3A_638 = tpu.memref_squeeze %dma_wait3A_637 : memref<1x128xi32, #tpu.memory_space<vmem>> -> memref<128xi32, #tpu.memory_space<vmem>>
    %dma_wait3A_639 = arith.constant 0 : i32
    %dma_wait3A_640 = tpu.memref_slice %arg6[%dma_wait3A_639] : memref<131072xf32, #tpu.memory_space<hbm>> -> memref<131072xf32, #tpu.memory_space<hbm>>
    tpu.wait_indirect_dma semaphore(%arg10 : memref<!tpu.dma_semaphore, #tpu.memory_space<semaphore_mem>>) src(%dma_wait3A_635 : memref<128xf32, #tpu.memory_space<vmem>>) dst(%dma_wait3A_640 : memref<131072xf32, #tpu.memory_space<hbm>>)
    %dma_wait3A_641 = arith.constant 8 : i32
    %dma_wait3A_642 = arith.constant 1024 : i32
    %dma_wait3A_643 = tpu.memref_slice %arg7[%dma_wait3A_642] : memref<4096xf32, #tpu.memory_space<vmem>> -> memref<128xf32, #tpu.memory_space<vmem>>
    %dma_wait3A_644 = arith.constant 0 : i32
    %dma_wait3A_645 = tpu.memref_slice %arg8[%dma_wait3A_641, %dma_wait3A_644] : memref<32x128xi32, #tpu.memory_space<vmem>> -> memref<1x128xi32, #tpu.memory_space<vmem>>
    %dma_wait3A_646 = tpu.memref_squeeze %dma_wait3A_645 : memref<1x128xi32, #tpu.memory_space<vmem>> -> memref<128xi32, #tpu.memory_space<vmem>>
    %dma_wait3A_647 = arith.constant 0 : i32
    %dma_wait3A_648 = tpu.memref_slice %arg5[%dma_wait3A_647] : memref<131072xf32, #tpu.memory_space<hbm>> -> memref<131072xf32, #tpu.memory_space<hbm>>
    tpu.wait_indirect_dma semaphore(%arg10 : memref<!tpu.dma_semaphore, #tpu.memory_space<semaphore_mem>>) src(%dma_wait3A_643 : memref<128xf32, #tpu.memory_space<vmem>>) dst(%dma_wait3A_648 : memref<131072xf32, #tpu.memory_space<hbm>>)
    %dma_wait3A_649 = arith.constant 8 : i32
    %dma_wait3A_650 = arith.constant 1024 : i32
    %dma_wait3A_651 = tpu.memref_slice %arg7[%dma_wait3A_650] : memref<4096xf32, #tpu.memory_space<vmem>> -> memref<128xf32, #tpu.memory_space<vmem>>
    %dma_wait3A_652 = arith.constant 0 : i32
    %dma_wait3A_653 = tpu.memref_slice %arg9[%dma_wait3A_649, %dma_wait3A_652] : memref<32x128xi32, #tpu.memory_space<vmem>> -> memref<1x128xi32, #tpu.memory_space<vmem>>
    %dma_wait3A_654 = tpu.memref_squeeze %dma_wait3A_653 : memref<1x128xi32, #tpu.memory_space<vmem>> -> memref<128xi32, #tpu.memory_space<vmem>>
    %dma_wait3A_655 = arith.constant 0 : i32
    %dma_wait3A_656 = tpu.memref_slice %arg6[%dma_wait3A_655] : memref<131072xf32, #tpu.memory_space<hbm>> -> memref<131072xf32, #tpu.memory_space<hbm>>
    tpu.wait_indirect_dma semaphore(%arg10 : memref<!tpu.dma_semaphore, #tpu.memory_space<semaphore_mem>>) src(%dma_wait3A_651 : memref<128xf32, #tpu.memory_space<vmem>>) dst(%dma_wait3A_656 : memref<131072xf32, #tpu.memory_space<hbm>>)
    %dma_wait3A_657 = arith.constant 9 : i32
    %dma_wait3A_658 = arith.constant 1152 : i32
    %dma_wait3A_659 = tpu.memref_slice %arg7[%dma_wait3A_658] : memref<4096xf32, #tpu.memory_space<vmem>> -> memref<128xf32, #tpu.memory_space<vmem>>
    %dma_wait3A_660 = arith.constant 0 : i32
    %dma_wait3A_661 = tpu.memref_slice %arg8[%dma_wait3A_657, %dma_wait3A_660] : memref<32x128xi32, #tpu.memory_space<vmem>> -> memref<1x128xi32, #tpu.memory_space<vmem>>
    %dma_wait3A_662 = tpu.memref_squeeze %dma_wait3A_661 : memref<1x128xi32, #tpu.memory_space<vmem>> -> memref<128xi32, #tpu.memory_space<vmem>>
    %dma_wait3A_663 = arith.constant 0 : i32
    %dma_wait3A_664 = tpu.memref_slice %arg5[%dma_wait3A_663] : memref<131072xf32, #tpu.memory_space<hbm>> -> memref<131072xf32, #tpu.memory_space<hbm>>
    tpu.wait_indirect_dma semaphore(%arg10 : memref<!tpu.dma_semaphore, #tpu.memory_space<semaphore_mem>>) src(%dma_wait3A_659 : memref<128xf32, #tpu.memory_space<vmem>>) dst(%dma_wait3A_664 : memref<131072xf32, #tpu.memory_space<hbm>>)
    %dma_wait3A_665 = arith.constant 9 : i32
    %dma_wait3A_666 = arith.constant 1152 : i32
    %dma_wait3A_667 = tpu.memref_slice %arg7[%dma_wait3A_666] : memref<4096xf32, #tpu.memory_space<vmem>> -> memref<128xf32, #tpu.memory_space<vmem>>
    %dma_wait3A_668 = arith.constant 0 : i32
    %dma_wait3A_669 = tpu.memref_slice %arg9[%dma_wait3A_665, %dma_wait3A_668] : memref<32x128xi32, #tpu.memory_space<vmem>> -> memref<1x128xi32, #tpu.memory_space<vmem>>
    %dma_wait3A_670 = tpu.memref_squeeze %dma_wait3A_669 : memref<1x128xi32, #tpu.memory_space<vmem>> -> memref<128xi32, #tpu.memory_space<vmem>>
    %dma_wait3A_671 = arith.constant 0 : i32
    %dma_wait3A_672 = tpu.memref_slice %arg6[%dma_wait3A_671] : memref<131072xf32, #tpu.memory_space<hbm>> -> memref<131072xf32, #tpu.memory_space<hbm>>
    tpu.wait_indirect_dma semaphore(%arg10 : memref<!tpu.dma_semaphore, #tpu.memory_space<semaphore_mem>>) src(%dma_wait3A_667 : memref<128xf32, #tpu.memory_space<vmem>>) dst(%dma_wait3A_672 : memref<131072xf32, #tpu.memory_space<hbm>>)
    %dma_wait3A_673 = arith.constant 10 : i32
    %dma_wait3A_674 = arith.constant 1280 : i32
    %dma_wait3A_675 = tpu.memref_slice %arg7[%dma_wait3A_674] : memref<4096xf32, #tpu.memory_space<vmem>> -> memref<128xf32, #tpu.memory_space<vmem>>
    %dma_wait3A_676 = arith.constant 0 : i32
    %dma_wait3A_677 = tpu.memref_slice %arg8[%dma_wait3A_673, %dma_wait3A_676] : memref<32x128xi32, #tpu.memory_space<vmem>> -> memref<1x128xi32, #tpu.memory_space<vmem>>
    %dma_wait3A_678 = tpu.memref_squeeze %dma_wait3A_677 : memref<1x128xi32, #tpu.memory_space<vmem>> -> memref<128xi32, #tpu.memory_space<vmem>>
    %dma_wait3A_679 = arith.constant 0 : i32
    %dma_wait3A_680 = tpu.memref_slice %arg5[%dma_wait3A_679] : memref<131072xf32, #tpu.memory_space<hbm>> -> memref<131072xf32, #tpu.memory_space<hbm>>
    tpu.wait_indirect_dma semaphore(%arg10 : memref<!tpu.dma_semaphore, #tpu.memory_space<semaphore_mem>>) src(%dma_wait3A_675 : memref<128xf32, #tpu.memory_space<vmem>>) dst(%dma_wait3A_680 : memref<131072xf32, #tpu.memory_space<hbm>>)
    %dma_wait3A_681 = arith.constant 10 : i32
    %dma_wait3A_682 = arith.constant 1280 : i32
    %dma_wait3A_683 = tpu.memref_slice %arg7[%dma_wait3A_682] : memref<4096xf32, #tpu.memory_space<vmem>> -> memref<128xf32, #tpu.memory_space<vmem>>
    %dma_wait3A_684 = arith.constant 0 : i32
    %dma_wait3A_685 = tpu.memref_slice %arg9[%dma_wait3A_681, %dma_wait3A_684] : memref<32x128xi32, #tpu.memory_space<vmem>> -> memref<1x128xi32, #tpu.memory_space<vmem>>
    %dma_wait3A_686 = tpu.memref_squeeze %dma_wait3A_685 : memref<1x128xi32, #tpu.memory_space<vmem>> -> memref<128xi32, #tpu.memory_space<vmem>>
    %dma_wait3A_687 = arith.constant 0 : i32
    %dma_wait3A_688 = tpu.memref_slice %arg6[%dma_wait3A_687] : memref<131072xf32, #tpu.memory_space<hbm>> -> memref<131072xf32, #tpu.memory_space<hbm>>
    tpu.wait_indirect_dma semaphore(%arg10 : memref<!tpu.dma_semaphore, #tpu.memory_space<semaphore_mem>>) src(%dma_wait3A_683 : memref<128xf32, #tpu.memory_space<vmem>>) dst(%dma_wait3A_688 : memref<131072xf32, #tpu.memory_space<hbm>>)
    %dma_wait3A_689 = arith.constant 11 : i32
    %dma_wait3A_690 = arith.constant 1408 : i32
    %dma_wait3A_691 = tpu.memref_slice %arg7[%dma_wait3A_690] : memref<4096xf32, #tpu.memory_space<vmem>> -> memref<128xf32, #tpu.memory_space<vmem>>
    %dma_wait3A_692 = arith.constant 0 : i32
    %dma_wait3A_693 = tpu.memref_slice %arg8[%dma_wait3A_689, %dma_wait3A_692] : memref<32x128xi32, #tpu.memory_space<vmem>> -> memref<1x128xi32, #tpu.memory_space<vmem>>
    %dma_wait3A_694 = tpu.memref_squeeze %dma_wait3A_693 : memref<1x128xi32, #tpu.memory_space<vmem>> -> memref<128xi32, #tpu.memory_space<vmem>>
    %dma_wait3A_695 = arith.constant 0 : i32
    %dma_wait3A_696 = tpu.memref_slice %arg5[%dma_wait3A_695] : memref<131072xf32, #tpu.memory_space<hbm>> -> memref<131072xf32, #tpu.memory_space<hbm>>
    tpu.wait_indirect_dma semaphore(%arg10 : memref<!tpu.dma_semaphore, #tpu.memory_space<semaphore_mem>>) src(%dma_wait3A_691 : memref<128xf32, #tpu.memory_space<vmem>>) dst(%dma_wait3A_696 : memref<131072xf32, #tpu.memory_space<hbm>>)
    %dma_wait3A_697 = arith.constant 11 : i32
    %dma_wait3A_698 = arith.constant 1408 : i32
    %dma_wait3A_699 = tpu.memref_slice %arg7[%dma_wait3A_698] : memref<4096xf32, #tpu.memory_space<vmem>> -> memref<128xf32, #tpu.memory_space<vmem>>
    %dma_wait3A_700 = arith.constant 0 : i32
    %dma_wait3A_701 = tpu.memref_slice %arg9[%dma_wait3A_697, %dma_wait3A_700] : memref<32x128xi32, #tpu.memory_space<vmem>> -> memref<1x128xi32, #tpu.memory_space<vmem>>
    %dma_wait3A_702 = tpu.memref_squeeze %dma_wait3A_701 : memref<1x128xi32, #tpu.memory_space<vmem>> -> memref<128xi32, #tpu.memory_space<vmem>>
    %dma_wait3A_703 = arith.constant 0 : i32
    %dma_wait3A_704 = tpu.memref_slice %arg6[%dma_wait3A_703] : memref<131072xf32, #tpu.memory_space<hbm>> -> memref<131072xf32, #tpu.memory_space<hbm>>
    tpu.wait_indirect_dma semaphore(%arg10 : memref<!tpu.dma_semaphore, #tpu.memory_space<semaphore_mem>>) src(%dma_wait3A_699 : memref<128xf32, #tpu.memory_space<vmem>>) dst(%dma_wait3A_704 : memref<131072xf32, #tpu.memory_space<hbm>>)
    %dma_wait3A_705 = arith.constant 12 : i32
    %dma_wait3A_706 = arith.constant 1536 : i32
    %dma_wait3A_707 = tpu.memref_slice %arg7[%dma_wait3A_706] : memref<4096xf32, #tpu.memory_space<vmem>> -> memref<128xf32, #tpu.memory_space<vmem>>
    %dma_wait3A_708 = arith.constant 0 : i32
    %dma_wait3A_709 = tpu.memref_slice %arg8[%dma_wait3A_705, %dma_wait3A_708] : memref<32x128xi32, #tpu.memory_space<vmem>> -> memref<1x128xi32, #tpu.memory_space<vmem>>
    %dma_wait3A_710 = tpu.memref_squeeze %dma_wait3A_709 : memref<1x128xi32, #tpu.memory_space<vmem>> -> memref<128xi32, #tpu.memory_space<vmem>>
    %dma_wait3A_711 = arith.constant 0 : i32
    %dma_wait3A_712 = tpu.memref_slice %arg5[%dma_wait3A_711] : memref<131072xf32, #tpu.memory_space<hbm>> -> memref<131072xf32, #tpu.memory_space<hbm>>
    tpu.wait_indirect_dma semaphore(%arg10 : memref<!tpu.dma_semaphore, #tpu.memory_space<semaphore_mem>>) src(%dma_wait3A_707 : memref<128xf32, #tpu.memory_space<vmem>>) dst(%dma_wait3A_712 : memref<131072xf32, #tpu.memory_space<hbm>>)
    %dma_wait3A_713 = arith.constant 12 : i32
    %dma_wait3A_714 = arith.constant 1536 : i32
    %dma_wait3A_715 = tpu.memref_slice %arg7[%dma_wait3A_714] : memref<4096xf32, #tpu.memory_space<vmem>> -> memref<128xf32, #tpu.memory_space<vmem>>
    %dma_wait3A_716 = arith.constant 0 : i32
    %dma_wait3A_717 = tpu.memref_slice %arg9[%dma_wait3A_713, %dma_wait3A_716] : memref<32x128xi32, #tpu.memory_space<vmem>> -> memref<1x128xi32, #tpu.memory_space<vmem>>
    %dma_wait3A_718 = tpu.memref_squeeze %dma_wait3A_717 : memref<1x128xi32, #tpu.memory_space<vmem>> -> memref<128xi32, #tpu.memory_space<vmem>>
    %dma_wait3A_719 = arith.constant 0 : i32
    %dma_wait3A_720 = tpu.memref_slice %arg6[%dma_wait3A_719] : memref<131072xf32, #tpu.memory_space<hbm>> -> memref<131072xf32, #tpu.memory_space<hbm>>
    tpu.wait_indirect_dma semaphore(%arg10 : memref<!tpu.dma_semaphore, #tpu.memory_space<semaphore_mem>>) src(%dma_wait3A_715 : memref<128xf32, #tpu.memory_space<vmem>>) dst(%dma_wait3A_720 : memref<131072xf32, #tpu.memory_space<hbm>>)
    %dma_wait3A_721 = arith.constant 13 : i32
    %dma_wait3A_722 = arith.constant 1664 : i32
    %dma_wait3A_723 = tpu.memref_slice %arg7[%dma_wait3A_722] : memref<4096xf32, #tpu.memory_space<vmem>> -> memref<128xf32, #tpu.memory_space<vmem>>
    %dma_wait3A_724 = arith.constant 0 : i32
    %dma_wait3A_725 = tpu.memref_slice %arg8[%dma_wait3A_721, %dma_wait3A_724] : memref<32x128xi32, #tpu.memory_space<vmem>> -> memref<1x128xi32, #tpu.memory_space<vmem>>
    %dma_wait3A_726 = tpu.memref_squeeze %dma_wait3A_725 : memref<1x128xi32, #tpu.memory_space<vmem>> -> memref<128xi32, #tpu.memory_space<vmem>>
    %dma_wait3A_727 = arith.constant 0 : i32
    %dma_wait3A_728 = tpu.memref_slice %arg5[%dma_wait3A_727] : memref<131072xf32, #tpu.memory_space<hbm>> -> memref<131072xf32, #tpu.memory_space<hbm>>
    tpu.wait_indirect_dma semaphore(%arg10 : memref<!tpu.dma_semaphore, #tpu.memory_space<semaphore_mem>>) src(%dma_wait3A_723 : memref<128xf32, #tpu.memory_space<vmem>>) dst(%dma_wait3A_728 : memref<131072xf32, #tpu.memory_space<hbm>>)
    %dma_wait3A_729 = arith.constant 13 : i32
    %dma_wait3A_730 = arith.constant 1664 : i32
    %dma_wait3A_731 = tpu.memref_slice %arg7[%dma_wait3A_730] : memref<4096xf32, #tpu.memory_space<vmem>> -> memref<128xf32, #tpu.memory_space<vmem>>
    %dma_wait3A_732 = arith.constant 0 : i32
    %dma_wait3A_733 = tpu.memref_slice %arg9[%dma_wait3A_729, %dma_wait3A_732] : memref<32x128xi32, #tpu.memory_space<vmem>> -> memref<1x128xi32, #tpu.memory_space<vmem>>
    %dma_wait3A_734 = tpu.memref_squeeze %dma_wait3A_733 : memref<1x128xi32, #tpu.memory_space<vmem>> -> memref<128xi32, #tpu.memory_space<vmem>>
    %dma_wait3A_735 = arith.constant 0 : i32
    %dma_wait3A_736 = tpu.memref_slice %arg6[%dma_wait3A_735] : memref<131072xf32, #tpu.memory_space<hbm>> -> memref<131072xf32, #tpu.memory_space<hbm>>
    tpu.wait_indirect_dma semaphore(%arg10 : memref<!tpu.dma_semaphore, #tpu.memory_space<semaphore_mem>>) src(%dma_wait3A_731 : memref<128xf32, #tpu.memory_space<vmem>>) dst(%dma_wait3A_736 : memref<131072xf32, #tpu.memory_space<hbm>>)
    %dma_wait3A_737 = arith.constant 14 : i32
    %dma_wait3A_738 = arith.constant 1792 : i32
    %dma_wait3A_739 = tpu.memref_slice %arg7[%dma_wait3A_738] : memref<4096xf32, #tpu.memory_space<vmem>> -> memref<128xf32, #tpu.memory_space<vmem>>
    %dma_wait3A_740 = arith.constant 0 : i32
    %dma_wait3A_741 = tpu.memref_slice %arg8[%dma_wait3A_737, %dma_wait3A_740] : memref<32x128xi32, #tpu.memory_space<vmem>> -> memref<1x128xi32, #tpu.memory_space<vmem>>
    %dma_wait3A_742 = tpu.memref_squeeze %dma_wait3A_741 : memref<1x128xi32, #tpu.memory_space<vmem>> -> memref<128xi32, #tpu.memory_space<vmem>>
    %dma_wait3A_743 = arith.constant 0 : i32
    %dma_wait3A_744 = tpu.memref_slice %arg5[%dma_wait3A_743] : memref<131072xf32, #tpu.memory_space<hbm>> -> memref<131072xf32, #tpu.memory_space<hbm>>
    tpu.wait_indirect_dma semaphore(%arg10 : memref<!tpu.dma_semaphore, #tpu.memory_space<semaphore_mem>>) src(%dma_wait3A_739 : memref<128xf32, #tpu.memory_space<vmem>>) dst(%dma_wait3A_744 : memref<131072xf32, #tpu.memory_space<hbm>>)
    %dma_wait3A_745 = arith.constant 14 : i32
    %dma_wait3A_746 = arith.constant 1792 : i32
    %dma_wait3A_747 = tpu.memref_slice %arg7[%dma_wait3A_746] : memref<4096xf32, #tpu.memory_space<vmem>> -> memref<128xf32, #tpu.memory_space<vmem>>
    %dma_wait3A_748 = arith.constant 0 : i32
    %dma_wait3A_749 = tpu.memref_slice %arg9[%dma_wait3A_745, %dma_wait3A_748] : memref<32x128xi32, #tpu.memory_space<vmem>> -> memref<1x128xi32, #tpu.memory_space<vmem>>
    %dma_wait3A_750 = tpu.memref_squeeze %dma_wait3A_749 : memref<1x128xi32, #tpu.memory_space<vmem>> -> memref<128xi32, #tpu.memory_space<vmem>>
    %dma_wait3A_751 = arith.constant 0 : i32
    %dma_wait3A_752 = tpu.memref_slice %arg6[%dma_wait3A_751] : memref<131072xf32, #tpu.memory_space<hbm>> -> memref<131072xf32, #tpu.memory_space<hbm>>
    tpu.wait_indirect_dma semaphore(%arg10 : memref<!tpu.dma_semaphore, #tpu.memory_space<semaphore_mem>>) src(%dma_wait3A_747 : memref<128xf32, #tpu.memory_space<vmem>>) dst(%dma_wait3A_752 : memref<131072xf32, #tpu.memory_space<hbm>>)
    %dma_wait3A_753 = arith.constant 15 : i32
    %dma_wait3A_754 = arith.constant 1920 : i32
    %dma_wait3A_755 = tpu.memref_slice %arg7[%dma_wait3A_754] : memref<4096xf32, #tpu.memory_space<vmem>> -> memref<128xf32, #tpu.memory_space<vmem>>
    %dma_wait3A_756 = arith.constant 0 : i32
    %dma_wait3A_757 = tpu.memref_slice %arg8[%dma_wait3A_753, %dma_wait3A_756] : memref<32x128xi32, #tpu.memory_space<vmem>> -> memref<1x128xi32, #tpu.memory_space<vmem>>
    %dma_wait3A_758 = tpu.memref_squeeze %dma_wait3A_757 : memref<1x128xi32, #tpu.memory_space<vmem>> -> memref<128xi32, #tpu.memory_space<vmem>>
    %dma_wait3A_759 = arith.constant 0 : i32
    %dma_wait3A_760 = tpu.memref_slice %arg5[%dma_wait3A_759] : memref<131072xf32, #tpu.memory_space<hbm>> -> memref<131072xf32, #tpu.memory_space<hbm>>
    tpu.wait_indirect_dma semaphore(%arg10 : memref<!tpu.dma_semaphore, #tpu.memory_space<semaphore_mem>>) src(%dma_wait3A_755 : memref<128xf32, #tpu.memory_space<vmem>>) dst(%dma_wait3A_760 : memref<131072xf32, #tpu.memory_space<hbm>>)
    %dma_wait3A_761 = arith.constant 15 : i32
    %dma_wait3A_762 = arith.constant 1920 : i32
    %dma_wait3A_763 = tpu.memref_slice %arg7[%dma_wait3A_762] : memref<4096xf32, #tpu.memory_space<vmem>> -> memref<128xf32, #tpu.memory_space<vmem>>
    %dma_wait3A_764 = arith.constant 0 : i32
    %dma_wait3A_765 = tpu.memref_slice %arg9[%dma_wait3A_761, %dma_wait3A_764] : memref<32x128xi32, #tpu.memory_space<vmem>> -> memref<1x128xi32, #tpu.memory_space<vmem>>
    %dma_wait3A_766 = tpu.memref_squeeze %dma_wait3A_765 : memref<1x128xi32, #tpu.memory_space<vmem>> -> memref<128xi32, #tpu.memory_space<vmem>>
    %dma_wait3A_767 = arith.constant 0 : i32
    %dma_wait3A_768 = tpu.memref_slice %arg6[%dma_wait3A_767] : memref<131072xf32, #tpu.memory_space<hbm>> -> memref<131072xf32, #tpu.memory_space<hbm>>
    tpu.wait_indirect_dma semaphore(%arg10 : memref<!tpu.dma_semaphore, #tpu.memory_space<semaphore_mem>>) src(%dma_wait3A_763 : memref<128xf32, #tpu.memory_space<vmem>>) dst(%dma_wait3A_768 : memref<131072xf32, #tpu.memory_space<hbm>>)
    %dma_wait3A_769 = arith.constant 16 : i32
    %dma_wait3A_770 = arith.constant 2048 : i32
    %dma_wait3A_771 = tpu.memref_slice %arg7[%dma_wait3A_770] : memref<4096xf32, #tpu.memory_space<vmem>> -> memref<128xf32, #tpu.memory_space<vmem>>
    %dma_wait3A_772 = arith.constant 0 : i32
    %dma_wait3A_773 = tpu.memref_slice %arg8[%dma_wait3A_769, %dma_wait3A_772] : memref<32x128xi32, #tpu.memory_space<vmem>> -> memref<1x128xi32, #tpu.memory_space<vmem>>
    %dma_wait3A_774 = tpu.memref_squeeze %dma_wait3A_773 : memref<1x128xi32, #tpu.memory_space<vmem>> -> memref<128xi32, #tpu.memory_space<vmem>>
    %dma_wait3A_775 = arith.constant 0 : i32
    %dma_wait3A_776 = tpu.memref_slice %arg5[%dma_wait3A_775] : memref<131072xf32, #tpu.memory_space<hbm>> -> memref<131072xf32, #tpu.memory_space<hbm>>
    tpu.wait_indirect_dma semaphore(%arg10 : memref<!tpu.dma_semaphore, #tpu.memory_space<semaphore_mem>>) src(%dma_wait3A_771 : memref<128xf32, #tpu.memory_space<vmem>>) dst(%dma_wait3A_776 : memref<131072xf32, #tpu.memory_space<hbm>>)
    %dma_wait3A_777 = arith.constant 16 : i32
    %dma_wait3A_778 = arith.constant 2048 : i32
    %dma_wait3A_779 = tpu.memref_slice %arg7[%dma_wait3A_778] : memref<4096xf32, #tpu.memory_space<vmem>> -> memref<128xf32, #tpu.memory_space<vmem>>
    %dma_wait3A_780 = arith.constant 0 : i32
    %dma_wait3A_781 = tpu.memref_slice %arg9[%dma_wait3A_777, %dma_wait3A_780] : memref<32x128xi32, #tpu.memory_space<vmem>> -> memref<1x128xi32, #tpu.memory_space<vmem>>
    %dma_wait3A_782 = tpu.memref_squeeze %dma_wait3A_781 : memref<1x128xi32, #tpu.memory_space<vmem>> -> memref<128xi32, #tpu.memory_space<vmem>>
    %dma_wait3A_783 = arith.constant 0 : i32
    %dma_wait3A_784 = tpu.memref_slice %arg6[%dma_wait3A_783] : memref<131072xf32, #tpu.memory_space<hbm>> -> memref<131072xf32, #tpu.memory_space<hbm>>
    tpu.wait_indirect_dma semaphore(%arg10 : memref<!tpu.dma_semaphore, #tpu.memory_space<semaphore_mem>>) src(%dma_wait3A_779 : memref<128xf32, #tpu.memory_space<vmem>>) dst(%dma_wait3A_784 : memref<131072xf32, #tpu.memory_space<hbm>>)
    %dma_wait3A_785 = arith.constant 17 : i32
    %dma_wait3A_786 = arith.constant 2176 : i32
    %dma_wait3A_787 = tpu.memref_slice %arg7[%dma_wait3A_786] : memref<4096xf32, #tpu.memory_space<vmem>> -> memref<128xf32, #tpu.memory_space<vmem>>
    %dma_wait3A_788 = arith.constant 0 : i32
    %dma_wait3A_789 = tpu.memref_slice %arg8[%dma_wait3A_785, %dma_wait3A_788] : memref<32x128xi32, #tpu.memory_space<vmem>> -> memref<1x128xi32, #tpu.memory_space<vmem>>
    %dma_wait3A_790 = tpu.memref_squeeze %dma_wait3A_789 : memref<1x128xi32, #tpu.memory_space<vmem>> -> memref<128xi32, #tpu.memory_space<vmem>>
    %dma_wait3A_791 = arith.constant 0 : i32
    %dma_wait3A_792 = tpu.memref_slice %arg5[%dma_wait3A_791] : memref<131072xf32, #tpu.memory_space<hbm>> -> memref<131072xf32, #tpu.memory_space<hbm>>
    tpu.wait_indirect_dma semaphore(%arg10 : memref<!tpu.dma_semaphore, #tpu.memory_space<semaphore_mem>>) src(%dma_wait3A_787 : memref<128xf32, #tpu.memory_space<vmem>>) dst(%dma_wait3A_792 : memref<131072xf32, #tpu.memory_space<hbm>>)
    %dma_wait3A_793 = arith.constant 17 : i32
    %dma_wait3A_794 = arith.constant 2176 : i32
    %dma_wait3A_795 = tpu.memref_slice %arg7[%dma_wait3A_794] : memref<4096xf32, #tpu.memory_space<vmem>> -> memref<128xf32, #tpu.memory_space<vmem>>
    %dma_wait3A_796 = arith.constant 0 : i32
    %dma_wait3A_797 = tpu.memref_slice %arg9[%dma_wait3A_793, %dma_wait3A_796] : memref<32x128xi32, #tpu.memory_space<vmem>> -> memref<1x128xi32, #tpu.memory_space<vmem>>
    %dma_wait3A_798 = tpu.memref_squeeze %dma_wait3A_797 : memref<1x128xi32, #tpu.memory_space<vmem>> -> memref<128xi32, #tpu.memory_space<vmem>>
    %dma_wait3A_799 = arith.constant 0 : i32
    %dma_wait3A_800 = tpu.memref_slice %arg6[%dma_wait3A_799] : memref<131072xf32, #tpu.memory_space<hbm>> -> memref<131072xf32, #tpu.memory_space<hbm>>
    tpu.wait_indirect_dma semaphore(%arg10 : memref<!tpu.dma_semaphore, #tpu.memory_space<semaphore_mem>>) src(%dma_wait3A_795 : memref<128xf32, #tpu.memory_space<vmem>>) dst(%dma_wait3A_800 : memref<131072xf32, #tpu.memory_space<hbm>>)
    %dma_wait3A_801 = arith.constant 18 : i32
    %dma_wait3A_802 = arith.constant 2304 : i32
    %dma_wait3A_803 = tpu.memref_slice %arg7[%dma_wait3A_802] : memref<4096xf32, #tpu.memory_space<vmem>> -> memref<128xf32, #tpu.memory_space<vmem>>
    %dma_wait3A_804 = arith.constant 0 : i32
    %dma_wait3A_805 = tpu.memref_slice %arg8[%dma_wait3A_801, %dma_wait3A_804] : memref<32x128xi32, #tpu.memory_space<vmem>> -> memref<1x128xi32, #tpu.memory_space<vmem>>
    %dma_wait3A_806 = tpu.memref_squeeze %dma_wait3A_805 : memref<1x128xi32, #tpu.memory_space<vmem>> -> memref<128xi32, #tpu.memory_space<vmem>>
    %dma_wait3A_807 = arith.constant 0 : i32
    %dma_wait3A_808 = tpu.memref_slice %arg5[%dma_wait3A_807] : memref<131072xf32, #tpu.memory_space<hbm>> -> memref<131072xf32, #tpu.memory_space<hbm>>
    tpu.wait_indirect_dma semaphore(%arg10 : memref<!tpu.dma_semaphore, #tpu.memory_space<semaphore_mem>>) src(%dma_wait3A_803 : memref<128xf32, #tpu.memory_space<vmem>>) dst(%dma_wait3A_808 : memref<131072xf32, #tpu.memory_space<hbm>>)
    %dma_wait3A_809 = arith.constant 18 : i32
    %dma_wait3A_810 = arith.constant 2304 : i32
    %dma_wait3A_811 = tpu.memref_slice %arg7[%dma_wait3A_810] : memref<4096xf32, #tpu.memory_space<vmem>> -> memref<128xf32, #tpu.memory_space<vmem>>
    %dma_wait3A_812 = arith.constant 0 : i32
    %dma_wait3A_813 = tpu.memref_slice %arg9[%dma_wait3A_809, %dma_wait3A_812] : memref<32x128xi32, #tpu.memory_space<vmem>> -> memref<1x128xi32, #tpu.memory_space<vmem>>
    %dma_wait3A_814 = tpu.memref_squeeze %dma_wait3A_813 : memref<1x128xi32, #tpu.memory_space<vmem>> -> memref<128xi32, #tpu.memory_space<vmem>>
    %dma_wait3A_815 = arith.constant 0 : i32
    %dma_wait3A_816 = tpu.memref_slice %arg6[%dma_wait3A_815] : memref<131072xf32, #tpu.memory_space<hbm>> -> memref<131072xf32, #tpu.memory_space<hbm>>
    tpu.wait_indirect_dma semaphore(%arg10 : memref<!tpu.dma_semaphore, #tpu.memory_space<semaphore_mem>>) src(%dma_wait3A_811 : memref<128xf32, #tpu.memory_space<vmem>>) dst(%dma_wait3A_816 : memref<131072xf32, #tpu.memory_space<hbm>>)
    %dma_wait3A_817 = arith.constant 19 : i32
    %dma_wait3A_818 = arith.constant 2432 : i32
    %dma_wait3A_819 = tpu.memref_slice %arg7[%dma_wait3A_818] : memref<4096xf32, #tpu.memory_space<vmem>> -> memref<128xf32, #tpu.memory_space<vmem>>
    %dma_wait3A_820 = arith.constant 0 : i32
    %dma_wait3A_821 = tpu.memref_slice %arg8[%dma_wait3A_817, %dma_wait3A_820] : memref<32x128xi32, #tpu.memory_space<vmem>> -> memref<1x128xi32, #tpu.memory_space<vmem>>
    %dma_wait3A_822 = tpu.memref_squeeze %dma_wait3A_821 : memref<1x128xi32, #tpu.memory_space<vmem>> -> memref<128xi32, #tpu.memory_space<vmem>>
    %dma_wait3A_823 = arith.constant 0 : i32
    %dma_wait3A_824 = tpu.memref_slice %arg5[%dma_wait3A_823] : memref<131072xf32, #tpu.memory_space<hbm>> -> memref<131072xf32, #tpu.memory_space<hbm>>
    tpu.wait_indirect_dma semaphore(%arg10 : memref<!tpu.dma_semaphore, #tpu.memory_space<semaphore_mem>>) src(%dma_wait3A_819 : memref<128xf32, #tpu.memory_space<vmem>>) dst(%dma_wait3A_824 : memref<131072xf32, #tpu.memory_space<hbm>>)
    %dma_wait3A_825 = arith.constant 19 : i32
    %dma_wait3A_826 = arith.constant 2432 : i32
    %dma_wait3A_827 = tpu.memref_slice %arg7[%dma_wait3A_826] : memref<4096xf32, #tpu.memory_space<vmem>> -> memref<128xf32, #tpu.memory_space<vmem>>
    %dma_wait3A_828 = arith.constant 0 : i32
    %dma_wait3A_829 = tpu.memref_slice %arg9[%dma_wait3A_825, %dma_wait3A_828] : memref<32x128xi32, #tpu.memory_space<vmem>> -> memref<1x128xi32, #tpu.memory_space<vmem>>
    %dma_wait3A_830 = tpu.memref_squeeze %dma_wait3A_829 : memref<1x128xi32, #tpu.memory_space<vmem>> -> memref<128xi32, #tpu.memory_space<vmem>>
    %dma_wait3A_831 = arith.constant 0 : i32
    %dma_wait3A_832 = tpu.memref_slice %arg6[%dma_wait3A_831] : memref<131072xf32, #tpu.memory_space<hbm>> -> memref<131072xf32, #tpu.memory_space<hbm>>
    tpu.wait_indirect_dma semaphore(%arg10 : memref<!tpu.dma_semaphore, #tpu.memory_space<semaphore_mem>>) src(%dma_wait3A_827 : memref<128xf32, #tpu.memory_space<vmem>>) dst(%dma_wait3A_832 : memref<131072xf32, #tpu.memory_space<hbm>>)
    %dma_wait3A_833 = arith.constant 20 : i32
    %dma_wait3A_834 = arith.constant 2560 : i32
    %dma_wait3A_835 = tpu.memref_slice %arg7[%dma_wait3A_834] : memref<4096xf32, #tpu.memory_space<vmem>> -> memref<128xf32, #tpu.memory_space<vmem>>
    %dma_wait3A_836 = arith.constant 0 : i32
    %dma_wait3A_837 = tpu.memref_slice %arg8[%dma_wait3A_833, %dma_wait3A_836] : memref<32x128xi32, #tpu.memory_space<vmem>> -> memref<1x128xi32, #tpu.memory_space<vmem>>
    %dma_wait3A_838 = tpu.memref_squeeze %dma_wait3A_837 : memref<1x128xi32, #tpu.memory_space<vmem>> -> memref<128xi32, #tpu.memory_space<vmem>>
    %dma_wait3A_839 = arith.constant 0 : i32
    %dma_wait3A_840 = tpu.memref_slice %arg5[%dma_wait3A_839] : memref<131072xf32, #tpu.memory_space<hbm>> -> memref<131072xf32, #tpu.memory_space<hbm>>
    tpu.wait_indirect_dma semaphore(%arg10 : memref<!tpu.dma_semaphore, #tpu.memory_space<semaphore_mem>>) src(%dma_wait3A_835 : memref<128xf32, #tpu.memory_space<vmem>>) dst(%dma_wait3A_840 : memref<131072xf32, #tpu.memory_space<hbm>>)
    %dma_wait3A_841 = arith.constant 20 : i32
    %dma_wait3A_842 = arith.constant 2560 : i32
    %dma_wait3A_843 = tpu.memref_slice %arg7[%dma_wait3A_842] : memref<4096xf32, #tpu.memory_space<vmem>> -> memref<128xf32, #tpu.memory_space<vmem>>
    %dma_wait3A_844 = arith.constant 0 : i32
    %dma_wait3A_845 = tpu.memref_slice %arg9[%dma_wait3A_841, %dma_wait3A_844] : memref<32x128xi32, #tpu.memory_space<vmem>> -> memref<1x128xi32, #tpu.memory_space<vmem>>
    %dma_wait3A_846 = tpu.memref_squeeze %dma_wait3A_845 : memref<1x128xi32, #tpu.memory_space<vmem>> -> memref<128xi32, #tpu.memory_space<vmem>>
    %dma_wait3A_847 = arith.constant 0 : i32
    %dma_wait3A_848 = tpu.memref_slice %arg6[%dma_wait3A_847] : memref<131072xf32, #tpu.memory_space<hbm>> -> memref<131072xf32, #tpu.memory_space<hbm>>
    tpu.wait_indirect_dma semaphore(%arg10 : memref<!tpu.dma_semaphore, #tpu.memory_space<semaphore_mem>>) src(%dma_wait3A_843 : memref<128xf32, #tpu.memory_space<vmem>>) dst(%dma_wait3A_848 : memref<131072xf32, #tpu.memory_space<hbm>>)
    %dma_wait3A_849 = arith.constant 21 : i32
    %dma_wait3A_850 = arith.constant 2688 : i32
    %dma_wait3A_851 = tpu.memref_slice %arg7[%dma_wait3A_850] : memref<4096xf32, #tpu.memory_space<vmem>> -> memref<128xf32, #tpu.memory_space<vmem>>
    %dma_wait3A_852 = arith.constant 0 : i32
    %dma_wait3A_853 = tpu.memref_slice %arg8[%dma_wait3A_849, %dma_wait3A_852] : memref<32x128xi32, #tpu.memory_space<vmem>> -> memref<1x128xi32, #tpu.memory_space<vmem>>
    %dma_wait3A_854 = tpu.memref_squeeze %dma_wait3A_853 : memref<1x128xi32, #tpu.memory_space<vmem>> -> memref<128xi32, #tpu.memory_space<vmem>>
    %dma_wait3A_855 = arith.constant 0 : i32
    %dma_wait3A_856 = tpu.memref_slice %arg5[%dma_wait3A_855] : memref<131072xf32, #tpu.memory_space<hbm>> -> memref<131072xf32, #tpu.memory_space<hbm>>
    tpu.wait_indirect_dma semaphore(%arg10 : memref<!tpu.dma_semaphore, #tpu.memory_space<semaphore_mem>>) src(%dma_wait3A_851 : memref<128xf32, #tpu.memory_space<vmem>>) dst(%dma_wait3A_856 : memref<131072xf32, #tpu.memory_space<hbm>>)
    %dma_wait3A_857 = arith.constant 21 : i32
    %dma_wait3A_858 = arith.constant 2688 : i32
    %dma_wait3A_859 = tpu.memref_slice %arg7[%dma_wait3A_858] : memref<4096xf32, #tpu.memory_space<vmem>> -> memref<128xf32, #tpu.memory_space<vmem>>
    %dma_wait3A_860 = arith.constant 0 : i32
    %dma_wait3A_861 = tpu.memref_slice %arg9[%dma_wait3A_857, %dma_wait3A_860] : memref<32x128xi32, #tpu.memory_space<vmem>> -> memref<1x128xi32, #tpu.memory_space<vmem>>
    %dma_wait3A_862 = tpu.memref_squeeze %dma_wait3A_861 : memref<1x128xi32, #tpu.memory_space<vmem>> -> memref<128xi32, #tpu.memory_space<vmem>>
    %dma_wait3A_863 = arith.constant 0 : i32
    %dma_wait3A_864 = tpu.memref_slice %arg6[%dma_wait3A_863] : memref<131072xf32, #tpu.memory_space<hbm>> -> memref<131072xf32, #tpu.memory_space<hbm>>
    tpu.wait_indirect_dma semaphore(%arg10 : memref<!tpu.dma_semaphore, #tpu.memory_space<semaphore_mem>>) src(%dma_wait3A_859 : memref<128xf32, #tpu.memory_space<vmem>>) dst(%dma_wait3A_864 : memref<131072xf32, #tpu.memory_space<hbm>>)
    %dma_wait3A_865 = arith.constant 22 : i32
    %dma_wait3A_866 = arith.constant 2816 : i32
    %dma_wait3A_867 = tpu.memref_slice %arg7[%dma_wait3A_866] : memref<4096xf32, #tpu.memory_space<vmem>> -> memref<128xf32, #tpu.memory_space<vmem>>
    %dma_wait3A_868 = arith.constant 0 : i32
    %dma_wait3A_869 = tpu.memref_slice %arg8[%dma_wait3A_865, %dma_wait3A_868] : memref<32x128xi32, #tpu.memory_space<vmem>> -> memref<1x128xi32, #tpu.memory_space<vmem>>
    %dma_wait3A_870 = tpu.memref_squeeze %dma_wait3A_869 : memref<1x128xi32, #tpu.memory_space<vmem>> -> memref<128xi32, #tpu.memory_space<vmem>>
    %dma_wait3A_871 = arith.constant 0 : i32
    %dma_wait3A_872 = tpu.memref_slice %arg5[%dma_wait3A_871] : memref<131072xf32, #tpu.memory_space<hbm>> -> memref<131072xf32, #tpu.memory_space<hbm>>
    tpu.wait_indirect_dma semaphore(%arg10 : memref<!tpu.dma_semaphore, #tpu.memory_space<semaphore_mem>>) src(%dma_wait3A_867 : memref<128xf32, #tpu.memory_space<vmem>>) dst(%dma_wait3A_872 : memref<131072xf32, #tpu.memory_space<hbm>>)
    %dma_wait3A_873 = arith.constant 22 : i32
    %dma_wait3A_874 = arith.constant 2816 : i32
    %dma_wait3A_875 = tpu.memref_slice %arg7[%dma_wait3A_874] : memref<4096xf32, #tpu.memory_space<vmem>> -> memref<128xf32, #tpu.memory_space<vmem>>
    %dma_wait3A_876 = arith.constant 0 : i32
    %dma_wait3A_877 = tpu.memref_slice %arg9[%dma_wait3A_873, %dma_wait3A_876] : memref<32x128xi32, #tpu.memory_space<vmem>> -> memref<1x128xi32, #tpu.memory_space<vmem>>
    %dma_wait3A_878 = tpu.memref_squeeze %dma_wait3A_877 : memref<1x128xi32, #tpu.memory_space<vmem>> -> memref<128xi32, #tpu.memory_space<vmem>>
    %dma_wait3A_879 = arith.constant 0 : i32
    %dma_wait3A_880 = tpu.memref_slice %arg6[%dma_wait3A_879] : memref<131072xf32, #tpu.memory_space<hbm>> -> memref<131072xf32, #tpu.memory_space<hbm>>
    tpu.wait_indirect_dma semaphore(%arg10 : memref<!tpu.dma_semaphore, #tpu.memory_space<semaphore_mem>>) src(%dma_wait3A_875 : memref<128xf32, #tpu.memory_space<vmem>>) dst(%dma_wait3A_880 : memref<131072xf32, #tpu.memory_space<hbm>>)
    %dma_wait3A_881 = arith.constant 23 : i32
    %dma_wait3A_882 = arith.constant 2944 : i32
    %dma_wait3A_883 = tpu.memref_slice %arg7[%dma_wait3A_882] : memref<4096xf32, #tpu.memory_space<vmem>> -> memref<128xf32, #tpu.memory_space<vmem>>
    %dma_wait3A_884 = arith.constant 0 : i32
    %dma_wait3A_885 = tpu.memref_slice %arg8[%dma_wait3A_881, %dma_wait3A_884] : memref<32x128xi32, #tpu.memory_space<vmem>> -> memref<1x128xi32, #tpu.memory_space<vmem>>
    %dma_wait3A_886 = tpu.memref_squeeze %dma_wait3A_885 : memref<1x128xi32, #tpu.memory_space<vmem>> -> memref<128xi32, #tpu.memory_space<vmem>>
    %dma_wait3A_887 = arith.constant 0 : i32
    %dma_wait3A_888 = tpu.memref_slice %arg5[%dma_wait3A_887] : memref<131072xf32, #tpu.memory_space<hbm>> -> memref<131072xf32, #tpu.memory_space<hbm>>
    tpu.wait_indirect_dma semaphore(%arg10 : memref<!tpu.dma_semaphore, #tpu.memory_space<semaphore_mem>>) src(%dma_wait3A_883 : memref<128xf32, #tpu.memory_space<vmem>>) dst(%dma_wait3A_888 : memref<131072xf32, #tpu.memory_space<hbm>>)
    %dma_wait3A_889 = arith.constant 23 : i32
    %dma_wait3A_890 = arith.constant 2944 : i32
    %dma_wait3A_891 = tpu.memref_slice %arg7[%dma_wait3A_890] : memref<4096xf32, #tpu.memory_space<vmem>> -> memref<128xf32, #tpu.memory_space<vmem>>
    %dma_wait3A_892 = arith.constant 0 : i32
    %dma_wait3A_893 = tpu.memref_slice %arg9[%dma_wait3A_889, %dma_wait3A_892] : memref<32x128xi32, #tpu.memory_space<vmem>> -> memref<1x128xi32, #tpu.memory_space<vmem>>
    %dma_wait3A_894 = tpu.memref_squeeze %dma_wait3A_893 : memref<1x128xi32, #tpu.memory_space<vmem>> -> memref<128xi32, #tpu.memory_space<vmem>>
    %dma_wait3A_895 = arith.constant 0 : i32
    %dma_wait3A_896 = tpu.memref_slice %arg6[%dma_wait3A_895] : memref<131072xf32, #tpu.memory_space<hbm>> -> memref<131072xf32, #tpu.memory_space<hbm>>
    tpu.wait_indirect_dma semaphore(%arg10 : memref<!tpu.dma_semaphore, #tpu.memory_space<semaphore_mem>>) src(%dma_wait3A_891 : memref<128xf32, #tpu.memory_space<vmem>>) dst(%dma_wait3A_896 : memref<131072xf32, #tpu.memory_space<hbm>>)
    %dma_wait3A_897 = arith.constant 24 : i32
    %dma_wait3A_898 = arith.constant 3072 : i32
    %dma_wait3A_899 = tpu.memref_slice %arg7[%dma_wait3A_898] : memref<4096xf32, #tpu.memory_space<vmem>> -> memref<128xf32, #tpu.memory_space<vmem>>
    %dma_wait3A_900 = arith.constant 0 : i32
    %dma_wait3A_901 = tpu.memref_slice %arg8[%dma_wait3A_897, %dma_wait3A_900] : memref<32x128xi32, #tpu.memory_space<vmem>> -> memref<1x128xi32, #tpu.memory_space<vmem>>
    %dma_wait3A_902 = tpu.memref_squeeze %dma_wait3A_901 : memref<1x128xi32, #tpu.memory_space<vmem>> -> memref<128xi32, #tpu.memory_space<vmem>>
    %dma_wait3A_903 = arith.constant 0 : i32
    %dma_wait3A_904 = tpu.memref_slice %arg5[%dma_wait3A_903] : memref<131072xf32, #tpu.memory_space<hbm>> -> memref<131072xf32, #tpu.memory_space<hbm>>
    tpu.wait_indirect_dma semaphore(%arg10 : memref<!tpu.dma_semaphore, #tpu.memory_space<semaphore_mem>>) src(%dma_wait3A_899 : memref<128xf32, #tpu.memory_space<vmem>>) dst(%dma_wait3A_904 : memref<131072xf32, #tpu.memory_space<hbm>>)
    %dma_wait3A_905 = arith.constant 24 : i32
    %dma_wait3A_906 = arith.constant 3072 : i32
    %dma_wait3A_907 = tpu.memref_slice %arg7[%dma_wait3A_906] : memref<4096xf32, #tpu.memory_space<vmem>> -> memref<128xf32, #tpu.memory_space<vmem>>
    %dma_wait3A_908 = arith.constant 0 : i32
    %dma_wait3A_909 = tpu.memref_slice %arg9[%dma_wait3A_905, %dma_wait3A_908] : memref<32x128xi32, #tpu.memory_space<vmem>> -> memref<1x128xi32, #tpu.memory_space<vmem>>
    %dma_wait3A_910 = tpu.memref_squeeze %dma_wait3A_909 : memref<1x128xi32, #tpu.memory_space<vmem>> -> memref<128xi32, #tpu.memory_space<vmem>>
    %dma_wait3A_911 = arith.constant 0 : i32
    %dma_wait3A_912 = tpu.memref_slice %arg6[%dma_wait3A_911] : memref<131072xf32, #tpu.memory_space<hbm>> -> memref<131072xf32, #tpu.memory_space<hbm>>
    tpu.wait_indirect_dma semaphore(%arg10 : memref<!tpu.dma_semaphore, #tpu.memory_space<semaphore_mem>>) src(%dma_wait3A_907 : memref<128xf32, #tpu.memory_space<vmem>>) dst(%dma_wait3A_912 : memref<131072xf32, #tpu.memory_space<hbm>>)
    %dma_wait3A_913 = arith.constant 25 : i32
    %dma_wait3A_914 = arith.constant 3200 : i32
    %dma_wait3A_915 = tpu.memref_slice %arg7[%dma_wait3A_914] : memref<4096xf32, #tpu.memory_space<vmem>> -> memref<128xf32, #tpu.memory_space<vmem>>
    %dma_wait3A_916 = arith.constant 0 : i32
    %dma_wait3A_917 = tpu.memref_slice %arg8[%dma_wait3A_913, %dma_wait3A_916] : memref<32x128xi32, #tpu.memory_space<vmem>> -> memref<1x128xi32, #tpu.memory_space<vmem>>
    %dma_wait3A_918 = tpu.memref_squeeze %dma_wait3A_917 : memref<1x128xi32, #tpu.memory_space<vmem>> -> memref<128xi32, #tpu.memory_space<vmem>>
    %dma_wait3A_919 = arith.constant 0 : i32
    %dma_wait3A_920 = tpu.memref_slice %arg5[%dma_wait3A_919] : memref<131072xf32, #tpu.memory_space<hbm>> -> memref<131072xf32, #tpu.memory_space<hbm>>
    tpu.wait_indirect_dma semaphore(%arg10 : memref<!tpu.dma_semaphore, #tpu.memory_space<semaphore_mem>>) src(%dma_wait3A_915 : memref<128xf32, #tpu.memory_space<vmem>>) dst(%dma_wait3A_920 : memref<131072xf32, #tpu.memory_space<hbm>>)
    %dma_wait3A_921 = arith.constant 25 : i32
    %dma_wait3A_922 = arith.constant 3200 : i32
    %dma_wait3A_923 = tpu.memref_slice %arg7[%dma_wait3A_922] : memref<4096xf32, #tpu.memory_space<vmem>> -> memref<128xf32, #tpu.memory_space<vmem>>
    %dma_wait3A_924 = arith.constant 0 : i32
    %dma_wait3A_925 = tpu.memref_slice %arg9[%dma_wait3A_921, %dma_wait3A_924] : memref<32x128xi32, #tpu.memory_space<vmem>> -> memref<1x128xi32, #tpu.memory_space<vmem>>
    %dma_wait3A_926 = tpu.memref_squeeze %dma_wait3A_925 : memref<1x128xi32, #tpu.memory_space<vmem>> -> memref<128xi32, #tpu.memory_space<vmem>>
    %dma_wait3A_927 = arith.constant 0 : i32
    %dma_wait3A_928 = tpu.memref_slice %arg6[%dma_wait3A_927] : memref<131072xf32, #tpu.memory_space<hbm>> -> memref<131072xf32, #tpu.memory_space<hbm>>
    tpu.wait_indirect_dma semaphore(%arg10 : memref<!tpu.dma_semaphore, #tpu.memory_space<semaphore_mem>>) src(%dma_wait3A_923 : memref<128xf32, #tpu.memory_space<vmem>>) dst(%dma_wait3A_928 : memref<131072xf32, #tpu.memory_space<hbm>>)
    %dma_wait3A_929 = arith.constant 26 : i32
    %dma_wait3A_930 = arith.constant 3328 : i32
    %dma_wait3A_931 = tpu.memref_slice %arg7[%dma_wait3A_930] : memref<4096xf32, #tpu.memory_space<vmem>> -> memref<128xf32, #tpu.memory_space<vmem>>
    %dma_wait3A_932 = arith.constant 0 : i32
    %dma_wait3A_933 = tpu.memref_slice %arg8[%dma_wait3A_929, %dma_wait3A_932] : memref<32x128xi32, #tpu.memory_space<vmem>> -> memref<1x128xi32, #tpu.memory_space<vmem>>
    %dma_wait3A_934 = tpu.memref_squeeze %dma_wait3A_933 : memref<1x128xi32, #tpu.memory_space<vmem>> -> memref<128xi32, #tpu.memory_space<vmem>>
    %dma_wait3A_935 = arith.constant 0 : i32
    %dma_wait3A_936 = tpu.memref_slice %arg5[%dma_wait3A_935] : memref<131072xf32, #tpu.memory_space<hbm>> -> memref<131072xf32, #tpu.memory_space<hbm>>
    tpu.wait_indirect_dma semaphore(%arg10 : memref<!tpu.dma_semaphore, #tpu.memory_space<semaphore_mem>>) src(%dma_wait3A_931 : memref<128xf32, #tpu.memory_space<vmem>>) dst(%dma_wait3A_936 : memref<131072xf32, #tpu.memory_space<hbm>>)
    %dma_wait3A_937 = arith.constant 26 : i32
    %dma_wait3A_938 = arith.constant 3328 : i32
    %dma_wait3A_939 = tpu.memref_slice %arg7[%dma_wait3A_938] : memref<4096xf32, #tpu.memory_space<vmem>> -> memref<128xf32, #tpu.memory_space<vmem>>
    %dma_wait3A_940 = arith.constant 0 : i32
    %dma_wait3A_941 = tpu.memref_slice %arg9[%dma_wait3A_937, %dma_wait3A_940] : memref<32x128xi32, #tpu.memory_space<vmem>> -> memref<1x128xi32, #tpu.memory_space<vmem>>
    %dma_wait3A_942 = tpu.memref_squeeze %dma_wait3A_941 : memref<1x128xi32, #tpu.memory_space<vmem>> -> memref<128xi32, #tpu.memory_space<vmem>>
    %dma_wait3A_943 = arith.constant 0 : i32
    %dma_wait3A_944 = tpu.memref_slice %arg6[%dma_wait3A_943] : memref<131072xf32, #tpu.memory_space<hbm>> -> memref<131072xf32, #tpu.memory_space<hbm>>
    tpu.wait_indirect_dma semaphore(%arg10 : memref<!tpu.dma_semaphore, #tpu.memory_space<semaphore_mem>>) src(%dma_wait3A_939 : memref<128xf32, #tpu.memory_space<vmem>>) dst(%dma_wait3A_944 : memref<131072xf32, #tpu.memory_space<hbm>>)
    %dma_wait3A_945 = arith.constant 27 : i32
    %dma_wait3A_946 = arith.constant 3456 : i32
    %dma_wait3A_947 = tpu.memref_slice %arg7[%dma_wait3A_946] : memref<4096xf32, #tpu.memory_space<vmem>> -> memref<128xf32, #tpu.memory_space<vmem>>
    %dma_wait3A_948 = arith.constant 0 : i32
    %dma_wait3A_949 = tpu.memref_slice %arg8[%dma_wait3A_945, %dma_wait3A_948] : memref<32x128xi32, #tpu.memory_space<vmem>> -> memref<1x128xi32, #tpu.memory_space<vmem>>
    %dma_wait3A_950 = tpu.memref_squeeze %dma_wait3A_949 : memref<1x128xi32, #tpu.memory_space<vmem>> -> memref<128xi32, #tpu.memory_space<vmem>>
    %dma_wait3A_951 = arith.constant 0 : i32
    %dma_wait3A_952 = tpu.memref_slice %arg5[%dma_wait3A_951] : memref<131072xf32, #tpu.memory_space<hbm>> -> memref<131072xf32, #tpu.memory_space<hbm>>
    tpu.wait_indirect_dma semaphore(%arg10 : memref<!tpu.dma_semaphore, #tpu.memory_space<semaphore_mem>>) src(%dma_wait3A_947 : memref<128xf32, #tpu.memory_space<vmem>>) dst(%dma_wait3A_952 : memref<131072xf32, #tpu.memory_space<hbm>>)
    %dma_wait3A_953 = arith.constant 27 : i32
    %dma_wait3A_954 = arith.constant 3456 : i32
    %dma_wait3A_955 = tpu.memref_slice %arg7[%dma_wait3A_954] : memref<4096xf32, #tpu.memory_space<vmem>> -> memref<128xf32, #tpu.memory_space<vmem>>
    %dma_wait3A_956 = arith.constant 0 : i32
    %dma_wait3A_957 = tpu.memref_slice %arg9[%dma_wait3A_953, %dma_wait3A_956] : memref<32x128xi32, #tpu.memory_space<vmem>> -> memref<1x128xi32, #tpu.memory_space<vmem>>
    %dma_wait3A_958 = tpu.memref_squeeze %dma_wait3A_957 : memref<1x128xi32, #tpu.memory_space<vmem>> -> memref<128xi32, #tpu.memory_space<vmem>>
    %dma_wait3A_959 = arith.constant 0 : i32
    %dma_wait3A_960 = tpu.memref_slice %arg6[%dma_wait3A_959] : memref<131072xf32, #tpu.memory_space<hbm>> -> memref<131072xf32, #tpu.memory_space<hbm>>
    tpu.wait_indirect_dma semaphore(%arg10 : memref<!tpu.dma_semaphore, #tpu.memory_space<semaphore_mem>>) src(%dma_wait3A_955 : memref<128xf32, #tpu.memory_space<vmem>>) dst(%dma_wait3A_960 : memref<131072xf32, #tpu.memory_space<hbm>>)
    %dma_wait3A_961 = arith.constant 28 : i32
    %dma_wait3A_962 = arith.constant 3584 : i32
    %dma_wait3A_963 = tpu.memref_slice %arg7[%dma_wait3A_962] : memref<4096xf32, #tpu.memory_space<vmem>> -> memref<128xf32, #tpu.memory_space<vmem>>
    %dma_wait3A_964 = arith.constant 0 : i32
    %dma_wait3A_965 = tpu.memref_slice %arg8[%dma_wait3A_961, %dma_wait3A_964] : memref<32x128xi32, #tpu.memory_space<vmem>> -> memref<1x128xi32, #tpu.memory_space<vmem>>
    %dma_wait3A_966 = tpu.memref_squeeze %dma_wait3A_965 : memref<1x128xi32, #tpu.memory_space<vmem>> -> memref<128xi32, #tpu.memory_space<vmem>>
    %dma_wait3A_967 = arith.constant 0 : i32
    %dma_wait3A_968 = tpu.memref_slice %arg5[%dma_wait3A_967] : memref<131072xf32, #tpu.memory_space<hbm>> -> memref<131072xf32, #tpu.memory_space<hbm>>
    tpu.wait_indirect_dma semaphore(%arg10 : memref<!tpu.dma_semaphore, #tpu.memory_space<semaphore_mem>>) src(%dma_wait3A_963 : memref<128xf32, #tpu.memory_space<vmem>>) dst(%dma_wait3A_968 : memref<131072xf32, #tpu.memory_space<hbm>>)
    %dma_wait3A_969 = arith.constant 28 : i32
    %dma_wait3A_970 = arith.constant 3584 : i32
    %dma_wait3A_971 = tpu.memref_slice %arg7[%dma_wait3A_970] : memref<4096xf32, #tpu.memory_space<vmem>> -> memref<128xf32, #tpu.memory_space<vmem>>
    %dma_wait3A_972 = arith.constant 0 : i32
    %dma_wait3A_973 = tpu.memref_slice %arg9[%dma_wait3A_969, %dma_wait3A_972] : memref<32x128xi32, #tpu.memory_space<vmem>> -> memref<1x128xi32, #tpu.memory_space<vmem>>
    %dma_wait3A_974 = tpu.memref_squeeze %dma_wait3A_973 : memref<1x128xi32, #tpu.memory_space<vmem>> -> memref<128xi32, #tpu.memory_space<vmem>>
    %dma_wait3A_975 = arith.constant 0 : i32
    %dma_wait3A_976 = tpu.memref_slice %arg6[%dma_wait3A_975] : memref<131072xf32, #tpu.memory_space<hbm>> -> memref<131072xf32, #tpu.memory_space<hbm>>
    tpu.wait_indirect_dma semaphore(%arg10 : memref<!tpu.dma_semaphore, #tpu.memory_space<semaphore_mem>>) src(%dma_wait3A_971 : memref<128xf32, #tpu.memory_space<vmem>>) dst(%dma_wait3A_976 : memref<131072xf32, #tpu.memory_space<hbm>>)
    %dma_wait3A_977 = arith.constant 29 : i32
    %dma_wait3A_978 = arith.constant 3712 : i32
    %dma_wait3A_979 = tpu.memref_slice %arg7[%dma_wait3A_978] : memref<4096xf32, #tpu.memory_space<vmem>> -> memref<128xf32, #tpu.memory_space<vmem>>
    %dma_wait3A_980 = arith.constant 0 : i32
    %dma_wait3A_981 = tpu.memref_slice %arg8[%dma_wait3A_977, %dma_wait3A_980] : memref<32x128xi32, #tpu.memory_space<vmem>> -> memref<1x128xi32, #tpu.memory_space<vmem>>
    %dma_wait3A_982 = tpu.memref_squeeze %dma_wait3A_981 : memref<1x128xi32, #tpu.memory_space<vmem>> -> memref<128xi32, #tpu.memory_space<vmem>>
    %dma_wait3A_983 = arith.constant 0 : i32
    %dma_wait3A_984 = tpu.memref_slice %arg5[%dma_wait3A_983] : memref<131072xf32, #tpu.memory_space<hbm>> -> memref<131072xf32, #tpu.memory_space<hbm>>
    tpu.wait_indirect_dma semaphore(%arg10 : memref<!tpu.dma_semaphore, #tpu.memory_space<semaphore_mem>>) src(%dma_wait3A_979 : memref<128xf32, #tpu.memory_space<vmem>>) dst(%dma_wait3A_984 : memref<131072xf32, #tpu.memory_space<hbm>>)
    %dma_wait3A_985 = arith.constant 29 : i32
    %dma_wait3A_986 = arith.constant 3712 : i32
    %dma_wait3A_987 = tpu.memref_slice %arg7[%dma_wait3A_986] : memref<4096xf32, #tpu.memory_space<vmem>> -> memref<128xf32, #tpu.memory_space<vmem>>
    %dma_wait3A_988 = arith.constant 0 : i32
    %dma_wait3A_989 = tpu.memref_slice %arg9[%dma_wait3A_985, %dma_wait3A_988] : memref<32x128xi32, #tpu.memory_space<vmem>> -> memref<1x128xi32, #tpu.memory_space<vmem>>
    %dma_wait3A_990 = tpu.memref_squeeze %dma_wait3A_989 : memref<1x128xi32, #tpu.memory_space<vmem>> -> memref<128xi32, #tpu.memory_space<vmem>>
    %dma_wait3A_991 = arith.constant 0 : i32
    %dma_wait3A_992 = tpu.memref_slice %arg6[%dma_wait3A_991] : memref<131072xf32, #tpu.memory_space<hbm>> -> memref<131072xf32, #tpu.memory_space<hbm>>
    tpu.wait_indirect_dma semaphore(%arg10 : memref<!tpu.dma_semaphore, #tpu.memory_space<semaphore_mem>>) src(%dma_wait3A_987 : memref<128xf32, #tpu.memory_space<vmem>>) dst(%dma_wait3A_992 : memref<131072xf32, #tpu.memory_space<hbm>>)
    %dma_wait3A_993 = arith.constant 30 : i32
    %dma_wait3A_994 = arith.constant 3840 : i32
    %dma_wait3A_995 = tpu.memref_slice %arg7[%dma_wait3A_994] : memref<4096xf32, #tpu.memory_space<vmem>> -> memref<128xf32, #tpu.memory_space<vmem>>
    %dma_wait3A_996 = arith.constant 0 : i32
    %dma_wait3A_997 = tpu.memref_slice %arg8[%dma_wait3A_993, %dma_wait3A_996] : memref<32x128xi32, #tpu.memory_space<vmem>> -> memref<1x128xi32, #tpu.memory_space<vmem>>
    %dma_wait3A_998 = tpu.memref_squeeze %dma_wait3A_997 : memref<1x128xi32, #tpu.memory_space<vmem>> -> memref<128xi32, #tpu.memory_space<vmem>>
    %dma_wait3A_999 = arith.constant 0 : i32
    %dma_wait3A_1000 = tpu.memref_slice %arg5[%dma_wait3A_999] : memref<131072xf32, #tpu.memory_space<hbm>> -> memref<131072xf32, #tpu.memory_space<hbm>>
    tpu.wait_indirect_dma semaphore(%arg10 : memref<!tpu.dma_semaphore, #tpu.memory_space<semaphore_mem>>) src(%dma_wait3A_995 : memref<128xf32, #tpu.memory_space<vmem>>) dst(%dma_wait3A_1000 : memref<131072xf32, #tpu.memory_space<hbm>>)
    %dma_wait3A_1001 = arith.constant 30 : i32
    %dma_wait3A_1002 = arith.constant 3840 : i32
    %dma_wait3A_1003 = tpu.memref_slice %arg7[%dma_wait3A_1002] : memref<4096xf32, #tpu.memory_space<vmem>> -> memref<128xf32, #tpu.memory_space<vmem>>
    %dma_wait3A_1004 = arith.constant 0 : i32
    %dma_wait3A_1005 = tpu.memref_slice %arg9[%dma_wait3A_1001, %dma_wait3A_1004] : memref<32x128xi32, #tpu.memory_space<vmem>> -> memref<1x128xi32, #tpu.memory_space<vmem>>
    %dma_wait3A_1006 = tpu.memref_squeeze %dma_wait3A_1005 : memref<1x128xi32, #tpu.memory_space<vmem>> -> memref<128xi32, #tpu.memory_space<vmem>>
    %dma_wait3A_1007 = arith.constant 0 : i32
    %dma_wait3A_1008 = tpu.memref_slice %arg6[%dma_wait3A_1007] : memref<131072xf32, #tpu.memory_space<hbm>> -> memref<131072xf32, #tpu.memory_space<hbm>>
    tpu.wait_indirect_dma semaphore(%arg10 : memref<!tpu.dma_semaphore, #tpu.memory_space<semaphore_mem>>) src(%dma_wait3A_1003 : memref<128xf32, #tpu.memory_space<vmem>>) dst(%dma_wait3A_1008 : memref<131072xf32, #tpu.memory_space<hbm>>)
    %dma_wait3A_1009 = arith.constant 31 : i32
    %dma_wait3A_1010 = arith.constant 3968 : i32
    %dma_wait3A_1011 = tpu.memref_slice %arg7[%dma_wait3A_1010] : memref<4096xf32, #tpu.memory_space<vmem>> -> memref<128xf32, #tpu.memory_space<vmem>>
    %dma_wait3A_1012 = arith.constant 0 : i32
    %dma_wait3A_1013 = tpu.memref_slice %arg8[%dma_wait3A_1009, %dma_wait3A_1012] : memref<32x128xi32, #tpu.memory_space<vmem>> -> memref<1x128xi32, #tpu.memory_space<vmem>>
    %dma_wait3A_1014 = tpu.memref_squeeze %dma_wait3A_1013 : memref<1x128xi32, #tpu.memory_space<vmem>> -> memref<128xi32, #tpu.memory_space<vmem>>
    %dma_wait3A_1015 = arith.constant 0 : i32
    %dma_wait3A_1016 = tpu.memref_slice %arg5[%dma_wait3A_1015] : memref<131072xf32, #tpu.memory_space<hbm>> -> memref<131072xf32, #tpu.memory_space<hbm>>
    tpu.wait_indirect_dma semaphore(%arg10 : memref<!tpu.dma_semaphore, #tpu.memory_space<semaphore_mem>>) src(%dma_wait3A_1011 : memref<128xf32, #tpu.memory_space<vmem>>) dst(%dma_wait3A_1016 : memref<131072xf32, #tpu.memory_space<hbm>>)
    %dma_wait3A_1017 = arith.constant 31 : i32
    %dma_wait3A_1018 = arith.constant 3968 : i32
    %dma_wait3A_1019 = tpu.memref_slice %arg7[%dma_wait3A_1018] : memref<4096xf32, #tpu.memory_space<vmem>> -> memref<128xf32, #tpu.memory_space<vmem>>
    %dma_wait3A_1020 = arith.constant 0 : i32
    %dma_wait3A_1021 = tpu.memref_slice %arg9[%dma_wait3A_1017, %dma_wait3A_1020] : memref<32x128xi32, #tpu.memory_space<vmem>> -> memref<1x128xi32, #tpu.memory_space<vmem>>
    %dma_wait3A_1022 = tpu.memref_squeeze %dma_wait3A_1021 : memref<1x128xi32, #tpu.memory_space<vmem>> -> memref<128xi32, #tpu.memory_space<vmem>>
    %dma_wait3A_1023 = arith.constant 0 : i32
    %dma_wait3A_1024 = tpu.memref_slice %arg6[%dma_wait3A_1023] : memref<131072xf32, #tpu.memory_space<hbm>> -> memref<131072xf32, #tpu.memory_space<hbm>>
    tpu.wait_indirect_dma semaphore(%arg10 : memref<!tpu.dma_semaphore, #tpu.memory_space<semaphore_mem>>) src(%dma_wait3A_1019 : memref<128xf32, #tpu.memory_space<vmem>>) dst(%dma_wait3A_1024 : memref<131072xf32, #tpu.memory_space<hbm>>)
    return
  }
}

module attributes {stable_mosaic.version = 14 : i64} {
  func.func @_rank_body(%arg0: i32, %arg1: memref<1024x1xf32, #tpu.memory_space<vmem>>, %arg2: memref<1x32768xf32, #tpu.memory_space<vmem>>, %arg3: memref<1024x4xi32, #tpu.memory_space<vmem>>, %arg4: memref<1024x4xi32, #tpu.memory_space<vmem>>) attributes {dimension_semantics = [#tpu.dimension_semantics<arbitrary>], iteration_bounds = array<i64: 32>, scalar_prefetch = 0 : i64, scratch_operands = 0 : i64, tpu.core_type = #tpu.core_type<tc>, window_params = [{transform_indices = @transform_0, window_bounds = array<i64: 1024, 1>}, {pipeline_mode = #tpu.pipeline_mode<synchronous>, transform_indices = @transform_1, window_bounds = array<i64: 1, 32768>}, {transform_indices = @transform_2, window_bounds = array<i64: 1024, 4>}, {transform_indices = @transform_3, window_bounds = array<i64: 1024, 4>}]} {
    %get3A = arith.constant 0 : index
    %get3A_0 = arith.constant 0 : index
    %get3A_1 = vector.load %arg1[%get3A, %get3A_0] : memref<1024x1xf32, #tpu.memory_space<vmem>>, vector<1024x1xf32>
    %mul3A = arith.constant 1024 : i32
    %mul3A_2 = arith.muli %arg0, %mul3A : i32
    %iota3A = tpu.iota {dimensions = array<i32: 0>} : vector<1024x1xi32>
    %add3A = vector.broadcast %mul3A_2 : i32 to vector<1024x1xi32>
    %add3A_3 = arith.addi %add3A, %iota3A : vector<1024x1xi32>
    %broadcast_in_dim3A = arith.constant 0 : i32
    %broadcast_in_dim3A_4 = vector.broadcast %broadcast_in_dim3A : i32 to vector<1024x1xi32>
    %scan3A = arith.constant 0 : i32
    %scan3A_5 = arith.constant 16 : i32
    %scan3A_6 = arith.addi %scan3A, %scan3A_5 : i32
    %scan3A_7 = arith.constant 1 : i32
    %scan3A_8:3 = scf.for %scan3A_31 = %scan3A to %scan3A_6 step %scan3A_7 iter_args(%scan3A_32 = %broadcast_in_dim3A_4, %scan3A_33 = %broadcast_in_dim3A_4, %scan3A_34 = %broadcast_in_dim3A_4) -> (vector<1024x1xi32>, vector<1024x1xi32>, vector<1024x1xi32>)  : i32 {
      %mul3A_35 = arith.constant 2048 : i32
      %mul3A_36 = arith.muli %scan3A_31, %mul3A_35 : i32
      %get3A_37 = arith.constant 0 : index
      %get3A_38 = arith.index_cast %mul3A_36 : i32 to index
      %get3A_39 = vector.load %arg2[%get3A_37, %get3A_38] : memref<1x32768xf32, #tpu.memory_space<vmem>>, vector<1x2048xf32>
      %mul3A_40 = arith.constant 2048 : i32
      %mul3A_41 = arith.muli %scan3A_31, %mul3A_40 : i32
      %iota3A_42 = tpu.iota {dimensions = array<i32: 1>} : vector<1x2048xi32>
      %add3A_43 = vector.broadcast %mul3A_41 : i32 to vector<1x2048xi32>
      %add3A_44 = arith.addi %add3A_43, %iota3A_42 : vector<1x2048xi32>
      %gt3A = vector.broadcast %get3A_39 : vector<1x2048xf32> to vector<1024x2048xf32>
      %gt3A_45 = vector.broadcast %get3A_1 : vector<1024x1xf32> to vector<1024x2048xf32>
      %gt3A_46 = arith.cmpf ogt, %gt3A, %gt3A_45 : vector<1024x2048xf32>
      %eq3A = vector.broadcast %get3A_39 : vector<1x2048xf32> to vector<1024x2048xf32>
      %eq3A_47 = vector.broadcast %get3A_1 : vector<1024x1xf32> to vector<1024x2048xf32>
      %eq3A_48 = arith.cmpf oeq, %eq3A, %eq3A_47 : vector<1024x2048xf32>
      %lt3A = vector.broadcast %add3A_44 : vector<1x2048xi32> to vector<1024x2048xi32>
      %lt3A_49 = vector.broadcast %add3A_3 : vector<1024x1xi32> to vector<1024x2048xi32>
      %lt3A_50 = arith.cmpi slt, %lt3A, %lt3A_49 : vector<1024x2048xi32>
      %and3A = arith.andi %eq3A_48, %lt3A_50 : vector<1024x2048xi1>
      %convert_element_type3A = arith.extui %gt3A_46 : vector<1024x2048xi1> to vector<1024x2048xi32>
      %reduce_sum3A = arith.constant dense<0> : vector<1024xi32>
      %reduce_sum3A_51 = vector.multi_reduction <add>, %convert_element_type3A, %reduce_sum3A [1] : vector<1024x2048xi32> to vector<1024xi32>
      %broadcast_in_dim3A_52 = vector.shape_cast %reduce_sum3A_51 : vector<1024xi32> to vector<1024x1xi32>
      %add3A_53 = arith.addi %scan3A_32, %broadcast_in_dim3A_52 : vector<1024x1xi32>
      %convert_element_type3A_54 = arith.extui %eq3A_48 : vector<1024x2048xi1> to vector<1024x2048xi32>
      %reduce_sum3A_55 = arith.constant dense<0> : vector<1024xi32>
      %reduce_sum3A_56 = vector.multi_reduction <add>, %convert_element_type3A_54, %reduce_sum3A_55 [1] : vector<1024x2048xi32> to vector<1024xi32>
      %broadcast_in_dim3A_57 = vector.shape_cast %reduce_sum3A_56 : vector<1024xi32> to vector<1024x1xi32>
      %add3A_58 = arith.addi %scan3A_33, %broadcast_in_dim3A_57 : vector<1024x1xi32>
      %convert_element_type3A_59 = arith.extui %and3A : vector<1024x2048xi1> to vector<1024x2048xi32>
      %reduce_sum3A_60 = arith.constant dense<0> : vector<1024xi32>
      %reduce_sum3A_61 = vector.multi_reduction <add>, %convert_element_type3A_59, %reduce_sum3A_60 [1] : vector<1024x2048xi32> to vector<1024xi32>
      %broadcast_in_dim3A_62 = vector.shape_cast %reduce_sum3A_61 : vector<1024xi32> to vector<1024x1xi32>
      %add3A_63 = arith.addi %scan3A_34, %broadcast_in_dim3A_62 : vector<1024x1xi32>
      scf.yield %add3A_53, %add3A_58, %add3A_63 : vector<1024x1xi32>, vector<1024x1xi32>, vector<1024x1xi32>
    }
    %scan3A_9 = arith.constant 16 : i32
    %iota3A_10 = tpu.iota {dimensions = array<i32: 1>} : vector<1024x4xi32>
    %add3A_11 = arith.addi %scan3A_8#0, %scan3A_8#2 : vector<1024x1xi32>
    %mul3A_12 = arith.constant 4 : i32
    %mul3A_13 = vector.broadcast %mul3A_12 : i32 to vector<1024x1xi32>
    %mul3A_14 = arith.muli %mul3A_13, %add3A_11 : vector<1024x1xi32>
    %add3A_15 = vector.broadcast %mul3A_14 : vector<1024x1xi32> to vector<1024x4xi32>
    %add3A_16 = arith.addi %add3A_15, %iota3A_10 : vector<1024x4xi32>
    %swap3A = arith.constant 0 : index
    %swap3A_17 = arith.constant 0 : index
    %swap3A_18 = vector.load %arg3[%swap3A, %swap3A_17] : memref<1024x4xi32, #tpu.memory_space<vmem>>, vector<1024x4xi32>
    tpu.vector_store %arg3[%swap3A, %swap3A_17], %add3A_16 {strides = array<i32>} : memref<1024x4xi32, #tpu.memory_space<vmem>>, vector<1024x4xi32>,
    %sub3A = arith.constant 32768 : i32
    %sub3A_19 = vector.broadcast %sub3A : i32 to vector<1024x1xi32>
    %sub3A_20 = arith.subi %sub3A_19, %scan3A_8#0 : vector<1024x1xi32>
    %sub3A_21 = arith.subi %sub3A_20, %scan3A_8#1 : vector<1024x1xi32>
    %add3A_22 = arith.addi %sub3A_21, %scan3A_8#2 : vector<1024x1xi32>
    %mul3A_23 = arith.constant 4 : i32
    %mul3A_24 = vector.broadcast %mul3A_23 : i32 to vector<1024x1xi32>
    %mul3A_25 = arith.muli %mul3A_24, %add3A_22 : vector<1024x1xi32>
    %add3A_26 = vector.broadcast %mul3A_25 : vector<1024x1xi32> to vector<1024x4xi32>
    %add3A_27 = arith.addi %add3A_26, %iota3A_10 : vector<1024x4xi32>
    %swap3A_28 = arith.constant 0 : index
    %swap3A_29 = arith.constant 0 : index
    %swap3A_30 = vector.load %arg4[%swap3A_28, %swap3A_29] : memref<1024x4xi32, #tpu.memory_space<vmem>>, vector<1024x4xi32>
    tpu.vector_store %arg4[%swap3A_28, %swap3A_29], %add3A_27 {strides = array<i32>} : memref<1024x4xi32, #tpu.memory_space<vmem>>, vector<1024x4xi32>,
    return
  }
  func.func @transform_0(%arg0: i32) -> (i32, i32) {
    %c0_i32 = arith.constant 0 : i32
    %c0_i32_0 = arith.constant 0 : i32
    return %arg0, %c0_i32 : i32, i32
  }
  func.func @transform_1(%arg0: i32) -> (i32, i32) {
    %c0_i32 = arith.constant 0 : i32
    %c0_i32_0 = arith.constant 0 : i32
    %c0_i32_1 = arith.constant 0 : i32
    return %c0_i32, %c0_i32_0 : i32, i32
  }
  func.func @transform_2(%arg0: i32) -> (i32, i32) {
    %c0_i32 = arith.constant 0 : i32
    %c0_i32_0 = arith.constant 0 : i32
    return %arg0, %c0_i32 : i32, i32
  }
  func.func @transform_3(%arg0: i32) -> (i32, i32) {
    %c0_i32 = arith.constant 0 : i32
    %c0_i32_0 = arith.constant 0 : i32
    return %arg0, %c0_i32 : i32, i32
  }
}

module attributes {stable_mosaic.version = 14 : i64} {
  func.func @_mm_body(%arg0: i32, %arg1: memref<1024x512xf32, #tpu.memory_space<vmem>>, %arg2: memref<512x2xf32, #tpu.memory_space<vmem>>, %arg3: memref<1x2xf32, #tpu.memory_space<vmem>>, %arg4: memref<1024x2xf32, #tpu.memory_space<vmem>>, %arg5: memref<1024x2xf32, #tpu.memory_space<vmem>>) attributes {dimension_semantics = [#tpu.dimension_semantics<arbitrary>], iteration_bounds = array<i64: 32>, scalar_prefetch = 0 : i64, scratch_operands = 0 : i64, tpu.core_type = #tpu.core_type<tc>, window_params = [{transform_indices = @transform_0, window_bounds = array<i64: 1024, 512>}, {pipeline_mode = #tpu.pipeline_mode<synchronous>, transform_indices = @transform_1, window_bounds = array<i64: 512, 2>}, {pipeline_mode = #tpu.pipeline_mode<synchronous>, transform_indices = @transform_2, window_bounds = array<i64: 1, 2>}, {transform_indices = @transform_3, window_bounds = array<i64: 1024, 2>}, {transform_indices = @transform_4, window_bounds = array<i64: 1024, 2>}]} {
    %get3A = arith.constant 0 : index
    %get3A_0 = arith.constant 0 : index
    %get3A_1 = vector.load %arg1[%get3A, %get3A_0] : memref<1024x512xf32, #tpu.memory_space<vmem>>, vector<1024x512xf32>
    %get3A_2 = arith.constant 0 : index
    %get3A_3 = arith.constant 0 : index
    %get3A_4 = vector.load %arg2[%get3A_2, %get3A_3] : memref<512x2xf32, #tpu.memory_space<vmem>>, vector<512x2xf32>
    %dot_general3A = arith.constant dense<0.000000e+00> : vector<1024x2xf32>
    %dot_general3A_5 = tpu.matmul %get3A_1, %get3A_4, %dot_general3A {dimension_numbers = #tpu.dot_dimension_numbers<[1], [0], [0], [1], [0, 0, 1, 1], [], []>, transpose_lhs_hint = false} : vector<1024x512xf32>, vector<512x2xf32>, vector<1024x2xf32> -> vector<1024x2xf32>
    %get3A_6 = arith.constant 0 : index
    %get3A_7 = arith.constant 0 : index
    %get3A_8 = vector.load %arg3[%get3A_6, %get3A_7] : memref<1x2xf32, #tpu.memory_space<vmem>>, vector<1x2xf32>
    %add3A = vector.broadcast %get3A_8 : vector<1x2xf32> to vector<1024x2xf32>
    %add3A_9 = arith.addf %dot_general3A_5, %add3A : vector<1024x2xf32>
    %swap3A = arith.constant 0 : index
    %swap3A_10 = arith.constant 0 : index
    %swap3A_11 = vector.load %arg4[%swap3A, %swap3A_10] : memref<1024x2xf32, #tpu.memory_space<vmem>>, vector<1024x2xf32>
    tpu.vector_store %arg4[%swap3A, %swap3A_10], %add3A_9 {strides = array<i32>} : memref<1024x2xf32, #tpu.memory_space<vmem>>, vector<1024x2xf32>,
    %reduce_max3A = arith.constant dense<0xFF800000> : vector<1024xf32>
    %reduce_max3A_12 = vector.multi_reduction <maximumf>, %add3A_9, %reduce_max3A [1] : vector<1024x2xf32> to vector<1024xf32>
    %broadcast_in_dim3A = vector.shape_cast %reduce_max3A_12 : vector<1024xf32> to vector<1024x1xf32>
    %sub3A = vector.broadcast %broadcast_in_dim3A : vector<1024x1xf32> to vector<1024x2xf32>
    %sub3A_13 = arith.subf %add3A_9, %sub3A : vector<1024x2xf32>
    %exp3A = math.exp %sub3A_13 : vector<1024x2xf32>
    %reduce_sum3A = arith.constant dense<0.000000e+00> : vector<1024xf32>
    %reduce_sum3A_14 = vector.multi_reduction <add>, %exp3A, %reduce_sum3A [1] : vector<1024x2xf32> to vector<1024xf32>
    %broadcast_in_dim3A_15 = vector.shape_cast %reduce_sum3A_14 : vector<1024xf32> to vector<1024x1xf32>
    %div3A = vector.broadcast %broadcast_in_dim3A_15 : vector<1024x1xf32> to vector<1024x2xf32>
    %div3A_16 = arith.divf %exp3A, %div3A : vector<1024x2xf32>
    %swap3A_17 = arith.constant 0 : index
    %swap3A_18 = arith.constant 0 : index
    %swap3A_19 = vector.load %arg5[%swap3A_17, %swap3A_18] : memref<1024x2xf32, #tpu.memory_space<vmem>>, vector<1024x2xf32>
    tpu.vector_store %arg5[%swap3A_17, %swap3A_18], %div3A_16 {strides = array<i32>} : memref<1024x2xf32, #tpu.memory_space<vmem>>, vector<1024x2xf32>,
    return
  }
  func.func @transform_0(%arg0: i32) -> (i32, i32) {
    %c0_i32 = arith.constant 0 : i32
    %c0_i32_0 = arith.constant 0 : i32
    return %arg0, %c0_i32 : i32, i32
  }
  func.func @transform_1(%arg0: i32) -> (i32, i32) {
    %c0_i32 = arith.constant 0 : i32
    %c0_i32_0 = arith.constant 0 : i32
    %c0_i32_1 = arith.constant 0 : i32
    return %c0_i32, %c0_i32_0 : i32, i32
  }
  func.func @transform_2(%arg0: i32) -> (i32, i32) {
    %c0_i32 = arith.constant 0 : i32
    %c0_i32_0 = arith.constant 0 : i32
    %c0_i32_1 = arith.constant 0 : i32
    return %c0_i32, %c0_i32_0 : i32, i32
  }
  func.func @transform_3(%arg0: i32) -> (i32, i32) {
    %c0_i32 = arith.constant 0 : i32
    %c0_i32_0 = arith.constant 0 : i32
    return %arg0, %c0_i32 : i32, i32
  }
  func.func @transform_4(%arg0: i32) -> (i32, i32) {
    %c0_i32 = arith.constant 0 : i32
    %c0_i32_0 = arith.constant 0 : i32
    return %arg0, %c0_i32 : i32, i32
  }
}

</mosaic_0001>

<sc_bundles>
// kernel: kernel.5.cloned.1.call-start
scs
__scs_entry_jumppad:
0x0: {  	(pc) =	sbr.rel $0x88, $3  }
0x1: {  	(tag) =	ssettag $0x0;
	lr =	simm.s32 $0x1  }
0x2: {  	[smem:$0x3F9C] =	sst lr;
	_ =	strace $0xD0000000  }
0x3: {  	_ = 	snop  }
0x4: {  	_ = 	snop  }
0x5: {  	_ = 	snop  }
0x6: {  	_ = 	snop  }
0x7: {  	_ = 	snop  }
__scs_overlays_trampoline_lowered:
0x8: {  	[smem:$0x3FAB] =	sst s0  }
0x9: {  	[smem:$0x3FAC] =	sst s1  }
0xa: {  	[smem:$0x3FAD] =	sst s2  }
0xb: {  	[smem:$0x3FAE] =	sst s3  }
0xc: {  	[smem:$0x3FAF] =	sst s4  }
0xd: {  	[smem:$0x3FB0] =	sst s5  }
0xe: {  	[smem:$0x3FB1] =	sst s6  }
0xf: {  	[smem:$0x3FB2] =	sst s7  }
0x10: {  	[smem:$0x3FB3] =	sst s8  }
0x11: {  	[smem:$0x3FB4] =	sst s9;
	s0 =	simm.s32 @!p0 $0x0  }
0x12: {  	s1 =	sld [smem:$0x3F9A];
	s0 =	simm.s32 @p0 $0x1  }
0x13: {  	[smem:$0x3FB5] =	sst s0;
	s0 =	simm.s32 @!p1 $0x0  }
0x14: {  	s2 =	sld [smem:$0x3F99];
	s0 =	simm.s32 @p1 $0x1  }
0x15: {  	[smem:$0x3FB6] =	sst s0;
	s0 =	simm.s32 @!p2 $0x0  }
0x16: {  	s3 =	sld [smem:$0x3FDB];
	s0 =	simm.s32 @p2 $0x1  }
0x17: {  	s4 =	simm.s32 $0x1BF5;
	[smem:$0x3FB8] =	sst s0  }
0x18: {  	s0 =	sld [smem:$0x3F9B];
	_ =	swait.ge [sflag:s4], $0x0  }
0x19: {  	s7 =	sld [smem:$0x3F9C]  }
0x1a: {  	s8 =	sadd.s32 $0xFFFFE003, lr  }
0x1b: {  	s9 =	sadd.s32 $0xFFFFFEF7, lr;
	s5 =	simm.s32 $0xFFFFFFFF;
	p2 =	slt.u32 s8, $0xFFFFF086  }
0x1c: {  	p1 =	slt.u32 s9, $0xF7A;
	s5 =	simm.s32 @!p2 $0x0  }
0x1d: {  	s5 =	simm.s32 @p1 $0x1;
	p0 =	seq.s32 s7, s2  }
0x1e: {  	s7 =	smul.u32 @!p0 $0xF7A, s2;
	p2 =	seq.s32 @!p0 s5, $0x0  }
0x1f: {  	s9 =	smul.u32 $0xF7A, s1;
	s8 =	simm.s32 @!p0 $0x1BF5;
	p2 =	por !p2, p0  }
0x20: {  	[sflag:s8] =	ssyncset.s32 @!p0 $0xFFFFF086;
	s6 =	sadd.s32 @!p0 s3, s7;
	s7 =	simm.s32 @!p0 $0x108  }
0x21: {  	s3 =	sadd.s32 s3, s9;
	s6 =	sadd.s32 @!p0 $0x88, s6;
	s7 =	simm.s32 @p2 $0x1082  }
0x22: {  	[simem:s7], [sflag:s8] =	dma.local @!p0 [hbm:s6], $0xF7A  }
0x23: {  	s9 =	sor.u32 $0xD0000000, s2;
	s6 =	simm.s32 $0x108;
	_ =	swait.ge @!p0 [sflag:s8], $0x0  }
0x24: {  	s3 =	sadd.s32 $0x88, s3;
	s6 =	simm.s32 @!p1 $0x1082;
	[sflag:s4] =	ssyncset.s32 $0xFFFFF086  }
0x25: {  	[simem:s6], [sflag:s4] =	dma.local [hbm:s3], $0xF7A  }
0x26: {  	[smem:$0x3F9C] =	sst s1;
	(tag) =	ssettag s2;
	_ =	strace s9  }
0x27: {  	s1 =	sld [smem:$0x3FAC]  }
0x28: {  	s2 =	sld [smem:$0x3FAD]  }
0x29: {  	s4 =	sld [smem:$0x3FAF]  }
0x2a: {  	p0 =	seq.s32 s5, $0x0;
	s5 =	sld [smem:$0x3FB0]  }
0x2b: {  	s6 =	sld [smem:$0x3FB1]  }
0x2c: {  	s7 =	sld [smem:$0x3FB2]  }
0x2d: {  	s3 =	simm.s32 $0x108;
	s8 =	sld [smem:$0x3FB3]  }
0x2e: {  	s3 =	simm.s32 @!p0 $0x1082;
	s9 =	sld [smem:$0x3FB4]  }
0x2f: {  	lr =	sadd.s32 s0, s3;
	s0 =	sld [smem:$0x3FAB]  }
0x30: {  	s3 =	sld [smem:$0x3FAE]  }
0x31: {  	[smem:$0x3FB7] =	sst s10  }
0x32: {  	s10 =	sld [smem:$0x3FB5];
	_ =	sdelay $0x3  }
0x33: {  	p0 =	seq.s32 s10, $0x1;
	s10 =	sld [smem:$0x3FB7];
	_ =	sdelay $0x3  }
0x34: {  	[smem:$0x3FB7] =	sst s10  }
0x35: {  	s10 =	sld [smem:$0x3FB6];
	_ =	sdelay $0x3  }
0x36: {  	p1 =	seq.s32 s10, $0x1;
	s10 =	sld [smem:$0x3FB7];
	_ =	sdelay $0x3  }
0x37: {  	[smem:$0x3FB7] =	sst s10  }
0x38: {  	s10 =	sld [smem:$0x3FB8]  }
0x39: {  	_ = 	snop;
	(pc) =	sbr.ind lr, $3  }
0x3a: {  	_ = 	snop  }
0x3b: {  	_ = 	snop  }
0x3c: {  	p2 =	seq.s32 s10, $0x1;
	s10 =	sld [smem:$0x3FB7]  }
0x3d: {  	_ =	shalt  }
0x3e: {  	_ =	shalt  }
0x3f: {  	_ =	shalt  }
0x40: {  	_ =	shalt  }
0x41: {  	_ =	shalt  }
0x42: {  	_ =	shalt  }
0x43: {  	_ =	shalt  }
0x44: {  	_ =	shalt  }
0x45: {  	_ =	shalt  }
0x46: {  	_ =	shalt  }
0x47: {  	_ =	shalt  }
0x48: {  	_ =	shalt  }
0x49: {  	_ =	shalt  }
0x4a: {  	_ =	shalt  }
0x4b: {  	_ =	shalt  }
0x4c: {  	_ =	shalt  }
0x4d: {  	_ =	shalt  }
0x4e: {  	_ =	shalt  }
0x4f: {  	_ =	shalt  }
0x50: {  	_ =	shalt  }
0x51: {  	_ =	shalt  }
0x52: {  	_ =	shalt  }
0x53: {  	_ =	shalt  }
0x54: {  	_ =	shalt  }
0x55: {  	_ =	shalt  }
0x56: {  	_ =	shalt  }
0x57: {  	_ =	shalt  }
0x58: {  	_ =	shalt  }
0x59: {  	_ =	shalt  }
0x5a: {  	_ =	shalt  }
0x5b: {  	_ =	shalt  }
0x5c: {  	_ =	shalt  }
0x5d: {  	_ =	shalt  }
0x5e: {  	_ =	shalt  }
0x5f: {  	_ =	shalt  }
0x60: {  	_ =	shalt  }
0x61: {  	_ =	shalt  }
0x62: {  	_ =	shalt  }
0x63: {  	_ =	shalt  }
0x64: {  	_ =	shalt  }
0x65: {  	_ =	shalt  }
0x66: {  	_ =	shalt  }
0x67: {  	_ =	shalt  }
0x68: {  	_ =	shalt  }
0x69: {  	_ =	shalt  }
0x6a: {  	_ =	shalt  }
0x6b: {  	_ =	shalt  }
0x6c: {  	_ =	shalt  }
0x6d: {  	_ =	shalt  }
0x6e: {  	_ =	shalt  }
0x6f: {  	_ =	shalt  }
0x70: {  	_ =	shalt  }
0x71: {  	_ =	shalt  }
0x72: {  	_ =	shalt  }
0x73: {  	_ =	shalt  }
0x74: {  	_ =	shalt  }
0x75: {  	_ =	shalt  }
0x76: {  	_ =	shalt  }
0x77: {  	_ =	shalt  }
0x78: {  	_ =	shalt  }
0x79: {  	_ =	shalt  }
0x7a: {  	_ =	shalt  }
0x7b: {  	_ =	shalt  }
0x7c: {  	_ =	shalt  }
0x7d: {  	_ =	shalt  }
0x7e: {  	_ =	shalt  }
0x7f: {  	_ =	shalt  }
0x80: {  	_ =	shalt  }
0x81: {  	_ =	shalt  }
0x82: {  	_ =	shalt  }
0x83: {  	_ =	shalt  }
0x84: {  	_ =	shalt  }
0x85: {  	_ =	shalt  }
0x86: {  	_ =	shalt  }
0x87: {  	_ =	shalt  }
.Lfunc_end0:
.L_simem_size_0:
called_computation_lowered:
.L_overlay_start_0:
0x88: {  	s2 =	sld [smem:$0x3FD9]  }
0x89: {  	s3 =	sld [smem:$0x3FFE];
	_ =	sdelay $0x1  }
0x8a: {  	s1 =	srdreg.scid  }
0x8b: {  	s0 =	sand.u32 $0x1, s1  }
0x8c: {  	s16 =	sshll.u32 s0, $0xA;
	s2 =	sadd.s32 s3, s2  }
0x8d: {  	s2 =	sadd.s32 s2, s16  }
0x8e: {  	[smem:$0x3FC3] =	sst s2  }
0x8f: {  	_ = 	snop  }
0x90: {  	(tm) =	ssettm $0x1  }
0x91: {  	s17 =	sld [smem:$0x3FFB];
	_ =	sdelay $0x3  }
0x92: {  	_ =	strace s17  }
0x93: {  	s2 =	sld [smem:$0x3FFC];
	_ =	sdelay $0x3  }
0x94: {  	_ =	strace s2  }
0x95: {  	s2 =	sld [smem:$0x3FFD];
	_ =	sdelay $0x3  }
0x96: {  	_ =	strace s2  }
0x97: {  	_ =	strace $0x8FFFFFFF  }
0x98: {  	s18 =	sld [smem:$0x3FDB];
	_ =	sdelay $0x1  }
0x99: {  	s19 =	simm.s32 $_scs_section_size  }
0x9a: {  	s4 =	simm.s32 $_size__tile_overlayer_lowered;
	s5 =	simm.s32 $_tile_overlayer_lowered  }
0x9b: {  	s22 =	simm.s32 $0x1BFF;
	s21 =	sshll.u32 s5, $0x1;
	s2 =	sadd.s32 s19, s18  }
0x9c: {  	s6 =	simm.s32 $0x0;
	s20 =	sshll.u32 s4, $0x1;
	s4 =	sadd.s32 s21, s2  }
0x9d: {  	[timem:s6], [sflag:s22] =	dma.local [hbm:s4], s20  }
0x9e: {  	_ =	swait.ge [sflag:s22], s20  }
0x9f: {  	s3 =	ssub.s32 $0x0, s20;
	[sflag:s22] =	ssyncset.done $0x0  }
0xa0: {  	[sflag:s22] =	ssyncadd.s32 s3;
	_ =	sdelay $0x1  }
0xa1: {  	s23 =	simm.s32 $0x1B8B  }
0xa2: {  	_ =	swait.ge [sflag:s23], $0x1  }
0xa3: {  	[sflag:s23] =	ssyncset.done $0x0  }
0xa4: {  	s25 =	simm.s32 $0x1B8E;
	s24 =	sld [smem:$0x3FFE];
	[sflag:s23] =	ssyncadd.s32 $0xFFFFFFFF  }
0xa5: {  	s26 =	simm.s32 $execute0_lowered;
	[smem:$0x3FD2] =	sst s25  }
0xa6: {  	s4 =	sshll.u32 s26, $0x1;
	_ =	strace $0x80000046;
	[dreg:$0x1] =	wrdreg $0xFFFFFFFF  }
0xa7: {  	s28 =	simm.s32 $_size_execute0_lowered;
	s2 =	sadd.s32 s2, s4;
	[dreg:$0x0] =	wrdreg $0x0  }
0xa8: {  	s4 =	sshll.u32 s28, $0x1;
	[dreg:$0x2] =	wrdreg s2  }
0xa9: {  	[dreg:$0x3] =	wrdreg s4  }
0xaa: {  	[dreg:$0x4] =	wrdreg $0xC0  }
0xab: {  	_ =	task [dreg:s6], $0x5FFFF  }
0xac: {  	[dreg:$0x1] =	wrdreg $0xFFFFFFFF  }
0xad: {  	[dreg:$0x0] =	wrdreg $0x60  }
0xae: {  	[dreg:$0x2] =	wrdreg s24  }
0xaf: {  	[dreg:$0x3] =	wrdreg $0x9  }
0xb0: {  	_ =	task.clear_ibuf [dreg:s6], $0x4FFFF;
	_ =	strace $0x90000046  }
0xb1: {  	s29 =	simm.s32 $0x9;
	_ =	strace $0x80000048  }
0xb2: {  	_ =	swait.ge [sflag:s29], $0x1  }
0xb3: {  	[sflag:s29] =	ssyncadd.s32 $0xFFFFFFFF  }
0xb4: {  	_ =	strace $0x90000048  }
0xb5: {  	_ =	sfence  }
0xb6: {  	s30 =	sld [smem:$0x0];
	_ =	sdelay $0x2  }
0xb7: {  	s31 =	sshll.u32 s1, $0xD;
	s1 =	sshrl.u32 s1, $0x2  }
0xb8: {  	s3 =	sand.u32 $0x4000, s31;
	s1 =	sadd.s32 s1, s30  }
0xb9: {  	s0 =	sor.u32 s3, s0;
	s1 =	sshll.u32 s1, $0x11  }
0xba: {  	s0 =	sor.u32 s1, s0  }
0xbb: {  	s0 =	sadd.s32 $0x8F2B, s0  }
0xbc: {  	[sflag:s0] =	ssyncadd.remote.s32 $0x1  }
0xbd: {  	_ =	sfence.sel $0xFFFF  }
0xbe: {  	[dreg:$0x0] =	wrdreg $0xFFFFFFFF;
	(pc) =	sbr.abs _section_cstart, $3  }
0xbf: {  	[dreg:$0x1] =	wrdreg $0xFFFFFFFF  }
0xc0: {  	_ =	task.clear_ibuf [dreg:s6], $0x2FFFF;
	_ =	strace $0x9FFFFFFF  }
0xc1: {  	(tm) =	ssettm $0x7FFFFFFF  }
tec
execute0_lowered:
.L_overlay_start_1:
0x0: {  	(tag) =	ssettag $0x1  }
0x1: {  	s1 =	rddreg [dreg:$0x0];
	s6 =	simm.s32 $0x0  }
0x2: {  	s4 =	simm.s32 $0x1080;
	[smem:$0x7FF] =	sst s6  }
0x3: {  	s5 =	simm.s32 $0x2080;
	_ =	strace $0x80000047;
	[dreg:$0x5] =	wrdreg s4  }
0x4: {  	s7 =	simm.s32 $0x1100;
	[dreg:$0x6] =	wrdreg s5  }
0x5: {  	s8 =	simm.s32 $0x2100;
	[dreg:$0x7] =	wrdreg s7  }
0x6: {  	s9 =	simm.s32 $0x1180;
	[dreg:$0x8] =	wrdreg s8  }
0x7: {  	s10 =	simm.s32 $0x2180;
	[dreg:$0x9] =	wrdreg s9  }
0x8: {  	s11 =	simm.s32 $0x1200;
	[dreg:$0xa] =	wrdreg s10  }
0x9: {  	s12 =	simm.s32 $0x2200;
	[dreg:$0xb] =	wrdreg s11  }
0xa: {  	s13 =	simm.s32 $0x1280;
	[dreg:$0xc] =	wrdreg s12  }
0xb: {  	s14 =	simm.s32 $0x2280;
	[dreg:$0xd] =	wrdreg s13  }
0xc: {  	s15 =	simm.s32 $0x1300;
	[dreg:$0xe] =	wrdreg s14  }
0xd: {  	s17 =	simm.s32 $0x2300;
	[dreg:$0xf] =	wrdreg s15  }
0xe: {  	s18 =	simm.s32 $0x1380;
	[dreg:$0x10] =	wrdreg s17  }
0xf: {  	s19 =	simm.s32 $0x2380;
	[dreg:$0x11] =	wrdreg s18  }
0x10: {  	s20 =	simm.s32 $0x1400;
	[dreg:$0x12] =	wrdreg s19  }
0x11: {  	s21 =	simm.s32 $0x2400;
	[dreg:$0x13] =	wrdreg s20  }
0x12: {  	s22 =	simm.s32 $0x1480;
	[dreg:$0x14] =	wrdreg s21  }
0x13: {  	s23 =	simm.s32 $0x2480;
	[dreg:$0x15] =	wrdreg s22  }
0x14: {  	s24 =	simm.s32 $0x1500;
	[dreg:$0x16] =	wrdreg s23  }
0x15: {  	[dreg:$0x17] =	wrdreg s24;
	s4 =	simm.s32 $0x1600  }
0x16: {  	s5 =	simm.s32 $0x2600;
	[dreg:$0x1b] =	wrdreg s4  }
0x17: {  	s7 =	simm.s32 $0x1680;
	[dreg:$0x1c] =	wrdreg s5  }
0x18: {  	s8 =	simm.s32 $0x2680;
	[dreg:$0x1d] =	wrdreg s7  }
0x19: {  	s9 =	simm.s32 $0x1700;
	[dreg:$0x1e] =	wrdreg s8  }
0x1a: {  	s10 =	simm.s32 $0x2700;
	[dreg:$0x1f] =	wrdreg s9  }
0x1b: {  	s11 =	simm.s32 $0x1780;
	[smem:$0x7DB] =	sst s10  }
0x1c: {  	s12 =	simm.s32 $0x2780;
	[smem:$0x7DC] =	sst s11  }
0x1d: {  	s13 =	simm.s32 $0x1800;
	[smem:$0x7DD] =	sst s12  }
0x1e: {  	s14 =	simm.s32 $0x2800;
	[smem:$0x7DE] =	sst s13  }
0x1f: {  	s15 =	simm.s32 $0x1880;
	[smem:$0x7DF] =	sst s14  }
0x20: {  	s17 =	simm.s32 $0x2880;
	[smem:$0x7E0] =	sst s15  }
0x21: {  	s0 =	srdreg.scid;
	s18 =	simm.s32 $0x1900;
	[smem:$0x7E1] =	sst s17  }
0x22: {  	s16 =	stileid.u32;
	s19 =	simm.s32 $0x2900;
	[smem:$0x7E2] =	sst s18  }
0x23: {  	s31 =	simm.s32 $0x800;
	s20 =	simm.s32 $0x1980;
	[smem:$0x7E3] =	sst s19  }
0x24: {  	s0 =	sand.u32 $0x1, s0;
	s21 =	simm.s32 $0x2980;
	[smem:$0x7E4] =	sst s20  }
0x25: {  	s2 =	sshll.u32 s16, $0xA;
	s22 =	simm.s32 $0x1A00;
	[smem:$0x7E5] =	sst s21  }
0x26: {  	s3 =	sshll.u32 s0, $0x9;
	s23 =	simm.s32 $0x2A00;
	[smem:$0x7E6] =	sst s22  }
0x27: {  	s2 =	sor.u32 s3, s2;
	s3 =	simm.s32 $0x2580;
	[smem:$0x7E7] =	sst s23  }
0x28: {  	p0 =	por $0x0, $0x0;
	s5 =	simm.s32 $0x1B00;
	[dreg:$0x1a] =	wrdreg s3  }
0x29: {  	s30 =	simm.s32 $0x980;
	s7 =	simm.s32 $0x2B00;
	[smem:$0x7EA] =	sst s5  }
0x2a: {  	s29 =	simm.s32 $0xA00;
	s8 =	simm.s32 $0x1B80;
	[smem:$0x7EB] =	sst s7  }
0x2b: {  	s28 =	simm.s32 $0xA80;
	s10 =	simm.s32 $0x2B80;
	[smem:$0x7EC] =	sst s8  }
0x2c: {  	s0 =	ssub.s32 $0x2, s0;
	s11 =	simm.s32 $0x1C00;
	[smem:$0x7ED] =	sst s10  }
0x2d: {  	s4 =	sadd.s32 $0x11C00, s1;
	s12 =	simm.s32 $0x2C00;
	[smem:$0x7EE] =	sst s11  }
0x2e: {  	s24 =	sshrl.u32 s0, $0x1;
	s13 =	simm.s32 $0x1C80;
	[smem:$0x7EF] =	sst s12  }
0x2f: {  	s9 =	simm.s32 $0x2;
	s14 =	simm.s32 $0x2C80;
	[smem:$0x7F0] =	sst s13  }
0x30: {  	s15 =	simm.s32 $0x1D00;
	s17 =	simm.s32 $0x1D80;
	[smem:$0x7F1] =	sst s14  }
0x31: {  	s18 =	simm.s32 $0x2D80;
	s19 =	simm.s32 $0x1E00;
	[smem:$0x7F2] =	sst s15  }
0x32: {  	s20 =	simm.s32 $0x2E00;
	s21 =	simm.s32 $0x1E80;
	[smem:$0x7F4] =	sst s17  }
0x33: {  	s22 =	simm.s32 $0x2E80;
	s23 =	simm.s32 $0x1F00;
	[smem:$0x7F5] =	sst s18  }
0x34: {  	s2 =	sadd.s32 s2, s1;
	s3 =	sadd.s32 $0xDC00, s1;
	[smem:$0x7F6] =	sst s19  }
0x35: {  	s0 =	ssub.s32 s0, s24;
	s5 =	simm.s32 $0x80;
	[smem:$0x7F7] =	sst s20  }
0x36: {  	s14 =	simm.s32 $0x2D00;
	s12 =	simm.s32 $0x580;
	[smem:$0x7F8] =	sst s21  }
0x37: {  	s11 =	simm.s32 $0x600;
	s10 =	simm.s32 $0x680;
	[smem:$0x7F9] =	sst s22  }
0x38: {  	s8 =	simm.s32 $0x700;
	[smem:$0x7FA] =	sst s23;
	s24 =	simm.s32 $0x2F00  }
0x39: {  	s7 =	simm.s32 $0x780;
	s1 =	simm.s32 $0x880;
	s23 =	simm.s32 $0xC80  }
0x3a: {  	s22 =	simm.s32 $0xD00;
	s21 =	simm.s32 $0xD80;
	[smem:$0x7F3] =	sst s14  }
0x3b: {  	s20 =	simm.s32 $0xE00;
	s25 =	sadd.s32 $0x9C00, s2;
	[smem:$0x7FB] =	sst s24  }
0x3c: {  	s19 =	simm.s32 $0xE80;
	s26 =	sadd.s32 $0x1C00, s2;
	[dreg:$0x2] =	wrdreg s25  }
0x3d: {  	s18 =	simm.s32 $0xF00;
	s2 =	sadd.s32 $0x5C00, s2;
	[dreg:$0x3] =	wrdreg s26  }
0x3e: {  	s17 =	simm.s32 $0xF80;
	[dreg:$0x4] =	wrdreg s2;
	s25 =	simm.s32 $0x2500  }
0x3f: {  	s26 =	simm.s32 $0x1580;
	s2 =	smax.u32 s0, $0x1;
	[dreg:$0x18] =	wrdreg s25  }
0x40: {  	s24 =	simm.s32 $0xC00;
	[dreg:$0x19] =	wrdreg s26;
	p1 =	sne.s32 s2, $0x1  }
.Ltmp0:
0x41: {  	s25 =	simm.s32 $0x1A80;
	s15 =	rddreg [dreg:$0x2];
	(pc) =	sbr.rel @!p1 .LBB2_5-.Ltmp0, $4  }
0x42: {  	s0 =	simm.s32 $0x900;
	s26 =	simm.s32 $0x2A80;
	[smem:$0x7E8] =	sst s25  }
0x43: {  	s13 =	sadd.s32 $0xFFFFFFFF, s2;
	[smem:$0x7E9] =	sst s26;
	s25 =	simm.s32 $0x1F80  }
0x44: {  	s2 =	simm.s32 $0x1;
	s26 =	simm.s32 $0x2F80;
	[smem:$0x7FC] =	sst s25  }
0x45: {  	[smem:$0x7FD] =	sst s26;
	s26 =	simm.s32 $0xB00;
	s25 =	simm.s32 $0xB80  }
0x46: {  	[tilespmem:s6], [sflag:$0x2] =	stream.linear.gather [hbm4b:s15+s6], $0x1000, $0x38;
	[tilespmem:$0x3000] =	vst v63  }
0x47: {  	_ =	swait.ge [sflag:s9], $0x1000  }
0x48: {  	[sflag:s9] =	ssyncset.done $0x0  }
0x49: {  	s14 =	simm.s32 $0x1000;
	s16 =	rddreg [dreg:$0x3];
	[sflag:s9] =	ssyncadd.s32 $0xFFFFF000  }
0x4a: {  	[tilespmem:s14], [sflag:$0x2] =	stream.linear.gather [hbm4b:s16+s6], $0x1000, $0x38;
	[tilespmem:$0x3000] =	vst v63  }
0x4b: {  	_ =	swait.ge [sflag:s9], $0x1000  }
0x4c: {  	[sflag:s9] =	ssyncset.done $0x0  }
0x4d: {  	s16 =	simm.s32 $0x2000;
	s15 =	rddreg [dreg:$0x4];
	[sflag:s9] =	ssyncadd.s32 $0xFFFFF000  }
0x4e: {  	[tilespmem:s16], [sflag:$0x2] =	stream.linear.gather [hbm4b:s15+s6], $0x1000, $0x38;
	[tilespmem:$0x3000] =	vst v63  }
0x4f: {  	_ =	swait.ge [sflag:s9], $0x1000  }
0x50: {  	[sflag:s9] =	ssyncset.done $0x0  }
0x51: {  	[sflag:s9] =	ssyncadd.s32 $0xFFFFF000  }
0x52: {  	[hbm4b:s3+s5] =	stream.indirect.scatter [tilespmem:s6], [sflag:$0x1], $0x1, s14, s5, $0xb8;
	[tilespmem:$0x3000] =	vst v63  }
0x53: {  	s15 =	rddreg [dreg:$0x7]  }
0x54: {  	[hbm4b:s4+s5] =	stream.indirect.scatter [tilespmem:s6], [sflag:$0x1], $0x1, s16, s5, $0xb8;
	[tilespmem:$0x3000] =	vst v63  }
0x55: {  	s14 =	rddreg [dreg:$0x5]  }
0x56: {  	[hbm4b:s3+s5] =	stream.indirect.scatter [tilespmem:s5], [sflag:$0x1], $0x1, s14, s5, $0xb8;
	[tilespmem:$0x3000] =	vst v63  }
0x57: {  	s16 =	rddreg [dreg:$0x6]  }
0x58: {  	[hbm4b:s4+s5] =	stream.indirect.scatter [tilespmem:s5], [sflag:$0x1], $0x1, s16, s5, $0xb8;
	[tilespmem:$0x3000] =	vst v63  }
0x59: {  	s14 =	rddreg [dreg:$0x8];
	s16 =	smov.u32 s13;
	s13 =	simm.s32 $0x100  }
0x5a: {  	[hbm4b:s3+s5] =	stream.indirect.scatter [tilespmem:s13], [sflag:$0x1], $0x1, s15, s5, $0xb8;
	[tilespmem:$0x3000] =	vst v63  }
0x5b: {  	s15 =	rddreg [dreg:$0x9]  }
0x5c: {  	[hbm4b:s4+s5] =	stream.indirect.scatter [tilespmem:s13], [sflag:$0x1], $0x1, s14, s5, $0xb8;
	[tilespmem:$0x3000] =	vst v63  }
0x5d: {  	s14 =	rddreg [dreg:$0xa];
	s13 =	simm.s32 $0x180  }
0x5e: {  	[hbm4b:s3+s5] =	stream.indirect.scatter [tilespmem:s13], [sflag:$0x1], $0x1, s15, s5, $0xb8;
	[tilespmem:$0x3000] =	vst v63  }
0x5f: {  	s15 =	rddreg [dreg:$0xb]  }
0x60: {  	[hbm4b:s4+s5] =	stream.indirect.scatter [tilespmem:s13], [sflag:$0x1], $0x1, s14, s5, $0xb8;
	[tilespmem:$0x3000] =	vst v63  }
0x61: {  	s14 =	rddreg [dreg:$0xc];
	s13 =	simm.s32 $0x200  }
0x62: {  	[hbm4b:s3+s5] =	stream.indirect.scatter [tilespmem:s13], [sflag:$0x1], $0x1, s15, s5, $0xb8;
	[tilespmem:$0x3000] =	vst v63  }
0x63: {  	s15 =	rddreg [dreg:$0xd]  }
0x64: {  	[hbm4b:s4+s5] =	stream.indirect.scatter [tilespmem:s13], [sflag:$0x1], $0x1, s14, s5, $0xb8;
	[tilespmem:$0x3000] =	vst v63  }
0x65: {  	s14 =	rddreg [dreg:$0xe];
	s13 =	simm.s32 $0x280  }
0x66: {  	[hbm4b:s3+s5] =	stream.indirect.scatter [tilespmem:s13], [sflag:$0x1], $0x1, s15, s5, $0xb8;
	[tilespmem:$0x3000] =	vst v63  }
0x67: {  	s15 =	rddreg [dreg:$0xf]  }
0x68: {  	[hbm4b:s4+s5] =	stream.indirect.scatter [tilespmem:s13], [sflag:$0x1], $0x1, s14, s5, $0xb8;
	[tilespmem:$0x3000] =	vst v63  }
0x69: {  	s14 =	rddreg [dreg:$0x10];
	s13 =	simm.s32 $0x300  }
0x6a: {  	[hbm4b:s3+s5] =	stream.indirect.scatter [tilespmem:s13], [sflag:$0x1], $0x1, s15, s5, $0xb8;
	[tilespmem:$0x3000] =	vst v63  }
0x6b: {  	s15 =	rddreg [dreg:$0x11]  }
0x6c: {  	[hbm4b:s4+s5] =	stream.indirect.scatter [tilespmem:s13], [sflag:$0x1], $0x1, s14, s5, $0xb8;
	[tilespmem:$0x3000] =	vst v63  }
0x6d: {  	s14 =	rddreg [dreg:$0x12];
	s13 =	simm.s32 $0x380  }
0x6e: {  	[hbm4b:s3+s5] =	stream.indirect.scatter [tilespmem:s13], [sflag:$0x1], $0x1, s15, s5, $0xb8;
	[tilespmem:$0x3000] =	vst v63  }
0x6f: {  	s15 =	rddreg [dreg:$0x13]  }
0x70: {  	[hbm4b:s4+s5] =	stream.indirect.scatter [tilespmem:s13], [sflag:$0x1], $0x1, s14, s5, $0xb8;
	[tilespmem:$0x3000] =	vst v63  }
0x71: {  	s14 =	rddreg [dreg:$0x14];
	s13 =	simm.s32 $0x400  }
0x72: {  	[hbm4b:s3+s5] =	stream.indirect.scatter [tilespmem:s13], [sflag:$0x1], $0x1, s15, s5, $0xb8;
	[tilespmem:$0x3000] =	vst v63  }
0x73: {  	s15 =	rddreg [dreg:$0x15]  }
0x74: {  	[hbm4b:s4+s5] =	stream.indirect.scatter [tilespmem:s13], [sflag:$0x1], $0x1, s14, s5, $0xb8;
	[tilespmem:$0x3000] =	vst v63  }
0x75: {  	s14 =	rddreg [dreg:$0x16];
	s13 =	simm.s32 $0x480  }
0x76: {  	[hbm4b:s3+s5] =	stream.indirect.scatter [tilespmem:s13], [sflag:$0x1], $0x1, s15, s5, $0xb8;
	[tilespmem:$0x3000] =	vst v63  }
0x77: {  	s15 =	rddreg [dreg:$0x17]  }
0x78: {  	[hbm4b:s4+s5] =	stream.indirect.scatter [tilespmem:s13], [sflag:$0x1], $0x1, s14, s5, $0xb8;
	[tilespmem:$0x3000] =	vst v63  }
0x79: {  	s14 =	rddreg [dreg:$0x18];
	s13 =	simm.s32 $0x500  }
0x7a: {  	[hbm4b:s3+s5] =	stream.indirect.scatter [tilespmem:s13], [sflag:$0x1], $0x1, s15, s5, $0xb8;
	[tilespmem:$0x3000] =	vst v63  }
0x7b: {  	s15 =	rddreg [dreg:$0x19]  }
0x7c: {  	[hbm4b:s4+s5] =	stream.indirect.scatter [tilespmem:s13], [sflag:$0x1], $0x1, s14, s5, $0xb8;
	[tilespmem:$0x3000] =	vst v63  }
0x7d: {  	s13 =	rddreg [dreg:$0x1a]  }
0x7e: {  	[hbm4b:s3+s5] =	stream.indirect.scatter [tilespmem:s12], [sflag:$0x1], $0x1, s15, s5, $0xb8;
	[tilespmem:$0x3000] =	vst v63  }
0x7f: {  	s15 =	rddreg [dreg:$0x1b]  }
0x80: {  	[hbm4b:s4+s5] =	stream.indirect.scatter [tilespmem:s12], [sflag:$0x1], $0x1, s13, s5, $0xb8;
	[tilespmem:$0x3000] =	vst v63  }
0x81: {  	s13 =	rddreg [dreg:$0x1c]  }
0x82: {  	[hbm4b:s3+s5] =	stream.indirect.scatter [tilespmem:s11], [sflag:$0x1], $0x1, s15, s5, $0xb8;
	[tilespmem:$0x3000] =	vst v63  }
0x83: {  	s15 =	rddreg [dreg:$0x1d]  }
0x84: {  	[hbm4b:s4+s5] =	stream.indirect.scatter [tilespmem:s11], [sflag:$0x1], $0x1, s13, s5, $0xb8;
	[tilespmem:$0x3000] =	vst v63  }
0x85: {  	s13 =	rddreg [dreg:$0x1e]  }
0x86: {  	[hbm4b:s3+s5] =	stream.indirect.scatter [tilespmem:s10], [sflag:$0x1], $0x1, s15, s5, $0xb8;
	[tilespmem:$0x3000] =	vst v63  }
0x87: {  	s15 =	rddreg [dreg:$0x1f]  }
0x88: {  	[hbm4b:s4+s5] =	stream.indirect.scatter [tilespmem:s10], [sflag:$0x1], $0x1, s13, s5, $0xb8;
	[tilespmem:$0x3000] =	vst v63  }
0x89: {  	s13 =	sld [smem:$0x7DB]  }
0x8a: {  	[hbm4b:s3+s5] =	stream.indirect.scatter [tilespmem:s8], [sflag:$0x1], $0x1, s15, s5, $0xb8;
	[tilespmem:$0x3000] =	vst v63  }
0x8b: {  	s15 =	sld [smem:$0x7DC]  }
0x8c: {  	[hbm4b:s4+s5] =	stream.indirect.scatter [tilespmem:s8], [sflag:$0x1], $0x1, s13, s5, $0xb8;
	[tilespmem:$0x3000] =	vst v63  }
0x8d: {  	s13 =	sld [smem:$0x7DD]  }
0x8e: {  	[hbm4b:s3+s5] =	stream.indirect.scatter [tilespmem:s7], [sflag:$0x1], $0x1, s15, s5, $0xb8;
	[tilespmem:$0x3000] =	vst v63  }
0x8f: {  	s15 =	sld [smem:$0x7DE]  }
0x90: {  	[hbm4b:s4+s5] =	stream.indirect.scatter [tilespmem:s7], [sflag:$0x1], $0x1, s13, s5, $0xb8;
	[tilespmem:$0x3000] =	vst v63  }
0x91: {  	s13 =	sld [smem:$0x7DF]  }
0x92: {  	[hbm4b:s3+s5] =	stream.indirect.scatter [tilespmem:s31], [sflag:$0x1], $0x1, s15, s5, $0xb8;
	[tilespmem:$0x3000] =	vst v63  }
0x93: {  	s15 =	sld [smem:$0x7E0]  }
0x94: {  	[hbm4b:s4+s5] =	stream.indirect.scatter [tilespmem:s31], [sflag:$0x1], $0x1, s13, s5, $0xb8;
	[tilespmem:$0x3000] =	vst v63  }
0x95: {  	s13 =	sld [smem:$0x7E1]  }
0x96: {  	[hbm4b:s3+s5] =	stream.indirect.scatter [tilespmem:s1], [sflag:$0x1], $0x1, s15, s5, $0xb8;
	[tilespmem:$0x3000] =	vst v63  }
0x97: {  	s15 =	sld [smem:$0x7E2]  }
0x98: {  	[hbm4b:s4+s5] =	stream.indirect.scatter [tilespmem:s1], [sflag:$0x1], $0x1, s13, s5, $0xb8;
	[tilespmem:$0x3000] =	vst v63  }
0x99: {  	s13 =	sld [smem:$0x7E3]  }
0x9a: {  	[hbm4b:s3+s5] =	stream.indirect.scatter [tilespmem:s0], [sflag:$0x1], $0x1, s15, s5, $0xb8;
	[tilespmem:$0x3000] =	vst v63  }
0x9b: {  	s15 =	sld [smem:$0x7E4]  }
0x9c: {  	[hbm4b:s4+s5] =	stream.indirect.scatter [tilespmem:s0], [sflag:$0x1], $0x1, s13, s5, $0xb8;
	[tilespmem:$0x3000] =	vst v63  }
0x9d: {  	s13 =	sld [smem:$0x7E5]  }
0x9e: {  	[hbm4b:s3+s5] =	stream.indirect.scatter [tilespmem:s30], [sflag:$0x1], $0x1, s15, s5, $0xb8;
	[tilespmem:$0x3000] =	vst v63  }
0x9f: {  	s15 =	sld [smem:$0x7E6]  }
0xa0: {  	[hbm4b:s4+s5] =	stream.indirect.scatter [tilespmem:s30], [sflag:$0x1], $0x1, s13, s5, $0xb8;
	[tilespmem:$0x3000] =	vst v63  }
0xa1: {  	s13 =	sld [smem:$0x7E7]  }
0xa2: {  	[hbm4b:s3+s5] =	stream.indirect.scatter [tilespmem:s29], [sflag:$0x1], $0x1, s15, s5, $0xb8;
	[tilespmem:$0x3000] =	vst v63  }
0xa3: {  	s15 =	sld [smem:$0x7E8]  }
0xa4: {  	[hbm4b:s4+s5] =	stream.indirect.scatter [tilespmem:s29], [sflag:$0x1], $0x1, s13, s5, $0xb8;
	[tilespmem:$0x3000] =	vst v63  }
0xa5: {  	s13 =	sld [smem:$0x7E9]  }
0xa6: {  	[hbm4b:s3+s5] =	stream.indirect.scatter [tilespmem:s28], [sflag:$0x1], $0x1, s15, s5, $0xb8;
	[tilespmem:$0x3000] =	vst v63  }
0xa7: {  	s15 =	sld [smem:$0x7EA]  }
0xa8: {  	[hbm4b:s4+s5] =	stream.indirect.scatter [tilespmem:s28], [sflag:$0x1], $0x1, s13, s5, $0xb8;
	[tilespmem:$0x3000] =	vst v63  }
0xa9: {  	s13 =	sld [smem:$0x7EB]  }
0xaa: {  	[hbm4b:s3+s5] =	stream.indirect.scatter [tilespmem:s26], [sflag:$0x1], $0x1, s15, s5, $0xb8;
	[tilespmem:$0x3000] =	vst v63  }
0xab: {  	s15 =	sld [smem:$0x7EC]  }
0xac: {  	[hbm4b:s4+s5] =	stream.indirect.scatter [tilespmem:s26], [sflag:$0x1], $0x1, s13, s5, $0xb8;
	[tilespmem:$0x3000] =	vst v63  }
0xad: {  	s13 =	sld [smem:$0x7ED]  }
0xae: {  	[hbm4b:s3+s5] =	stream.indirect.scatter [tilespmem:s25], [sflag:$0x1], $0x1, s15, s5, $0xb8;
	[tilespmem:$0x3000] =	vst v63  }
0xaf: {  	s15 =	sld [smem:$0x7EE]  }
0xb0: {  	[hbm4b:s4+s5] =	stream.indirect.scatter [tilespmem:s25], [sflag:$0x1], $0x1, s13, s5, $0xb8;
	[tilespmem:$0x3000] =	vst v63  }
0xb1: {  	s13 =	sld [smem:$0x7EF]  }
0xb2: {  	[hbm4b:s3+s5] =	stream.indirect.scatter [tilespmem:s24], [sflag:$0x1], $0x1, s15, s5, $0xb8;
	[tilespmem:$0x3000] =	vst v63  }
0xb3: {  	s15 =	sld [smem:$0x7F0]  }
0xb4: {  	[hbm4b:s4+s5] =	stream.indirect.scatter [tilespmem:s24], [sflag:$0x1], $0x1, s13, s5, $0xb8;
	[tilespmem:$0x3000] =	vst v63  }
0xb5: {  	s13 =	sld [smem:$0x7F1]  }
0xb6: {  	[hbm4b:s3+s5] =	stream.indirect.scatter [tilespmem:s23], [sflag:$0x1], $0x1, s15, s5, $0xb8;
	[tilespmem:$0x3000] =	vst v63  }
0xb7: {  	s15 =	sld [smem:$0x7F2]  }
0xb8: {  	[hbm4b:s4+s5] =	stream.indirect.scatter [tilespmem:s23], [sflag:$0x1], $0x1, s13, s5, $0xb8;
	[tilespmem:$0x3000] =	vst v63  }
0xb9: {  	s13 =	sld [smem:$0x7F3]  }
0xba: {  	[hbm4b:s3+s5] =	stream.indirect.scatter [tilespmem:s22], [sflag:$0x1], $0x1, s15, s5, $0xb8;
	[tilespmem:$0x3000] =	vst v63  }
0xbb: {  	s15 =	sld [smem:$0x7F4]  }
0xbc: {  	[hbm4b:s4+s5] =	stream.indirect.scatter [tilespmem:s22], [sflag:$0x1], $0x1, s13, s5, $0xb8;
	[tilespmem:$0x3000] =	vst v63  }
0xbd: {  	s13 =	sld [smem:$0x7F5]  }
0xbe: {  	[hbm4b:s3+s5] =	stream.indirect.scatter [tilespmem:s21], [sflag:$0x1], $0x1, s15, s5, $0xb8;
	[tilespmem:$0x3000] =	vst v63  }
0xbf: {  	s15 =	sld [smem:$0x7F6]  }
0xc0: {  	[hbm4b:s4+s5] =	stream.indirect.scatter [tilespmem:s21], [sflag:$0x1], $0x1, s13, s5, $0xb8;
	[tilespmem:$0x3000] =	vst v63  }
0xc1: {  	s13 =	sld [smem:$0x7F7]  }
0xc2: {  	[hbm4b:s3+s5] =	stream.indirect.scatter [tilespmem:s20], [sflag:$0x1], $0x1, s15, s5, $0xb8;
	[tilespmem:$0x3000] =	vst v63  }
0xc3: {  	s15 =	sld [smem:$0x7F8]  }
0xc4: {  	[hbm4b:s4+s5] =	stream.indirect.scatter [tilespmem:s20], [sflag:$0x1], $0x1, s13, s5, $0xb8;
	[tilespmem:$0x3000] =	vst v63  }
0xc5: {  	s13 =	sld [smem:$0x7F9]  }
0xc6: {  	[hbm4b:s3+s5] =	stream.indirect.scatter [tilespmem:s19], [sflag:$0x1], $0x1, s15, s5, $0xb8;
	[tilespmem:$0x3000] =	vst v63  }
0xc7: {  	s15 =	sld [smem:$0x7FA]  }
0xc8: {  	[hbm4b:s4+s5] =	stream.indirect.scatter [tilespmem:s19], [sflag:$0x1], $0x1, s13, s5, $0xb8;
	[tilespmem:$0x3000] =	vst v63  }
0xc9: {  	s13 =	sld [smem:$0x7FB]  }
0xca: {  	[hbm4b:s3+s5] =	stream.indirect.scatter [tilespmem:s18], [sflag:$0x1], $0x1, s15, s5, $0xb8;
	[tilespmem:$0x3000] =	vst v63  }
0xcb: {  	s15 =	sld [smem:$0x7FC]  }
0xcc: {  	[hbm4b:s4+s5] =	stream.indirect.scatter [tilespmem:s18], [sflag:$0x1], $0x1, s13, s5, $0xb8;
	[tilespmem:$0x3000] =	vst v63  }
0xcd: {  	s13 =	sld [smem:$0x7FD]  }
0xce: {  	[hbm4b:s3+s5] =	stream.indirect.scatter [tilespmem:s17], [sflag:$0x1], $0x1, s15, s5, $0xb8;
	[tilespmem:$0x3000] =	vst v63  }
0xcf: {  	_ = 	snop  }
0xd0: {  	[hbm4b:s4+s5] =	stream.indirect.scatter [tilespmem:s17], [sflag:$0x1], $0x1, s13, s5, $0xb8;
	[tilespmem:$0x3000] =	vst v63  }
0xd1: {  	_ =	swait.ge [sflag:s2], $0x80  }
0xd2: {  	[sflag:s2] =	ssyncset.done $0x0  }
0xd3: {  	[sflag:s2] =	ssyncadd.s32 $0xFFFFFF80  }
0xd4: {  	_ =	swait.ge [sflag:s2], $0x80  }
0xd5: {  	[sflag:s2] =	ssyncset.done $0x0  }
0xd6: {  	[sflag:s2] =	ssyncadd.s32 $0xFFFFFF80  }
0xd7: {  	_ =	swait.ge [sflag:s2], $0x80  }
0xd8: {  	[sflag:s2] =	ssyncset.done $0x0  }
0xd9: {  	[sflag:s2] =	ssyncadd.s32 $0xFFFFFF80  }
0xda: {  	_ =	swait.ge [sflag:s2], $0x80  }
0xdb: {  	[sflag:s2] =	ssyncset.done $0x0  }
0xdc: {  	[sflag:s2] =	ssyncadd.s32 $0xFFFFFF80  }
0xdd: {  	_ =	swait.ge [sflag:s2], $0x80  }
0xde: {  	[sflag:s2] =	ssyncset.done $0x0  }
0xdf: {  	[sflag:s2] =	ssyncadd.s32 $0xFFFFFF80  }
0xe0: {  	_ =	swait.ge [sflag:s2], $0x80  }
0xe1: {  	[sflag:s2] =	ssyncset.done $0x0  }
0xe2: {  	[sflag:s2] =	ssyncadd.s32 $0xFFFFFF80  }
0xe3: {  	_ =	swait.ge [sflag:s2], $0x80  }
0xe4: {  	[sflag:s2] =	ssyncset.done $0x0  }
0xe5: {  	[sflag:s2] =	ssyncadd.s32 $0xFFFFFF80  }
0xe6: {  	_ =	swait.ge [sflag:s2], $0x80  }
0xe7: {  	[sflag:s2] =	ssyncset.done $0x0  }
0xe8: {  	[sflag:s2] =	ssyncadd.s32 $0xFFFFFF80  }
0xe9: {  	_ =	swait.ge [sflag:s2], $0x80  }
0xea: {  	[sflag:s2] =	ssyncset.done $0x0  }
0xeb: {  	[sflag:s2] =	ssyncadd.s32 $0xFFFFFF80  }
0xec: {  	_ =	swait.ge [sflag:s2], $0x80  }
0xed: {  	[sflag:s2] =	ssyncset.done $0x0  }
0xee: {  	[sflag:s2] =	ssyncadd.s32 $0xFFFFFF80  }
0xef: {  	_ =	swait.ge [sflag:s2], $0x80  }
0xf0: {  	[sflag:s2] =	ssyncset.done $0x0  }
0xf1: {  	[sflag:s2] =	ssyncadd.s32 $0xFFFFFF80  }
0xf2: {  	_ =	swait.ge [sflag:s2], $0x80  }
0xf3: {  	[sflag:s2] =	ssyncset.done $0x0  }
0xf4: {  	[sflag:s2] =	ssyncadd.s32 $0xFFFFFF80  }
0xf5: {  	_ =	swait.ge [sflag:s2], $0x80  }
0xf6: {  	[sflag:s2] =	ssyncset.done $0x0  }
0xf7: {  	[sflag:s2] =	ssyncadd.s32 $0xFFFFFF80  }
0xf8: {  	_ =	swait.ge [sflag:s2], $0x80  }
0xf9: {  	[sflag:s2] =	ssyncset.done $0x0  }
0xfa: {  	[sflag:s2] =	ssyncadd.s32 $0xFFFFFF80  }
0xfb: {  	_ =	swait.ge [sflag:s2], $0x80  }
0xfc: {  	[sflag:s2] =	ssyncset.done $0x0  }
0xfd: {  	[sflag:s2] =	ssyncadd.s32 $0xFFFFFF80  }
0xfe: {  	_ =	swait.ge [sflag:s2], $0x80  }
0xff: {  	[sflag:s2] =	ssyncset.done $0x0  }
0x100: {  	[sflag:s2] =	ssyncadd.s32 $0xFFFFFF80  }
0x101: {  	_ =	swait.ge [sflag:s2], $0x80  }
0x102: {  	[sflag:s2] =	ssyncset.done $0x0  }
0x103: {  	[sflag:s2] =	ssyncadd.s32 $0xFFFFFF80  }
0x104: {  	_ =	swait.ge [sflag:s2], $0x80  }
0x105: {  	[sflag:s2] =	ssyncset.done $0x0  }
0x106: {  	[sflag:s2] =	ssyncadd.s32 $0xFFFFFF80  }
0x107: {  	_ =	swait.ge [sflag:s2], $0x80  }
0x108: {  	[sflag:s2] =	ssyncset.done $0x0  }
0x109: {  	[sflag:s2] =	ssyncadd.s32 $0xFFFFFF80  }
0x10a: {  	_ =	swait.ge [sflag:s2], $0x80  }
0x10b: {  	[sflag:s2] =	ssyncset.done $0x0  }
0x10c: {  	[sflag:s2] =	ssyncadd.s32 $0xFFFFFF80  }
0x10d: {  	_ =	swait.ge [sflag:s2], $0x80  }
0x10e: {  	[sflag:s2] =	ssyncset.done $0x0  }
0x10f: {  	[sflag:s2] =	ssyncadd.s32 $0xFFFFFF80  }
0x110: {  	_ =	swait.ge [sflag:s2], $0x80  }
0x111: {  	[sflag:s2] =	ssyncset.done $0x0  }
0x112: {  	[sflag:s2] =	ssyncadd.s32 $0xFFFFFF80  }
0x113: {  	_ =	swait.ge [sflag:s2], $0x80  }
0x114: {  	[sflag:s2] =	ssyncset.done $0x0  }
0x115: {  	[sflag:s2] =	ssyncadd.s32 $0xFFFFFF80  }
0x116: {  	_ =	swait.ge [sflag:s2], $0x80  }
0x117: {  	[sflag:s2] =	ssyncset.done $0x0  }
0x118: {  	[sflag:s2] =	ssyncadd.s32 $0xFFFFFF80  }
0x119: {  	_ =	swait.ge [sflag:s2], $0x80  }
0x11a: {  	[sflag:s2] =	ssyncset.done $0x0  }
0x11b: {  	[sflag:s2] =	ssyncadd.s32 $0xFFFFFF80  }
0x11c: {  	_ =	swait.ge [sflag:s2], $0x80  }
0x11d: {  	[sflag:s2] =	ssyncset.done $0x0  }
0x11e: {  	[sflag:s2] =	ssyncadd.s32 $0xFFFFFF80  }
0x11f: {  	_ =	swait.ge [sflag:s2], $0x80  }
0x120: {  	[sflag:s2] =	ssyncset.done $0x0  }
0x121: {  	[sflag:s2] =	ssyncadd.s32 $0xFFFFFF80  }
0x122: {  	_ =	swait.ge [sflag:s2], $0x80  }
0x123: {  	[sflag:s2] =	ssyncset.done $0x0  }
0x124: {  	[sflag:s2] =	ssyncadd.s32 $0xFFFFFF80  }
0x125: {  	_ =	swait.ge [sflag:s2], $0x80  }
0x126: {  	[sflag:s2] =	ssyncset.done $0x0  }
0x127: {  	[sflag:s2] =	ssyncadd.s32 $0xFFFFFF80  }
0x128: {  	_ =	swait.ge [sflag:s2], $0x80  }
0x129: {  	[sflag:s2] =	ssyncset.done $0x0  }
0x12a: {  	[sflag:s2] =	ssyncadd.s32 $0xFFFFFF80  }
0x12b: {  	_ =	swait.ge [sflag:s2], $0x80  }
0x12c: {  	[sflag:s2] =	ssyncset.done $0x0  }
0x12d: {  	[sflag:s2] =	ssyncadd.s32 $0xFFFFFF80  }
0x12e: {  	_ =	swait.ge [sflag:s2], $0x80  }
0x12f: {  	[sflag:s2] =	ssyncset.done $0x0  }
0x130: {  	[sflag:s2] =	ssyncadd.s32 $0xFFFFFF80  }
0x131: {  	_ =	swait.ge [sflag:s2], $0x80  }
0x132: {  	[sflag:s2] =	ssyncset.done $0x0  }
0x133: {  	[sflag:s2] =	ssyncadd.s32 $0xFFFFFF80  }
0x134: {  	_ =	swait.ge [sflag:s2], $0x80  }
0x135: {  	[sflag:s2] =	ssyncset.done $0x0  }
0x136: {  	[sflag:s2] =	ssyncadd.s32 $0xFFFFFF80  }
0x137: {  	_ =	swait.ge [sflag:s2], $0x80  }
0x138: {  	[sflag:s2] =	ssyncset.done $0x0  }
0x139: {  	[sflag:s2] =	ssyncadd.s32 $0xFFFFFF80  }
0x13a: {  	_ =	swait.ge [sflag:s2], $0x80  }
0x13b: {  	[sflag:s2] =	ssyncset.done $0x0  }
0x13c: {  	[sflag:s2] =	ssyncadd.s32 $0xFFFFFF80  }
0x13d: {  	_ =	swait.ge [sflag:s2], $0x80  }
0x13e: {  	[sflag:s2] =	ssyncset.done $0x0  }
0x13f: {  	[sflag:s2] =	ssyncadd.s32 $0xFFFFFF80  }
0x140: {  	_ =	swait.ge [sflag:s2], $0x80  }
0x141: {  	[sflag:s2] =	ssyncset.done $0x0  }
0x142: {  	[sflag:s2] =	ssyncadd.s32 $0xFFFFFF80  }
0x143: {  	_ =	swait.ge [sflag:s2], $0x80  }
0x144: {  	[sflag:s2] =	ssyncset.done $0x0  }
0x145: {  	[sflag:s2] =	ssyncadd.s32 $0xFFFFFF80  }
0x146: {  	_ =	swait.ge [sflag:s2], $0x80  }
0x147: {  	[sflag:s2] =	ssyncset.done $0x0  }
0x148: {  	[sflag:s2] =	ssyncadd.s32 $0xFFFFFF80  }
0x149: {  	_ =	swait.ge [sflag:s2], $0x80  }
0x14a: {  	[sflag:s2] =	ssyncset.done $0x0  }
0x14b: {  	[sflag:s2] =	ssyncadd.s32 $0xFFFFFF80  }
0x14c: {  	_ =	swait.ge [sflag:s2], $0x80  }
0x14d: {  	[sflag:s2] =	ssyncset.done $0x0  }
0x14e: {  	[sflag:s2] =	ssyncadd.s32 $0xFFFFFF80  }
0x14f: {  	_ =	swait.ge [sflag:s2], $0x80  }
0x150: {  	[sflag:s2] =	ssyncset.done $0x0  }
0x151: {  	[sflag:s2] =	ssyncadd.s32 $0xFFFFFF80  }
0x152: {  	_ =	swait.ge [sflag:s2], $0x80  }
0x153: {  	[sflag:s2] =	ssyncset.done $0x0  }
0x154: {  	[sflag:s2] =	ssyncadd.s32 $0xFFFFFF80  }
0x155: {  	_ =	swait.ge [sflag:s2], $0x80  }
0x156: {  	[sflag:s2] =	ssyncset.done $0x0  }
0x157: {  	[sflag:s2] =	ssyncadd.s32 $0xFFFFFF80  }
0x158: {  	_ =	swait.ge [sflag:s2], $0x80  }
0x159: {  	[sflag:s2] =	ssyncset.done $0x0  }
0x15a: {  	[sflag:s2] =	ssyncadd.s32 $0xFFFFFF80  }
0x15b: {  	_ =	swait.ge [sflag:s2], $0x80  }
0x15c: {  	[sflag:s2] =	ssyncset.done $0x0  }
0x15d: {  	[sflag:s2] =	ssyncadd.s32 $0xFFFFFF80  }
0x15e: {  	_ =	swait.ge [sflag:s2], $0x80  }
0x15f: {  	[sflag:s2] =	ssyncset.done $0x0  }
0x160: {  	[sflag:s2] =	ssyncadd.s32 $0xFFFFFF80  }
0x161: {  	_ =	swait.ge [sflag:s2], $0x80  }
0x162: {  	[sflag:s2] =	ssyncset.done $0x0  }
0x163: {  	[sflag:s2] =	ssyncadd.s32 $0xFFFFFF80  }
0x164: {  	_ =	swait.ge [sflag:s2], $0x80  }
0x165: {  	[sflag:s2] =	ssyncset.done $0x0  }
0x166: {  	[sflag:s2] =	ssyncadd.s32 $0xFFFFFF80  }
0x167: {  	_ =	swait.ge [sflag:s2], $0x80  }
0x168: {  	[sflag:s2] =	ssyncset.done $0x0  }
0x169: {  	[sflag:s2] =	ssyncadd.s32 $0xFFFFFF80  }
0x16a: {  	_ =	swait.ge [sflag:s2], $0x80  }
0x16b: {  	[sflag:s2] =	ssyncset.done $0x0  }
0x16c: {  	[sflag:s2] =	ssyncadd.s32 $0xFFFFFF80  }
0x16d: {  	_ =	swait.ge [sflag:s2], $0x80  }
0x16e: {  	[sflag:s2] =	ssyncset.done $0x0  }
0x16f: {  	[sflag:s2] =	ssyncadd.s32 $0xFFFFFF80  }
0x170: {  	_ =	swait.ge [sflag:s2], $0x80  }
0x171: {  	[sflag:s2] =	ssyncset.done $0x0  }
0x172: {  	[sflag:s2] =	ssyncadd.s32 $0xFFFFFF80  }
0x173: {  	_ =	swait.ge [sflag:s2], $0x80  }
0x174: {  	[sflag:s2] =	ssyncset.done $0x0  }
0x175: {  	[sflag:s2] =	ssyncadd.s32 $0xFFFFFF80  }
0x176: {  	_ =	swait.ge [sflag:s2], $0x80  }
0x177: {  	[sflag:s2] =	ssyncset.done $0x0  }
0x178: {  	[sflag:s2] =	ssyncadd.s32 $0xFFFFFF80  }
0x179: {  	_ =	swait.ge [sflag:s2], $0x80  }
0x17a: {  	[sflag:s2] =	ssyncset.done $0x0  }
0x17b: {  	[sflag:s2] =	ssyncadd.s32 $0xFFFFFF80  }
0x17c: {  	_ =	swait.ge [sflag:s2], $0x80  }
0x17d: {  	[sflag:s2] =	ssyncset.done $0x0  }
0x17e: {  	[sflag:s2] =	ssyncadd.s32 $0xFFFFFF80  }
0x17f: {  	_ =	swait.ge [sflag:s2], $0x80  }
0x180: {  	[sflag:s2] =	ssyncset.done $0x0  }
0x181: {  	[sflag:s2] =	ssyncadd.s32 $0xFFFFFF80  }
0x182: {  	_ =	swait.ge [sflag:s2], $0x80  }
0x183: {  	[sflag:s2] =	ssyncset.done $0x0  }
0x184: {  	[sflag:s2] =	ssyncadd.s32 $0xFFFFFF80  }
0x185: {  	_ =	swait.ge [sflag:s2], $0x80  }
0x186: {  	[sflag:s2] =	ssyncset.done $0x0  }
0x187: {  	[sflag:s2] =	ssyncadd.s32 $0xFFFFFF80  }
0x188: {  	_ =	swait.ge [sflag:s2], $0x80  }
0x189: {  	[sflag:s2] =	ssyncset.done $0x0  }
0x18a: {  	p1 =	sne.s32 s16, $0x1;
	[sflag:s2] =	ssyncadd.s32 $0xFFFFFF80  }
.Ltmp1:
0x18b: {  	_ =	swait.ge [sflag:s2], $0x80;
	(pc) =	sbr.rel @!p1 .LBB2_2-.Ltmp1, $4  }
0x18c: {  	[sflag:s2] =	ssyncset.done $0x0  }
0x18d: {  	[sflag:s2] =	ssyncadd.s32 $0xFFFFFF80  }
0x18e: {  	p0 =	por $0x1, $0x1;
	_ =	swait.ge [sflag:s2], $0x80  }
0x18f: {  	s14 =	sadd.s32 $0xFFFFFFFF, s16;
	s15 =	rddreg [dreg:$0x2];
	[sflag:s2] =	ssyncset.done $0x0  }
.LBB2_3:
0x190: {  	[sflag:s2] =	ssyncadd.s32 $0xFFFFFF80  }
0x191: {  	[tilespmem:s6], [sflag:$0x2] =	stream.linear.gather [hbm4b:s15+s6], $0x1000, $0x38;
	[tilespmem:$0x3000] =	vst v63  }
0x192: {  	_ =	swait.ge [sflag:s9], $0x1000  }
0x193: {  	[sflag:s9] =	ssyncset.done $0x0  }
0x194: {  	s16 =	simm.s32 $0x1000;
	s13 =	rddreg [dreg:$0x3];
	[sflag:s9] =	ssyncadd.s32 $0xFFFFF000  }
0x195: {  	[tilespmem:s16], [sflag:$0x2] =	stream.linear.gather [hbm4b:s13+s6], $0x1000, $0x38;
	[tilespmem:$0x3000] =	vst v63  }
0x196: {  	_ =	swait.ge [sflag:s9], $0x1000  }
0x197: {  	[sflag:s9] =	ssyncset.done $0x0  }
0x198: {  	s13 =	simm.s32 $0x2000;
	s15 =	rddreg [dreg:$0x4];
	[sflag:s9] =	ssyncadd.s32 $0xFFFFF000  }
0x199: {  	[tilespmem:s13], [sflag:$0x2] =	stream.linear.gather [hbm4b:s15+s6], $0x1000, $0x38;
	[tilespmem:$0x3000] =	vst v63  }
0x19a: {  	_ =	swait.ge [sflag:s9], $0x1000  }
0x19b: {  	[sflag:s9] =	ssyncset.done $0x0  }
0x19c: {  	[sflag:s9] =	ssyncadd.s32 $0xFFFFF000  }
0x19d: {  	[hbm4b:s3+s5] =	stream.indirect.scatter [tilespmem:s6], [sflag:$0x1], $0x1, s16, s5, $0xb8;
	[tilespmem:$0x3000] =	vst v63  }
0x19e: {  	s15 =	rddreg [dreg:$0x7]  }
0x19f: {  	[hbm4b:s4+s5] =	stream.indirect.scatter [tilespmem:s6], [sflag:$0x1], $0x1, s13, s5, $0xb8;
	[tilespmem:$0x3000] =	vst v63  }
0x1a0: {  	s16 =	rddreg [dreg:$0x5]  }
0x1a1: {  	[hbm4b:s3+s5] =	stream.indirect.scatter [tilespmem:s5], [sflag:$0x1], $0x1, s16, s5, $0xb8;
	[tilespmem:$0x3000] =	vst v63  }
0x1a2: {  	s13 =	rddreg [dreg:$0x6]  }
0x1a3: {  	[hbm4b:s4+s5] =	stream.indirect.scatter [tilespmem:s5], [sflag:$0x1], $0x1, s13, s5, $0xb8;
	[tilespmem:$0x3000] =	vst v63  }
0x1a4: {  	s16 =	rddreg [dreg:$0x8];
	s13 =	simm.s32 $0x100  }
0x1a5: {  	[hbm4b:s3+s5] =	stream.indirect.scatter [tilespmem:s13], [sflag:$0x1], $0x1, s15, s5, $0xb8;
	[tilespmem:$0x3000] =	vst v63  }
0x1a6: {  	s15 =	rddreg [dreg:$0x9]  }
0x1a7: {  	[hbm4b:s4+s5] =	stream.indirect.scatter [tilespmem:s13], [sflag:$0x1], $0x1, s16, s5, $0xb8;
	[tilespmem:$0x3000] =	vst v63  }
0x1a8: {  	s16 =	rddreg [dreg:$0xa];
	s13 =	simm.s32 $0x180  }
0x1a9: {  	[hbm4b:s3+s5] =	stream.indirect.scatter [tilespmem:s13], [sflag:$0x1], $0x1, s15, s5, $0xb8;
	[tilespmem:$0x3000] =	vst v63  }
0x1aa: {  	s15 =	rddreg [dreg:$0xb]  }
0x1ab: {  	[hbm4b:s4+s5] =	stream.indirect.scatter [tilespmem:s13], [sflag:$0x1], $0x1, s16, s5, $0xb8;
	[tilespmem:$0x3000] =	vst v63  }
0x1ac: {  	s16 =	rddreg [dreg:$0xc];
	s13 =	simm.s32 $0x200  }
0x1ad: {  	[hbm4b:s3+s5] =	stream.indirect.scatter [tilespmem:s13], [sflag:$0x1], $0x1, s15, s5, $0xb8;
	[tilespmem:$0x3000] =	vst v63  }
0x1ae: {  	s15 =	rddreg [dreg:$0xd]  }
0x1af: {  	[hbm4b:s4+s5] =	stream.indirect.scatter [tilespmem:s13], [sflag:$0x1], $0x1, s16, s5, $0xb8;
	[tilespmem:$0x3000] =	vst v63  }
0x1b0: {  	s16 =	rddreg [dreg:$0xe];
	s13 =	simm.s32 $0x280  }
0x1b1: {  	[hbm4b:s3+s5] =	stream.indirect.scatter [tilespmem:s13], [sflag:$0x1], $0x1, s15, s5, $0xb8;
	[tilespmem:$0x3000] =	vst v63  }
0x1b2: {  	s15 =	rddreg [dreg:$0xf]  }
0x1b3: {  	[hbm4b:s4+s5] =	stream.indirect.scatter [tilespmem:s13], [sflag:$0x1], $0x1, s16, s5, $0xb8;
	[tilespmem:$0x3000] =	vst v63  }
0x1b4: {  	s16 =	rddreg [dreg:$0x10];
	s13 =	simm.s32 $0x300  }
0x1b5: {  	[hbm4b:s3+s5] =	stream.indirect.scatter [tilespmem:s13], [sflag:$0x1], $0x1, s15, s5, $0xb8;
	[tilespmem:$0x3000] =	vst v63  }
0x1b6: {  	s15 =	rddreg [dreg:$0x11]  }
0x1b7: {  	[hbm4b:s4+s5] =	stream.indirect.scatter [tilespmem:s13], [sflag:$0x1], $0x1, s16, s5, $0xb8;
	[tilespmem:$0x3000] =	vst v63  }
0x1b8: {  	s16 =	rddreg [dreg:$0x12];
	s13 =	simm.s32 $0x380  }
0x1b9: {  	[hbm4b:s3+s5] =	stream.indirect.scatter [tilespmem:s13], [sflag:$0x1], $0x1, s15, s5, $0xb8;
	[tilespmem:$0x3000] =	vst v63  }
0x1ba: {  	s15 =	rddreg [dreg:$0x13]  }
0x1bb: {  	[hbm4b:s4+s5] =	stream.indirect.scatter [tilespmem:s13], [sflag:$0x1], $0x1, s16, s5, $0xb8;
	[tilespmem:$0x3000] =	vst v63  }
0x1bc: {  	s16 =	rddreg [dreg:$0x14];
	s13 =	simm.s32 $0x400  }
0x1bd: {  	[hbm4b:s3+s5] =	stream.indirect.scatter [tilespmem:s13], [sflag:$0x1], $0x1, s15, s5, $0xb8;
	[tilespmem:$0x3000] =	vst v63  }
0x1be: {  	s15 =	rddreg [dreg:$0x15]  }
0x1bf: {  	[hbm4b:s4+s5] =	stream.indirect.scatter [tilespmem:s13], [sflag:$0x1], $0x1, s16, s5, $0xb8;
	[tilespmem:$0x3000] =	vst v63  }
0x1c0: {  	s16 =	rddreg [dreg:$0x16];
	s13 =	simm.s32 $0x480  }
0x1c1: {  	[hbm4b:s3+s5] =	stream.indirect.scatter [tilespmem:s13], [sflag:$0x1], $0x1, s15, s5, $0xb8;
	[tilespmem:$0x3000] =	vst v63  }
0x1c2: {  	s15 =	rddreg [dreg:$0x17]  }
0x1c3: {  	[hbm4b:s4+s5] =	stream.indirect.scatter [tilespmem:s13], [sflag:$0x1], $0x1, s16, s5, $0xb8;
	[tilespmem:$0x3000] =	vst v63  }
0x1c4: {  	s16 =	rddreg [dreg:$0x18];
	s13 =	simm.s32 $0x500  }
0x1c5: {  	[hbm4b:s3+s5] =	stream.indirect.scatter [tilespmem:s13], [sflag:$0x1], $0x1, s15, s5, $0xb8;
	[tilespmem:$0x3000] =	vst v63  }
0x1c6: {  	s15 =	rddreg [dreg:$0x19]  }
0x1c7: {  	[hbm4b:s4+s5] =	stream.indirect.scatter [tilespmem:s13], [sflag:$0x1], $0x1, s16, s5, $0xb8;
	[tilespmem:$0x3000] =	vst v63  }
0x1c8: {  	s13 =	rddreg [dreg:$0x1a]  }
0x1c9: {  	[hbm4b:s3+s5] =	stream.indirect.scatter [tilespmem:s12], [sflag:$0x1], $0x1, s15, s5, $0xb8;
	[tilespmem:$0x3000] =	vst v63  }
0x1ca: {  	s15 =	rddreg [dreg:$0x1b]  }
0x1cb: {  	[hbm4b:s4+s5] =	stream.indirect.scatter [tilespmem:s12], [sflag:$0x1], $0x1, s13, s5, $0xb8;
	[tilespmem:$0x3000] =	vst v63  }
0x1cc: {  	s13 =	rddreg [dreg:$0x1c]  }
0x1cd: {  	[hbm4b:s3+s5] =	stream.indirect.scatter [tilespmem:s11], [sflag:$0x1], $0x1, s15, s5, $0xb8;
	[tilespmem:$0x3000] =	vst v63  }
0x1ce: {  	s15 =	rddreg [dreg:$0x1d]  }
0x1cf: {  	[hbm4b:s4+s5] =	stream.indirect.scatter [tilespmem:s11], [sflag:$0x1], $0x1, s13, s5, $0xb8;
	[tilespmem:$0x3000] =	vst v63  }
0x1d0: {  	s13 =	rddreg [dreg:$0x1e]  }
0x1d1: {  	[hbm4b:s3+s5] =	stream.indirect.scatter [tilespmem:s10], [sflag:$0x1], $0x1, s15, s5, $0xb8;
	[tilespmem:$0x3000] =	vst v63  }
0x1d2: {  	s15 =	rddreg [dreg:$0x1f]  }
0x1d3: {  	[hbm4b:s4+s5] =	stream.indirect.scatter [tilespmem:s10], [sflag:$0x1], $0x1, s13, s5, $0xb8;
	[tilespmem:$0x3000] =	vst v63  }
0x1d4: {  	s13 =	sld [smem:$0x7DB]  }
0x1d5: {  	[hbm4b:s3+s5] =	stream.indirect.scatter [tilespmem:s8], [sflag:$0x1], $0x1, s15, s5, $0xb8;
	[tilespmem:$0x3000] =	vst v63  }
0x1d6: {  	s15 =	sld [smem:$0x7DC]  }
0x1d7: {  	[hbm4b:s4+s5] =	stream.indirect.scatter [tilespmem:s8], [sflag:$0x1], $0x1, s13, s5, $0xb8;
	[tilespmem:$0x3000] =	vst v63  }
0x1d8: {  	s13 =	sld [smem:$0x7DD]  }
0x1d9: {  	[hbm4b:s3+s5] =	stream.indirect.scatter [tilespmem:s7], [sflag:$0x1], $0x1, s15, s5, $0xb8;
	[tilespmem:$0x3000] =	vst v63  }
0x1da: {  	s15 =	sld [smem:$0x7DE]  }
0x1db: {  	[hbm4b:s4+s5] =	stream.indirect.scatter [tilespmem:s7], [sflag:$0x1], $0x1, s13, s5, $0xb8;
	[tilespmem:$0x3000] =	vst v63  }
0x1dc: {  	s13 =	sld [smem:$0x7DF]  }
0x1dd: {  	[hbm4b:s3+s5] =	stream.indirect.scatter [tilespmem:s31], [sflag:$0x1], $0x1, s15, s5, $0xb8;
	[tilespmem:$0x3000] =	vst v63  }
0x1de: {  	s15 =	sld [smem:$0x7E0]  }
0x1df: {  	[hbm4b:s4+s5] =	stream.indirect.scatter [tilespmem:s31], [sflag:$0x1], $0x1, s13, s5, $0xb8;
	[tilespmem:$0x3000] =	vst v63  }
0x1e0: {  	s13 =	sld [smem:$0x7E1]  }
0x1e1: {  	[hbm4b:s3+s5] =	stream.indirect.scatter [tilespmem:s1], [sflag:$0x1], $0x1, s15, s5, $0xb8;
	[tilespmem:$0x3000] =	vst v63  }
0x1e2: {  	s15 =	sld [smem:$0x7E2]  }
0x1e3: {  	[hbm4b:s4+s5] =	stream.indirect.scatter [tilespmem:s1], [sflag:$0x1], $0x1, s13, s5, $0xb8;
	[tilespmem:$0x3000] =	vst v63  }
0x1e4: {  	s13 =	sld [smem:$0x7E3]  }
0x1e5: {  	[hbm4b:s3+s5] =	stream.indirect.scatter [tilespmem:s0], [sflag:$0x1], $0x1, s15, s5, $0xb8;
	[tilespmem:$0x3000] =	vst v63  }
0x1e6: {  	s15 =	sld [smem:$0x7E4]  }
0x1e7: {  	[hbm4b:s4+s5] =	stream.indirect.scatter [tilespmem:s0], [sflag:$0x1], $0x1, s13, s5, $0xb8;
	[tilespmem:$0x3000] =	vst v63  }
0x1e8: {  	s13 =	sld [smem:$0x7E5]  }
0x1e9: {  	[hbm4b:s3+s5] =	stream.indirect.scatter [tilespmem:s30], [sflag:$0x1], $0x1, s15, s5, $0xb8;
	[tilespmem:$0x3000] =	vst v63  }
0x1ea: {  	s15 =	sld [smem:$0x7E6]  }
0x1eb: {  	[hbm4b:s4+s5] =	stream.indirect.scatter [tilespmem:s30], [sflag:$0x1], $0x1, s13, s5, $0xb8;
	[tilespmem:$0x3000] =	vst v63  }
0x1ec: {  	s13 =	sld [smem:$0x7E7]  }
0x1ed: {  	[hbm4b:s3+s5] =	stream.indirect.scatter [tilespmem:s29], [sflag:$0x1], $0x1, s15, s5, $0xb8;
	[tilespmem:$0x3000] =	vst v63  }
0x1ee: {  	s15 =	sld [smem:$0x7E8]  }
0x1ef: {  	[hbm4b:s4+s5] =	stream.indirect.scatter [tilespmem:s29], [sflag:$0x1], $0x1, s13, s5, $0xb8;
	[tilespmem:$0x3000] =	vst v63  }
0x1f0: {  	s13 =	sld [smem:$0x7E9]  }
0x1f1: {  	[hbm4b:s3+s5] =	stream.indirect.scatter [tilespmem:s28], [sflag:$0x1], $0x1, s15, s5, $0xb8;
	[tilespmem:$0x3000] =	vst v63  }
0x1f2: {  	s15 =	sld [smem:$0x7EA]  }
0x1f3: {  	[hbm4b:s4+s5] =	stream.indirect.scatter [tilespmem:s28], [sflag:$0x1], $0x1, s13, s5, $0xb8;
	[tilespmem:$0x3000] =	vst v63  }
0x1f4: {  	s13 =	sld [smem:$0x7EB]  }
0x1f5: {  	[hbm4b:s3+s5] =	stream.indirect.scatter [tilespmem:s26], [sflag:$0x1], $0x1, s15, s5, $0xb8;
	[tilespmem:$0x3000] =	vst v63  }
0x1f6: {  	s15 =	sld [smem:$0x7EC]  }
0x1f7: {  	[hbm4b:s4+s5] =	stream.indirect.scatter [tilespmem:s26], [sflag:$0x1], $0x1, s13, s5, $0xb8;
	[tilespmem:$0x3000] =	vst v63  }
0x1f8: {  	s13 =	sld [smem:$0x7ED]  }
0x1f9: {  	[hbm4b:s3+s5] =	stream.indirect.scatter [tilespmem:s25], [sflag:$0x1], $0x1, s15, s5, $0xb8;
	[tilespmem:$0x3000] =	vst v63  }
0x1fa: {  	s15 =	sld [smem:$0x7EE]  }
0x1fb: {  	[hbm4b:s4+s5] =	stream.indirect.scatter [tilespmem:s25], [sflag:$0x1], $0x1, s13, s5, $0xb8;
	[tilespmem:$0x3000] =	vst v63  }
0x1fc: {  	s13 =	sld [smem:$0x7EF]  }
0x1fd: {  	[hbm4b:s3+s5] =	stream.indirect.scatter [tilespmem:s24], [sflag:$0x1], $0x1, s15, s5, $0xb8;
	[tilespmem:$0x3000] =	vst v63  }
0x1fe: {  	s15 =	sld [smem:$0x7F0]  }
0x1ff: {  	[hbm4b:s4+s5] =	stream.indirect.scatter [tilespmem:s24], [sflag:$0x1], $0x1, s13, s5, $0xb8;
	[tilespmem:$0x3000] =	vst v63  }
0x200: {  	s13 =	sld [smem:$0x7F1]  }
0x201: {  	[hbm4b:s3+s5] =	stream.indirect.scatter [tilespmem:s23], [sflag:$0x1], $0x1, s15, s5, $0xb8;
	[tilespmem:$0x3000] =	vst v63  }
0x202: {  	s15 =	sld [smem:$0x7F2]  }
0x203: {  	[hbm4b:s4+s5] =	stream.indirect.scatter [tilespmem:s23], [sflag:$0x1], $0x1, s13, s5, $0xb8;
	[tilespmem:$0x3000] =	vst v63  }
0x204: {  	s13 =	sld [smem:$0x7F3]  }
0x205: {  	[hbm4b:s3+s5] =	stream.indirect.scatter [tilespmem:s22], [sflag:$0x1], $0x1, s15, s5, $0xb8;
	[tilespmem:$0x3000] =	vst v63  }
0x206: {  	s15 =	sld [smem:$0x7F4]  }
0x207: {  	[hbm4b:s4+s5] =	stream.indirect.scatter [tilespmem:s22], [sflag:$0x1], $0x1, s13, s5, $0xb8;
	[tilespmem:$0x3000] =	vst v63  }
0x208: {  	s13 =	sld [smem:$0x7F5]  }
0x209: {  	[hbm4b:s3+s5] =	stream.indirect.scatter [tilespmem:s21], [sflag:$0x1], $0x1, s15, s5, $0xb8;
	[tilespmem:$0x3000] =	vst v63  }
0x20a: {  	s15 =	sld [smem:$0x7F6]  }
0x20b: {  	[hbm4b:s4+s5] =	stream.indirect.scatter [tilespmem:s21], [sflag:$0x1], $0x1, s13, s5, $0xb8;
	[tilespmem:$0x3000] =	vst v63  }
0x20c: {  	s13 =	sld [smem:$0x7F7]  }
0x20d: {  	[hbm4b:s3+s5] =	stream.indirect.scatter [tilespmem:s20], [sflag:$0x1], $0x1, s15, s5, $0xb8;
	[tilespmem:$0x3000] =	vst v63  }
0x20e: {  	s15 =	sld [smem:$0x7F8]  }
0x20f: {  	[hbm4b:s4+s5] =	stream.indirect.scatter [tilespmem:s20], [sflag:$0x1], $0x1, s13, s5, $0xb8;
	[tilespmem:$0x3000] =	vst v63  }
0x210: {  	s13 =	sld [smem:$0x7F9]  }
0x211: {  	[hbm4b:s3+s5] =	stream.indirect.scatter [tilespmem:s19], [sflag:$0x1], $0x1, s15, s5, $0xb8;
	[tilespmem:$0x3000] =	vst v63  }
0x212: {  	s15 =	sld [smem:$0x7FA]  }
0x213: {  	[hbm4b:s4+s5] =	stream.indirect.scatter [tilespmem:s19], [sflag:$0x1], $0x1, s13, s5, $0xb8;
	[tilespmem:$0x3000] =	vst v63  }
0x214: {  	s13 =	sld [smem:$0x7FB]  }
0x215: {  	[hbm4b:s3+s5] =	stream.indirect.scatter [tilespmem:s18], [sflag:$0x1], $0x1, s15, s5, $0xb8;
	[tilespmem:$0x3000] =	vst v63  }
0x216: {  	s15 =	sld [smem:$0x7FC]  }
0x217: {  	[hbm4b:s4+s5] =	stream.indirect.scatter [tilespmem:s18], [sflag:$0x1], $0x1, s13, s5, $0xb8;
	[tilespmem:$0x3000] =	vst v63  }
0x218: {  	s13 =	sld [smem:$0x7FD]  }
0x219: {  	[hbm4b:s3+s5] =	stream.indirect.scatter [tilespmem:s17], [sflag:$0x1], $0x1, s15, s5, $0xb8;
	[tilespmem:$0x3000] =	vst v63  }
0x21a: {  	_ = 	snop  }
0x21b: {  	[hbm4b:s4+s5] =	stream.indirect.scatter [tilespmem:s17], [sflag:$0x1], $0x1, s13, s5, $0xb8;
	[tilespmem:$0x3000] =	vst v63  }
0x21c: {  	_ =	swait.ge [sflag:s2], $0x80  }
0x21d: {  	[sflag:s2] =	ssyncset.done $0x0  }
0x21e: {  	[sflag:s2] =	ssyncadd.s32 $0xFFFFFF80  }
0x21f: {  	_ =	swait.ge [sflag:s2], $0x80  }
0x220: {  	[sflag:s2] =	ssyncset.done $0x0  }
0x221: {  	[sflag:s2] =	ssyncadd.s32 $0xFFFFFF80  }
0x222: {  	_ =	swait.ge [sflag:s2], $0x80  }
0x223: {  	[sflag:s2] =	ssyncset.done $0x0  }
0x224: {  	[sflag:s2] =	ssyncadd.s32 $0xFFFFFF80  }
0x225: {  	_ =	swait.ge [sflag:s2], $0x80  }
0x226: {  	[sflag:s2] =	ssyncset.done $0x0  }
0x227: {  	[sflag:s2] =	ssyncadd.s32 $0xFFFFFF80  }
0x228: {  	_ =	swait.ge [sflag:s2], $0x80  }
0x229: {  	[sflag:s2] =	ssyncset.done $0x0  }
0x22a: {  	[sflag:s2] =	ssyncadd.s32 $0xFFFFFF80  }
0x22b: {  	_ =	swait.ge [sflag:s2], $0x80  }
0x22c: {  	[sflag:s2] =	ssyncset.done $0x0  }
0x22d: {  	[sflag:s2] =	ssyncadd.s32 $0xFFFFFF80  }
0x22e: {  	_ =	swait.ge [sflag:s2], $0x80  }
0x22f: {  	[sflag:s2] =	ssyncset.done $0x0  }
0x230: {  	[sflag:s2] =	ssyncadd.s32 $0xFFFFFF80  }
0x231: {  	_ =	swait.ge [sflag:s2], $0x80  }
0x232: {  	[sflag:s2] =	ssyncset.done $0x0  }
0x233: {  	[sflag:s2] =	ssyncadd.s32 $0xFFFFFF80  }
0x234: {  	_ =	swait.ge [sflag:s2], $0x80  }
0x235: {  	[sflag:s2] =	ssyncset.done $0x0  }
0x236: {  	[sflag:s2] =	ssyncadd.s32 $0xFFFFFF80  }
0x237: {  	_ =	swait.ge [sflag:s2], $0x80  }
0x238: {  	[sflag:s2] =	ssyncset.done $0x0  }
0x239: {  	[sflag:s2] =	ssyncadd.s32 $0xFFFFFF80  }
0x23a: {  	_ =	swait.ge [sflag:s2], $0x80  }
0x23b: {  	[sflag:s2] =	ssyncset.done $0x0  }
0x23c: {  	[sflag:s2] =	ssyncadd.s32 $0xFFFFFF80  }
0x23d: {  	_ =	swait.ge [sflag:s2], $0x80  }
0x23e: {  	[sflag:s2] =	ssyncset.done $0x0  }
0x23f: {  	[sflag:s2] =	ssyncadd.s32 $0xFFFFFF80  }
0x240: {  	_ =	swait.ge [sflag:s2], $0x80  }
0x241: {  	[sflag:s2] =	ssyncset.done $0x0  }
0x242: {  	[sflag:s2] =	ssyncadd.s32 $0xFFFFFF80  }
0x243: {  	_ =	swait.ge [sflag:s2], $0x80  }
0x244: {  	[sflag:s2] =	ssyncset.done $0x0  }
0x245: {  	[sflag:s2] =	ssyncadd.s32 $0xFFFFFF80  }
0x246: {  	_ =	swait.ge [sflag:s2], $0x80  }
0x247: {  	[sflag:s2] =	ssyncset.done $0x0  }
0x248: {  	[sflag:s2] =	ssyncadd.s32 $0xFFFFFF80  }
0x249: {  	_ =	swait.ge [sflag:s2], $0x80  }
0x24a: {  	[sflag:s2] =	ssyncset.done $0x0  }
0x24b: {  	[sflag:s2] =	ssyncadd.s32 $0xFFFFFF80  }
0x24c: {  	_ =	swait.ge [sflag:s2], $0x80  }
0x24d: {  	[sflag:s2] =	ssyncset.done $0x0  }
0x24e: {  	[sflag:s2] =	ssyncadd.s32 $0xFFFFFF80  }
0x24f: {  	_ =	swait.ge [sflag:s2], $0x80  }
0x250: {  	[sflag:s2] =	ssyncset.done $0x0  }
0x251: {  	[sflag:s2] =	ssyncadd.s32 $0xFFFFFF80  }
0x252: {  	_ =	swait.ge [sflag:s2], $0x80  }
0x253: {  	[sflag:s2] =	ssyncset.done $0x0  }
0x254: {  	[sflag:s2] =	ssyncadd.s32 $0xFFFFFF80  }
0x255: {  	_ =	swait.ge [sflag:s2], $0x80  }
0x256: {  	[sflag:s2] =	ssyncset.done $0x0  }
0x257: {  	[sflag:s2] =	ssyncadd.s32 $0xFFFFFF80  }
0x258: {  	_ =	swait.ge [sflag:s2], $0x80  }
0x259: {  	[sflag:s2] =	ssyncset.done $0x0  }
0x25a: {  	[sflag:s2] =	ssyncadd.s32 $0xFFFFFF80  }
0x25b: {  	_ =	swait.ge [sflag:s2], $0x80  }
0x25c: {  	[sflag:s2] =	ssyncset.done $0x0  }
0x25d: {  	[sflag:s2] =	ssyncadd.s32 $0xFFFFFF80  }
0x25e: {  	_ =	swait.ge [sflag:s2], $0x80  }
0x25f: {  	[sflag:s2] =	ssyncset.done $0x0  }
0x260: {  	[sflag:s2] =	ssyncadd.s32 $0xFFFFFF80  }
0x261: {  	_ =	swait.ge [sflag:s2], $0x80  }
0x262: {  	[sflag:s2] =	ssyncset.done $0x0  }
0x263: {  	[sflag:s2] =	ssyncadd.s32 $0xFFFFFF80  }
0x264: {  	_ =	swait.ge [sflag:s2], $0x80  }
0x265: {  	[sflag:s2] =	ssyncset.done $0x0  }
0x266: {  	[sflag:s2] =	ssyncadd.s32 $0xFFFFFF80  }
0x267: {  	_ =	swait.ge [sflag:s2], $0x80  }
0x268: {  	[sflag:s2] =	ssyncset.done $0x0  }
0x269: {  	[sflag:s2] =	ssyncadd.s32 $0xFFFFFF80  }
0x26a: {  	_ =	swait.ge [sflag:s2], $0x80  }
0x26b: {  	[sflag:s2] =	ssyncset.done $0x0  }
0x26c: {  	[sflag:s2] =	ssyncadd.s32 $0xFFFFFF80  }
0x26d: {  	_ =	swait.ge [sflag:s2], $0x80  }
0x26e: {  	[sflag:s2] =	ssyncset.done $0x0  }
0x26f: {  	[sflag:s2] =	ssyncadd.s32 $0xFFFFFF80  }
0x270: {  	_ =	swait.ge [sflag:s2], $0x80  }
0x271: {  	[sflag:s2] =	ssyncset.done $0x0  }
0x272: {  	[sflag:s2] =	ssyncadd.s32 $0xFFFFFF80  }
0x273: {  	_ =	swait.ge [sflag:s2], $0x80  }
0x274: {  	[sflag:s2] =	ssyncset.done $0x0  }
0x275: {  	[sflag:s2] =	ssyncadd.s32 $0xFFFFFF80  }
0x276: {  	_ =	swait.ge [sflag:s2], $0x80  }
0x277: {  	[sflag:s2] =	ssyncset.done $0x0  }
0x278: {  	[sflag:s2] =	ssyncadd.s32 $0xFFFFFF80  }
0x279: {  	_ =	swait.ge [sflag:s2], $0x80  }
0x27a: {  	[sflag:s2] =	ssyncset.done $0x0  }
0x27b: {  	[sflag:s2] =	ssyncadd.s32 $0xFFFFFF80  }
0x27c: {  	_ =	swait.ge [sflag:s2], $0x80  }
0x27d: {  	[sflag:s2] =	ssyncset.done $0x0  }
0x27e: {  	[sflag:s2] =	ssyncadd.s32 $0xFFFFFF80  }
0x27f: {  	_ =	swait.ge [sflag:s2], $0x80  }
0x280: {  	[sflag:s2] =	ssyncset.done $0x0  }
0x281: {  	[sflag:s2] =	ssyncadd.s32 $0xFFFFFF80  }
0x282: {  	_ =	swait.ge [sflag:s2], $0x80  }
0x283: {  	[sflag:s2] =	ssyncset.done $0x0  }
0x284: {  	[sflag:s2] =	ssyncadd.s32 $0xFFFFFF80  }
0x285: {  	_ =	swait.ge [sflag:s2], $0x80  }
0x286: {  	[sflag:s2] =	ssyncset.done $0x0  }
0x287: {  	[sflag:s2] =	ssyncadd.s32 $0xFFFFFF80  }
0x288: {  	_ =	swait.ge [sflag:s2], $0x80  }
0x289: {  	[sflag:s2] =	ssyncset.done $0x0  }
0x28a: {  	[sflag:s2] =	ssyncadd.s32 $0xFFFFFF80  }
0x28b: {  	_ =	swait.ge [sflag:s2], $0x80  }
0x28c: {  	[sflag:s2] =	ssyncset.done $0x0  }
0x28d: {  	[sflag:s2] =	ssyncadd.s32 $0xFFFFFF80  }
0x28e: {  	_ =	swait.ge [sflag:s2], $0x80  }
0x28f: {  	[sflag:s2] =	ssyncset.done $0x0  }
0x290: {  	[sflag:s2] =	ssyncadd.s32 $0xFFFFFF80  }
0x291: {  	_ =	swait.ge [sflag:s2], $0x80  }
0x292: {  	[sflag:s2] =	ssyncset.done $0x0  }
0x293: {  	[sflag:s2] =	ssyncadd.s32 $0xFFFFFF80  }
0x294: {  	_ =	swait.ge [sflag:s2], $0x80  }
0x295: {  	[sflag:s2] =	ssyncset.done $0x0  }
0x296: {  	[sflag:s2] =	ssyncadd.s32 $0xFFFFFF80  }
0x297: {  	_ =	swait.ge [sflag:s2], $0x80  }
0x298: {  	[sflag:s2] =	ssyncset.done $0x0  }
0x299: {  	[sflag:s2] =	ssyncadd.s32 $0xFFFFFF80  }
0x29a: {  	_ =	swait.ge [sflag:s2], $0x80  }
0x29b: {  	[sflag:s2] =	ssyncset.done $0x0  }
0x29c: {  	[sflag:s2] =	ssyncadd.s32 $0xFFFFFF80  }
0x29d: {  	_ =	swait.ge [sflag:s2], $0x80  }
0x29e: {  	[sflag:s2] =	ssyncset.done $0x0  }
0x29f: {  	[sflag:s2] =	ssyncadd.s32 $0xFFFFFF80  }
0x2a0: {  	_ =	swait.ge [sflag:s2], $0x80  }
0x2a1: {  	[sflag:s2] =	ssyncset.done $0x0  }
0x2a2: {  	[sflag:s2] =	ssyncadd.s32 $0xFFFFFF80  }
0x2a3: {  	_ =	swait.ge [sflag:s2], $0x80  }
0x2a4: {  	[sflag:s2] =	ssyncset.done $0x0  }
0x2a5: {  	[sflag:s2] =	ssyncadd.s32 $0xFFFFFF80  }
0x2a6: {  	_ =	swait.ge [sflag:s2], $0x80  }
0x2a7: {  	[sflag:s2] =	ssyncset.done $0x0  }
0x2a8: {  	[sflag:s2] =	ssyncadd.s32 $0xFFFFFF80  }
0x2a9: {  	_ =	swait.ge [sflag:s2], $0x80  }
0x2aa: {  	[sflag:s2] =	ssyncset.done $0x0  }
0x2ab: {  	[sflag:s2] =	ssyncadd.s32 $0xFFFFFF80  }
0x2ac: {  	_ =	swait.ge [sflag:s2], $0x80  }
0x2ad: {  	[sflag:s2] =	ssyncset.done $0x0  }
0x2ae: {  	[sflag:s2] =	ssyncadd.s32 $0xFFFFFF80  }
0x2af: {  	_ =	swait.ge [sflag:s2], $0x80  }
0x2b0: {  	[sflag:s2] =	ssyncset.done $0x0  }
0x2b1: {  	[sflag:s2] =	ssyncadd.s32 $0xFFFFFF80  }
0x2b2: {  	_ =	swait.ge [sflag:s2], $0x80  }
0x2b3: {  	[sflag:s2] =	ssyncset.done $0x0  }
0x2b4: {  	[sflag:s2] =	ssyncadd.s32 $0xFFFFFF80  }
0x2b5: {  	_ =	swait.ge [sflag:s2], $0x80  }
0x2b6: {  	[sflag:s2] =	ssyncset.done $0x0  }
0x2b7: {  	[sflag:s2] =	ssyncadd.s32 $0xFFFFFF80  }
0x2b8: {  	_ =	swait.ge [sflag:s2], $0x80  }
0x2b9: {  	[sflag:s2] =	ssyncset.done $0x0  }
0x2ba: {  	[sflag:s2] =	ssyncadd.s32 $0xFFFFFF80  }
0x2bb: {  	_ =	swait.ge [sflag:s2], $0x80  }
0x2bc: {  	[sflag:s2] =	ssyncset.done $0x0  }
0x2bd: {  	[sflag:s2] =	ssyncadd.s32 $0xFFFFFF80  }
0x2be: {  	_ =	swait.ge [sflag:s2], $0x80  }
0x2bf: {  	[sflag:s2] =	ssyncset.done $0x0  }
0x2c0: {  	[sflag:s2] =	ssyncadd.s32 $0xFFFFFF80  }
0x2c1: {  	_ =	swait.ge [sflag:s2], $0x80  }
0x2c2: {  	[sflag:s2] =	ssyncset.done $0x0  }
0x2c3: {  	[sflag:s2] =	ssyncadd.s32 $0xFFFFFF80  }
0x2c4: {  	_ =	swait.ge [sflag:s2], $0x80  }
0x2c5: {  	[sflag:s2] =	ssyncset.done $0x0  }
0x2c6: {  	[sflag:s2] =	ssyncadd.s32 $0xFFFFFF80  }
0x2c7: {  	_ =	swait.ge [sflag:s2], $0x80  }
0x2c8: {  	[sflag:s2] =	ssyncset.done $0x0  }
0x2c9: {  	[sflag:s2] =	ssyncadd.s32 $0xFFFFFF80  }
0x2ca: {  	_ =	swait.ge [sflag:s2], $0x80  }
0x2cb: {  	[sflag:s2] =	ssyncset.done $0x0  }
0x2cc: {  	[sflag:s2] =	ssyncadd.s32 $0xFFFFFF80  }
0x2cd: {  	_ =	swait.ge [sflag:s2], $0x80  }
0x2ce: {  	[sflag:s2] =	ssyncset.done $0x0  }
0x2cf: {  	[sflag:s2] =	ssyncadd.s32 $0xFFFFFF80  }
0x2d0: {  	_ =	swait.ge [sflag:s2], $0x80  }
0x2d1: {  	[sflag:s2] =	ssyncset.done $0x0  }
0x2d2: {  	[sflag:s2] =	ssyncadd.s32 $0xFFFFFF80  }
0x2d3: {  	_ =	swait.ge [sflag:s2], $0x80  }
0x2d4: {  	[sflag:s2] =	ssyncset.done $0x0  }
0x2d5: {  	p1 =	sne.s32 s14, $0x1;
	[sflag:s2] =	ssyncadd.s32 $0xFFFFFF80  }
.Ltmp2:
0x2d6: {  	_ =	swait.ge [sflag:s2], $0x80;
	(pc) =	sbr.rel @p1 .LBB2_3-.Ltmp2, $4  }
0x2d7: {  	[sflag:s2] =	ssyncset.done $0x0  }
0x2d8: {  	[sflag:s2] =	ssyncadd.s32 $0xFFFFFF80  }
0x2d9: {  	_ =	swait.ge [sflag:s2], $0x80  }
0x2da: {  	s14 =	sadd.s32 $0xFFFFFFFF, s14;
	s15 =	rddreg [dreg:$0x2];
	[sflag:s2] =	ssyncset.done $0x0  }
0x2db: {  	s16 =	stileid.u32  }
.LBB2_5:
0x2dc: {  	[sflag:s2] =	ssyncadd.s32 @p0 $0xFFFFFF80  }
0x2dd: {  	[tilespmem:s6], [sflag:$0x2] =	stream.linear.gather [hbm4b:s15+s6], $0x1000, $0x38;
	[tilespmem:$0x3000] =	vst v63  }
0x2de: {  	_ =	swait.ge [sflag:s9], $0x1000  }
0x2df: {  	[sflag:s9] =	ssyncset.done $0x0  }
0x2e0: {  	s0 =	simm.s32 $0x1000;
	s14 =	rddreg [dreg:$0x3];
	[sflag:s9] =	ssyncadd.s32 $0xFFFFF000  }
0x2e1: {  	[tilespmem:s0], [sflag:$0x2] =	stream.linear.gather [hbm4b:s14+s6], $0x1000, $0x38;
	[tilespmem:$0x3000] =	vst v63  }
0x2e2: {  	_ =	swait.ge [sflag:s9], $0x1000  }
0x2e3: {  	[sflag:s9] =	ssyncset.done $0x0  }
0x2e4: {  	s1 =	simm.s32 $0x2000;
	s8 =	rddreg [dreg:$0x4];
	[sflag:s9] =	ssyncadd.s32 $0xFFFFF000  }
0x2e5: {  	[tilespmem:s1], [sflag:$0x2] =	stream.linear.gather [hbm4b:s8+s6], $0x1000, $0x38;
	[tilespmem:$0x3000] =	vst v63  }
0x2e6: {  	_ =	swait.ge [sflag:s9], $0x1000  }
0x2e7: {  	[sflag:s9] =	ssyncset.done $0x0  }
0x2e8: {  	[sflag:s9] =	ssyncadd.s32 $0xFFFFF000  }
0x2e9: {  	[hbm4b:s3+s5] =	stream.indirect.scatter [tilespmem:s6], [sflag:$0x1], $0x1, s0, s5, $0xb8;
	[tilespmem:$0x3000] =	vst v63  }
0x2ea: {  	s10 =	rddreg [dreg:$0x5]  }
0x2eb: {  	[hbm4b:s4+s5] =	stream.indirect.scatter [tilespmem:s6], [sflag:$0x1], $0x1, s1, s5, $0xb8;
	[tilespmem:$0x3000] =	vst v63  }
0x2ec: {  	s11 =	rddreg [dreg:$0x6]  }
0x2ed: {  	[hbm4b:s3+s5] =	stream.indirect.scatter [tilespmem:s5], [sflag:$0x1], $0x1, s10, s5, $0xb8;
	[tilespmem:$0x3000] =	vst v63  }
0x2ee: {  	s12 =	rddreg [dreg:$0x7]  }
0x2ef: {  	[hbm4b:s4+s5] =	stream.indirect.scatter [tilespmem:s5], [sflag:$0x1], $0x1, s11, s5, $0xb8;
	[tilespmem:$0x3000] =	vst v63  }
0x2f0: {  	s14 =	simm.s32 $0x100;
	s13 =	rddreg [dreg:$0x8]  }
0x2f1: {  	[hbm4b:s3+s5] =	stream.indirect.scatter [tilespmem:s14], [sflag:$0x1], $0x1, s12, s5, $0xb8;
	[tilespmem:$0x3000] =	vst v63  }
0x2f2: {  	s15 =	rddreg [dreg:$0x9]  }
0x2f3: {  	[hbm4b:s4+s5] =	stream.indirect.scatter [tilespmem:s14], [sflag:$0x1], $0x1, s13, s5, $0xb8;
	[tilespmem:$0x3000] =	vst v63  }
0x2f4: {  	s18 =	simm.s32 $0x180;
	s17 =	rddreg [dreg:$0xa]  }
0x2f5: {  	[hbm4b:s3+s5] =	stream.indirect.scatter [tilespmem:s18], [sflag:$0x1], $0x1, s15, s5, $0xb8;
	[tilespmem:$0x3000] =	vst v63  }
0x2f6: {  	s19 =	rddreg [dreg:$0xb]  }
0x2f7: {  	[hbm4b:s4+s5] =	stream.indirect.scatter [tilespmem:s18], [sflag:$0x1], $0x1, s17, s5, $0xb8;
	[tilespmem:$0x3000] =	vst v63  }
0x2f8: {  	s21 =	simm.s32 $0x200;
	s20 =	rddreg [dreg:$0xc]  }
0x2f9: {  	[hbm4b:s3+s5] =	stream.indirect.scatter [tilespmem:s21], [sflag:$0x1], $0x1, s19, s5, $0xb8;
	[tilespmem:$0x3000] =	vst v63  }
0x2fa: {  	s22 =	rddreg [dreg:$0xd]  }
0x2fb: {  	[hbm4b:s4+s5] =	stream.indirect.scatter [tilespmem:s21], [sflag:$0x1], $0x1, s20, s5, $0xb8;
	[tilespmem:$0x3000] =	vst v63  }
0x2fc: {  	s24 =	simm.s32 $0x280;
	s23 =	rddreg [dreg:$0xe]  }
0x2fd: {  	[hbm4b:s3+s5] =	stream.indirect.scatter [tilespmem:s24], [sflag:$0x1], $0x1, s22, s5, $0xb8;
	[tilespmem:$0x3000] =	vst v63  }
0x2fe: {  	s8 =	rddreg [dreg:$0xf]  }
0x2ff: {  	[hbm4b:s4+s5] =	stream.indirect.scatter [tilespmem:s24], [sflag:$0x1], $0x1, s23, s5, $0xb8;
	[tilespmem:$0x3000] =	vst v63  }
0x300: {  	s26 =	simm.s32 $0x300;
	s25 =	rddreg [dreg:$0x10]  }
0x301: {  	[hbm4b:s3+s5] =	stream.indirect.scatter [tilespmem:s26], [sflag:$0x1], $0x1, s8, s5, $0xb8;
	[tilespmem:$0x3000] =	vst v63  }
0x302: {  	s7 =	rddreg [dreg:$0x11]  }
0x303: {  	[hbm4b:s4+s5] =	stream.indirect.scatter [tilespmem:s26], [sflag:$0x1], $0x1, s25, s5, $0xb8;
	[tilespmem:$0x3000] =	vst v63  }
0x304: {  	s29 =	simm.s32 $0x380;
	s28 =	rddreg [dreg:$0x12]  }
0x305: {  	[hbm4b:s3+s5] =	stream.indirect.scatter [tilespmem:s29], [sflag:$0x1], $0x1, s7, s5, $0xb8;
	[tilespmem:$0x3000] =	vst v63  }
0x306: {  	s30 =	rddreg [dreg:$0x13]  }
0x307: {  	[hbm4b:s4+s5] =	stream.indirect.scatter [tilespmem:s29], [sflag:$0x1], $0x1, s28, s5, $0xb8;
	[tilespmem:$0x3000] =	vst v63  }
0x308: {  	s31 =	rddreg [dreg:$0x14];
	s1 =	simm.s32 $0x400  }
0x309: {  	[hbm4b:s3+s5] =	stream.indirect.scatter [tilespmem:s1], [sflag:$0x1], $0x1, s30, s5, $0xb8;
	[tilespmem:$0x3000] =	vst v63  }
0x30a: {  	s9 =	rddreg [dreg:$0x16]  }
0x30b: {  	[hbm4b:s4+s5] =	stream.indirect.scatter [tilespmem:s1], [sflag:$0x1], $0x1, s31, s5, $0xb8;
	[tilespmem:$0x3000] =	vst v63  }
0x30c: {  	s10 =	simm.s32 $0x480;
	s8 =	rddreg [dreg:$0x15]  }
0x30d: {  	[hbm4b:s3+s5] =	stream.indirect.scatter [tilespmem:s10], [sflag:$0x1], $0x1, s8, s5, $0xb8;
	[tilespmem:$0x3000] =	vst v63  }
0x30e: {  	s11 =	rddreg [dreg:$0x17]  }
0x30f: {  	[hbm4b:s4+s5] =	stream.indirect.scatter [tilespmem:s10], [sflag:$0x1], $0x1, s9, s5, $0xb8;
	[tilespmem:$0x3000] =	vst v63  }
0x310: {  	s12 =	rddreg [dreg:$0x18];
	s13 =	simm.s32 $0x500  }
0x311: {  	[hbm4b:s3+s5] =	stream.indirect.scatter [tilespmem:s13], [sflag:$0x1], $0x1, s11, s5, $0xb8;
	[tilespmem:$0x3000] =	vst v63  }
0x312: {  	s14 =	rddreg [dreg:$0x19]  }
0x313: {  	[hbm4b:s4+s5] =	stream.indirect.scatter [tilespmem:s13], [sflag:$0x1], $0x1, s12, s5, $0xb8;
	[tilespmem:$0x3000] =	vst v63  }
0x314: {  	s15 =	rddreg [dreg:$0x1a];
	s17 =	simm.s32 $0x580  }
0x315: {  	[hbm4b:s3+s5] =	stream.indirect.scatter [tilespmem:s17], [sflag:$0x1], $0x1, s14, s5, $0xb8;
	[tilespmem:$0x3000] =	vst v63  }
0x316: {  	s18 =	rddreg [dreg:$0x1b]  }
0x317: {  	[hbm4b:s4+s5] =	stream.indirect.scatter [tilespmem:s17], [sflag:$0x1], $0x1, s15, s5, $0xb8;
	[tilespmem:$0x3000] =	vst v63  }
0x318: {  	s19 =	rddreg [dreg:$0x1c];
	s20 =	simm.s32 $0x600  }
0x319: {  	[hbm4b:s3+s5] =	stream.indirect.scatter [tilespmem:s20], [sflag:$0x1], $0x1, s18, s5, $0xb8;
	[tilespmem:$0x3000] =	vst v63  }
0x31a: {  	s21 =	rddreg [dreg:$0x1d]  }
0x31b: {  	[hbm4b:s4+s5] =	stream.indirect.scatter [tilespmem:s20], [sflag:$0x1], $0x1, s19, s5, $0xb8;
	[tilespmem:$0x3000] =	vst v63  }
0x31c: {  	s22 =	rddreg [dreg:$0x1e];
	s23 =	simm.s32 $0x680  }
0x31d: {  	[hbm4b:s3+s5] =	stream.indirect.scatter [tilespmem:s23], [sflag:$0x1], $0x1, s21, s5, $0xb8;
	[tilespmem:$0x3000] =	vst v63  }
0x31e: {  	s24 =	rddreg [dreg:$0x1f]  }
0x31f: {  	[hbm4b:s4+s5] =	stream.indirect.scatter [tilespmem:s23], [sflag:$0x1], $0x1, s22, s5, $0xb8;
	[tilespmem:$0x3000] =	vst v63  }
0x320: {  	s25 =	sld [smem:$0x7DB];
	s26 =	simm.s32 $0x700  }
0x321: {  	[hbm4b:s3+s5] =	stream.indirect.scatter [tilespmem:s26], [sflag:$0x1], $0x1, s24, s5, $0xb8;
	[tilespmem:$0x3000] =	vst v63  }
0x322: {  	s28 =	sld [smem:$0x7DC]  }
0x323: {  	[hbm4b:s4+s5] =	stream.indirect.scatter [tilespmem:s26], [sflag:$0x1], $0x1, s25, s5, $0xb8;
	[tilespmem:$0x3000] =	vst v63  }
0x324: {  	s29 =	sld [smem:$0x7DD];
	s30 =	simm.s32 $0x780  }
0x325: {  	[hbm4b:s3+s5] =	stream.indirect.scatter [tilespmem:s30], [sflag:$0x1], $0x1, s28, s5, $0xb8;
	[tilespmem:$0x3000] =	vst v63  }
0x326: {  	s31 =	sld [smem:$0x7DE]  }
0x327: {  	[hbm4b:s4+s5] =	stream.indirect.scatter [tilespmem:s30], [sflag:$0x1], $0x1, s29, s5, $0xb8;
	[tilespmem:$0x3000] =	vst v63  }
0x328: {  	s6 =	sld [smem:$0x7DF];
	s7 =	simm.s32 $0x800  }
0x329: {  	[hbm4b:s3+s5] =	stream.indirect.scatter [tilespmem:s7], [sflag:$0x1], $0x1, s31, s5, $0xb8;
	[tilespmem:$0x3000] =	vst v63  }
0x32a: {  	s8 =	sld [smem:$0x7E0]  }
0x32b: {  	[hbm4b:s4+s5] =	stream.indirect.scatter [tilespmem:s7], [sflag:$0x1], $0x1, s6, s5, $0xb8;
	[tilespmem:$0x3000] =	vst v63  }
0x32c: {  	s9 =	sld [smem:$0x7E1];
	s10 =	simm.s32 $0x880  }
0x32d: {  	[hbm4b:s3+s5] =	stream.indirect.scatter [tilespmem:s10], [sflag:$0x1], $0x1, s8, s5, $0xb8;
	[tilespmem:$0x3000] =	vst v63  }
0x32e: {  	s11 =	sld [smem:$0x7E2]  }
0x32f: {  	[hbm4b:s4+s5] =	stream.indirect.scatter [tilespmem:s10], [sflag:$0x1], $0x1, s9, s5, $0xb8;
	[tilespmem:$0x3000] =	vst v63  }
0x330: {  	s12 =	sld [smem:$0x7E3];
	s13 =	simm.s32 $0x900  }
0x331: {  	[hbm4b:s3+s5] =	stream.indirect.scatter [tilespmem:s13], [sflag:$0x1], $0x1, s11, s5, $0xb8;
	[tilespmem:$0x3000] =	vst v63  }
0x332: {  	s14 =	sld [smem:$0x7E4]  }
0x333: {  	[hbm4b:s4+s5] =	stream.indirect.scatter [tilespmem:s13], [sflag:$0x1], $0x1, s12, s5, $0xb8;
	[tilespmem:$0x3000] =	vst v63  }
0x334: {  	s15 =	sld [smem:$0x7E5];
	s17 =	simm.s32 $0x980  }
0x335: {  	[hbm4b:s3+s5] =	stream.indirect.scatter [tilespmem:s17], [sflag:$0x1], $0x1, s14, s5, $0xb8;
	[tilespmem:$0x3000] =	vst v63  }
0x336: {  	s18 =	sld [smem:$0x7E6]  }
0x337: {  	[hbm4b:s4+s5] =	stream.indirect.scatter [tilespmem:s17], [sflag:$0x1], $0x1, s15, s5, $0xb8;
	[tilespmem:$0x3000] =	vst v63  }
0x338: {  	s19 =	sld [smem:$0x7E7];
	s20 =	simm.s32 $0xA00  }
0x339: {  	[hbm4b:s3+s5] =	stream.indirect.scatter [tilespmem:s20], [sflag:$0x1], $0x1, s18, s5, $0xb8;
	[tilespmem:$0x3000] =	vst v63  }
0x33a: {  	s21 =	sld [smem:$0x7E8]  }
0x33b: {  	[hbm4b:s4+s5] =	stream.indirect.scatter [tilespmem:s20], [sflag:$0x1], $0x1, s19, s5, $0xb8;
	[tilespmem:$0x3000] =	vst v63  }
0x33c: {  	s22 =	sld [smem:$0x7E9];
	s23 =	simm.s32 $0xA80  }
0x33d: {  	[hbm4b:s3+s5] =	stream.indirect.scatter [tilespmem:s23], [sflag:$0x1], $0x1, s21, s5, $0xb8;
	[tilespmem:$0x3000] =	vst v63  }
0x33e: {  	s24 =	sld [smem:$0x7EA]  }
0x33f: {  	[hbm4b:s4+s5] =	stream.indirect.scatter [tilespmem:s23], [sflag:$0x1], $0x1, s22, s5, $0xb8;
	[tilespmem:$0x3000] =	vst v63  }
0x340: {  	s25 =	sld [smem:$0x7EB];
	s26 =	simm.s32 $0xB00  }
0x341: {  	[hbm4b:s3+s5] =	stream.indirect.scatter [tilespmem:s26], [sflag:$0x1], $0x1, s24, s5, $0xb8;
	[tilespmem:$0x3000] =	vst v63  }
0x342: {  	s28 =	sld [smem:$0x7EC]  }
0x343: {  	[hbm4b:s4+s5] =	stream.indirect.scatter [tilespmem:s26], [sflag:$0x1], $0x1, s25, s5, $0xb8;
	[tilespmem:$0x3000] =	vst v63  }
0x344: {  	s29 =	sld [smem:$0x7ED];
	s30 =	simm.s32 $0xB80  }
0x345: {  	[hbm4b:s3+s5] =	stream.indirect.scatter [tilespmem:s30], [sflag:$0x1], $0x1, s28, s5, $0xb8;
	[tilespmem:$0x3000] =	vst v63  }
0x346: {  	s31 =	sld [smem:$0x7EE]  }
0x347: {  	[hbm4b:s4+s5] =	stream.indirect.scatter [tilespmem:s30], [sflag:$0x1], $0x1, s29, s5, $0xb8;
	[tilespmem:$0x3000] =	vst v63  }
0x348: {  	s7 =	sld [smem:$0x7EF];
	s8 =	simm.s32 $0xC00  }
0x349: {  	[hbm4b:s3+s5] =	stream.indirect.scatter [tilespmem:s8], [sflag:$0x1], $0x1, s31, s5, $0xb8;
	[tilespmem:$0x3000] =	vst v63  }
0x34a: {  	s9 =	sld [smem:$0x7F0]  }
0x34b: {  	[hbm4b:s4+s5] =	stream.indirect.scatter [tilespmem:s8], [sflag:$0x1], $0x1, s7, s5, $0xb8;
	[tilespmem:$0x3000] =	vst v63  }
0x34c: {  	s10 =	sld [smem:$0x7F1];
	s11 =	simm.s32 $0xC80  }
0x34d: {  	[hbm4b:s3+s5] =	stream.indirect.scatter [tilespmem:s11], [sflag:$0x1], $0x1, s9, s5, $0xb8;
	[tilespmem:$0x3000] =	vst v63  }
0x34e: {  	s12 =	sld [smem:$0x7F2]  }
0x34f: {  	[hbm4b:s4+s5] =	stream.indirect.scatter [tilespmem:s11], [sflag:$0x1], $0x1, s10, s5, $0xb8;
	[tilespmem:$0x3000] =	vst v63  }
0x350: {  	s13 =	sld [smem:$0x7F3];
	s14 =	simm.s32 $0xD00  }
0x351: {  	[hbm4b:s3+s5] =	stream.indirect.scatter [tilespmem:s14], [sflag:$0x1], $0x1, s12, s5, $0xb8;
	[tilespmem:$0x3000] =	vst v63  }
0x352: {  	s15 =	sld [smem:$0x7F4]  }
0x353: {  	[hbm4b:s4+s5] =	stream.indirect.scatter [tilespmem:s14], [sflag:$0x1], $0x1, s13, s5, $0xb8;
	[tilespmem:$0x3000] =	vst v63  }
0x354: {  	s17 =	sld [smem:$0x7F5];
	s18 =	simm.s32 $0xD80  }
0x355: {  	[hbm4b:s3+s5] =	stream.indirect.scatter [tilespmem:s18], [sflag:$0x1], $0x1, s15, s5, $0xb8;
	[tilespmem:$0x3000] =	vst v63  }
0x356: {  	s19 =	sld [smem:$0x7F6]  }
0x357: {  	[hbm4b:s4+s5] =	stream.indirect.scatter [tilespmem:s18], [sflag:$0x1], $0x1, s17, s5, $0xb8;
	[tilespmem:$0x3000] =	vst v63  }
0x358: {  	s20 =	sld [smem:$0x7F7];
	s21 =	simm.s32 $0xE00  }
0x359: {  	[hbm4b:s3+s5] =	stream.indirect.scatter [tilespmem:s21], [sflag:$0x1], $0x1, s19, s5, $0xb8;
	[tilespmem:$0x3000] =	vst v63  }
0x35a: {  	s22 =	sld [smem:$0x7F8]  }
0x35b: {  	[hbm4b:s4+s5] =	stream.indirect.scatter [tilespmem:s21], [sflag:$0x1], $0x1, s20, s5, $0xb8;
	[tilespmem:$0x3000] =	vst v63  }
0x35c: {  	s23 =	sld [smem:$0x7F9];
	s24 =	simm.s32 $0xE80  }
0x35d: {  	[hbm4b:s3+s5] =	stream.indirect.scatter [tilespmem:s24], [sflag:$0x1], $0x1, s22, s5, $0xb8;
	[tilespmem:$0x3000] =	vst v63  }
0x35e: {  	s25 =	sld [smem:$0x7FA]  }
0x35f: {  	[hbm4b:s4+s5] =	stream.indirect.scatter [tilespmem:s24], [sflag:$0x1], $0x1, s23, s5, $0xb8;
	[tilespmem:$0x3000] =	vst v63  }
0x360: {  	s26 =	sld [smem:$0x7FB];
	s28 =	simm.s32 $0xF00  }
0x361: {  	[hbm4b:s3+s5] =	stream.indirect.scatter [tilespmem:s28], [sflag:$0x1], $0x1, s25, s5, $0xb8;
	[tilespmem:$0x3000] =	vst v63  }
0x362: {  	s29 =	sld [smem:$0x7FC]  }
0x363: {  	[hbm4b:s4+s5] =	stream.indirect.scatter [tilespmem:s28], [sflag:$0x1], $0x1, s26, s5, $0xb8;
	[tilespmem:$0x3000] =	vst v63  }
0x364: {  	s30 =	sld [smem:$0x7FD];
	s31 =	simm.s32 $0xF80  }
0x365: {  	[hbm4b:s3+s5] =	stream.indirect.scatter [tilespmem:s31], [sflag:$0x1], $0x1, s29, s5, $0xb8;
	[tilespmem:$0x3000] =	vst v63  }
0x366: {  	_ = 	snop  }
0x367: {  	[hbm4b:s4+s5] =	stream.indirect.scatter [tilespmem:s31], [sflag:$0x1], $0x1, s30, s5, $0xb8;
	[tilespmem:$0x3000] =	vst v63  }
0x368: {  	_ =	swait.ge [sflag:s2], $0x80  }
0x369: {  	[sflag:s2] =	ssyncset.done $0x0  }
0x36a: {  	[sflag:s2] =	ssyncadd.s32 $0xFFFFFF80  }
0x36b: {  	_ =	swait.ge [sflag:s2], $0x80  }
0x36c: {  	[sflag:s2] =	ssyncset.done $0x0  }
0x36d: {  	[sflag:s2] =	ssyncadd.s32 $0xFFFFFF80  }
0x36e: {  	_ =	swait.ge [sflag:s2], $0x80  }
0x36f: {  	[sflag:s2] =	ssyncset.done $0x0  }
0x370: {  	[sflag:s2] =	ssyncadd.s32 $0xFFFFFF80  }
0x371: {  	_ =	swait.ge [sflag:s2], $0x80  }
0x372: {  	[sflag:s2] =	ssyncset.done $0x0  }
0x373: {  	[sflag:s2] =	ssyncadd.s32 $0xFFFFFF80  }
0x374: {  	_ =	swait.ge [sflag:s2], $0x80  }
0x375: {  	[sflag:s2] =	ssyncset.done $0x0  }
0x376: {  	[sflag:s2] =	ssyncadd.s32 $0xFFFFFF80  }
0x377: {  	_ =	swait.ge [sflag:s2], $0x80  }
0x378: {  	[sflag:s2] =	ssyncset.done $0x0  }
0x379: {  	[sflag:s2] =	ssyncadd.s32 $0xFFFFFF80  }
0x37a: {  	_ =	swait.ge [sflag:s2], $0x80  }
0x37b: {  	[sflag:s2] =	ssyncset.done $0x0  }
0x37c: {  	[sflag:s2] =	ssyncadd.s32 $0xFFFFFF80  }
0x37d: {  	_ =	swait.ge [sflag:s2], $0x80  }
0x37e: {  	[sflag:s2] =	ssyncset.done $0x0  }
0x37f: {  	[sflag:s2] =	ssyncadd.s32 $0xFFFFFF80  }
0x380: {  	_ =	swait.ge [sflag:s2], $0x80  }
0x381: {  	[sflag:s2] =	ssyncset.done $0x0  }
0x382: {  	[sflag:s2] =	ssyncadd.s32 $0xFFFFFF80  }
0x383: {  	_ =	swait.ge [sflag:s2], $0x80  }
0x384: {  	[sflag:s2] =	ssyncset.done $0x0  }
0x385: {  	[sflag:s2] =	ssyncadd.s32 $0xFFFFFF80  }
0x386: {  	_ =	swait.ge [sflag:s2], $0x80  }
0x387: {  	[sflag:s2] =	ssyncset.done $0x0  }
0x388: {  	[sflag:s2] =	ssyncadd.s32 $0xFFFFFF80  }
0x389: {  	_ =	swait.ge [sflag:s2], $0x80  }
0x38a: {  	[sflag:s2] =	ssyncset.done $0x0  }
0x38b: {  	[sflag:s2] =	ssyncadd.s32 $0xFFFFFF80  }
0x38c: {  	_ =	swait.ge [sflag:s2], $0x80  }
0x38d: {  	[sflag:s2] =	ssyncset.done $0x0  }
0x38e: {  	[sflag:s2] =	ssyncadd.s32 $0xFFFFFF80  }
0x38f: {  	_ =	swait.ge [sflag:s2], $0x80  }
0x390: {  	[sflag:s2] =	ssyncset.done $0x0  }
0x391: {  	[sflag:s2] =	ssyncadd.s32 $0xFFFFFF80  }
0x392: {  	_ =	swait.ge [sflag:s2], $0x80  }
0x393: {  	[sflag:s2] =	ssyncset.done $0x0  }
0x394: {  	[sflag:s2] =	ssyncadd.s32 $0xFFFFFF80  }
0x395: {  	_ =	swait.ge [sflag:s2], $0x80  }
0x396: {  	[sflag:s2] =	ssyncset.done $0x0  }
0x397: {  	[sflag:s2] =	ssyncadd.s32 $0xFFFFFF80  }
0x398: {  	_ =	swait.ge [sflag:s2], $0x80  }
0x399: {  	[sflag:s2] =	ssyncset.done $0x0  }
0x39a: {  	[sflag:s2] =	ssyncadd.s32 $0xFFFFFF80  }
0x39b: {  	_ =	swait.ge [sflag:s2], $0x80  }
0x39c: {  	[sflag:s2] =	ssyncset.done $0x0  }
0x39d: {  	[sflag:s2] =	ssyncadd.s32 $0xFFFFFF80  }
0x39e: {  	_ =	swait.ge [sflag:s2], $0x80  }
0x39f: {  	[sflag:s2] =	ssyncset.done $0x0  }
0x3a0: {  	[sflag:s2] =	ssyncadd.s32 $0xFFFFFF80  }
0x3a1: {  	_ =	swait.ge [sflag:s2], $0x80  }
0x3a2: {  	[sflag:s2] =	ssyncset.done $0x0  }
0x3a3: {  	[sflag:s2] =	ssyncadd.s32 $0xFFFFFF80  }
0x3a4: {  	_ =	swait.ge [sflag:s2], $0x80  }
0x3a5: {  	[sflag:s2] =	ssyncset.done $0x0  }
0x3a6: {  	[sflag:s2] =	ssyncadd.s32 $0xFFFFFF80  }
0x3a7: {  	_ =	swait.ge [sflag:s2], $0x80  }
0x3a8: {  	[sflag:s2] =	ssyncset.done $0x0  }
0x3a9: {  	[sflag:s2] =	ssyncadd.s32 $0xFFFFFF80  }
0x3aa: {  	_ =	swait.ge [sflag:s2], $0x80  }
0x3ab: {  	[sflag:s2] =	ssyncset.done $0x0  }
0x3ac: {  	[sflag:s2] =	ssyncadd.s32 $0xFFFFFF80  }
0x3ad: {  	_ =	swait.ge [sflag:s2], $0x80  }
0x3ae: {  	[sflag:s2] =	ssyncset.done $0x0  }
0x3af: {  	[sflag:s2] =	ssyncadd.s32 $0xFFFFFF80  }
0x3b0: {  	_ =	swait.ge [sflag:s2], $0x80  }
0x3b1: {  	[sflag:s2] =	ssyncset.done $0x0  }
0x3b2: {  	[sflag:s2] =	ssyncadd.s32 $0xFFFFFF80  }
0x3b3: {  	_ =	swait.ge [sflag:s2], $0x80  }
0x3b4: {  	[sflag:s2] =	ssyncset.done $0x0  }
0x3b5: {  	[sflag:s2] =	ssyncadd.s32 $0xFFFFFF80  }
0x3b6: {  	_ =	swait.ge [sflag:s2], $0x80  }
0x3b7: {  	[sflag:s2] =	ssyncset.done $0x0  }
0x3b8: {  	[sflag:s2] =	ssyncadd.s32 $0xFFFFFF80  }
0x3b9: {  	_ =	swait.ge [sflag:s2], $0x80  }
0x3ba: {  	[sflag:s2] =	ssyncset.done $0x0  }
0x3bb: {  	[sflag:s2] =	ssyncadd.s32 $0xFFFFFF80  }
0x3bc: {  	_ =	swait.ge [sflag:s2], $0x80  }
0x3bd: {  	[sflag:s2] =	ssyncset.done $0x0  }
0x3be: {  	[sflag:s2] =	ssyncadd.s32 $0xFFFFFF80  }
0x3bf: {  	_ =	swait.ge [sflag:s2], $0x80  }
0x3c0: {  	[sflag:s2] =	ssyncset.done $0x0  }
0x3c1: {  	[sflag:s2] =	ssyncadd.s32 $0xFFFFFF80  }
0x3c2: {  	_ =	swait.ge [sflag:s2], $0x80  }
0x3c3: {  	[sflag:s2] =	ssyncset.done $0x0  }
0x3c4: {  	[sflag:s2] =	ssyncadd.s32 $0xFFFFFF80  }
0x3c5: {  	_ =	swait.ge [sflag:s2], $0x80  }
0x3c6: {  	[sflag:s2] =	ssyncset.done $0x0  }
0x3c7: {  	[sflag:s2] =	ssyncadd.s32 $0xFFFFFF80  }
0x3c8: {  	_ =	swait.ge [sflag:s2], $0x80  }
0x3c9: {  	[sflag:s2] =	ssyncset.done $0x0  }
0x3ca: {  	[sflag:s2] =	ssyncadd.s32 $0xFFFFFF80  }
0x3cb: {  	_ =	swait.ge [sflag:s2], $0x80  }
0x3cc: {  	[sflag:s2] =	ssyncset.done $0x0  }
0x3cd: {  	[sflag:s2] =	ssyncadd.s32 $0xFFFFFF80  }
0x3ce: {  	_ =	swait.ge [sflag:s2], $0x80  }
0x3cf: {  	[sflag:s2] =	ssyncset.done $0x0  }
0x3d0: {  	[sflag:s2] =	ssyncadd.s32 $0xFFFFFF80  }
0x3d1: {  	_ =	swait.ge [sflag:s2], $0x80  }
0x3d2: {  	[sflag:s2] =	ssyncset.done $0x0  }
0x3d3: {  	[sflag:s2] =	ssyncadd.s32 $0xFFFFFF80  }
0x3d4: {  	_ =	swait.ge [sflag:s2], $0x80  }
0x3d5: {  	[sflag:s2] =	ssyncset.done $0x0  }
0x3d6: {  	[sflag:s2] =	ssyncadd.s32 $0xFFFFFF80  }
0x3d7: {  	_ =	swait.ge [sflag:s2], $0x80  }
0x3d8: {  	[sflag:s2] =	ssyncset.done $0x0  }
0x3d9: {  	[sflag:s2] =	ssyncadd.s32 $0xFFFFFF80  }
0x3da: {  	_ =	swait.ge [sflag:s2], $0x80  }
0x3db: {  	[sflag:s2] =	ssyncset.done $0x0  }
0x3dc: {  	[sflag:s2] =	ssyncadd.s32 $0xFFFFFF80  }
0x3dd: {  	_ =	swait.ge [sflag:s2], $0x80  }
0x3de: {  	[sflag:s2] =	ssyncset.done $0x0  }
0x3df: {  	[sflag:s2] =	ssyncadd.s32 $0xFFFFFF80  }
0x3e0: {  	_ =	swait.ge [sflag:s2], $0x80  }
0x3e1: {  	[sflag:s2] =	ssyncset.done $0x0  }
0x3e2: {  	[sflag:s2] =	ssyncadd.s32 $0xFFFFFF80  }
0x3e3: {  	_ =	swait.ge [sflag:s2], $0x80  }
0x3e4: {  	[sflag:s2] =	ssyncset.done $0x0  }
0x3e5: {  	[sflag:s2] =	ssyncadd.s32 $0xFFFFFF80  }
0x3e6: {  	_ =	swait.ge [sflag:s2], $0x80  }
0x3e7: {  	[sflag:s2] =	ssyncset.done $0x0  }
0x3e8: {  	[sflag:s2] =	ssyncadd.s32 $0xFFFFFF80  }
0x3e9: {  	_ =	swait.ge [sflag:s2], $0x80  }
0x3ea: {  	[sflag:s2] =	ssyncset.done $0x0  }
0x3eb: {  	[sflag:s2] =	ssyncadd.s32 $0xFFFFFF80  }
0x3ec: {  	_ =	swait.ge [sflag:s2], $0x80  }
0x3ed: {  	[sflag:s2] =	ssyncset.done $0x0  }
0x3ee: {  	[sflag:s2] =	ssyncadd.s32 $0xFFFFFF80  }
0x3ef: {  	_ =	swait.ge [sflag:s2], $0x80  }
0x3f0: {  	[sflag:s2] =	ssyncset.done $0x0  }
0x3f1: {  	[sflag:s2] =	ssyncadd.s32 $0xFFFFFF80  }
0x3f2: {  	_ =	swait.ge [sflag:s2], $0x80  }
0x3f3: {  	[sflag:s2] =	ssyncset.done $0x0  }
0x3f4: {  	[sflag:s2] =	ssyncadd.s32 $0xFFFFFF80  }
0x3f5: {  	_ =	swait.ge [sflag:s2], $0x80  }
0x3f6: {  	[sflag:s2] =	ssyncset.done $0x0  }
0x3f7: {  	[sflag:s2] =	ssyncadd.s32 $0xFFFFFF80  }
0x3f8: {  	_ =	swait.ge [sflag:s2], $0x80  }
0x3f9: {  	[sflag:s2] =	ssyncset.done $0x0  }
0x3fa: {  	[sflag:s2] =	ssyncadd.s32 $0xFFFFFF80  }
0x3fb: {  	_ =	swait.ge [sflag:s2], $0x80  }
0x3fc: {  	[sflag:s2] =	ssyncset.done $0x0  }
0x3fd: {  	[sflag:s2] =	ssyncadd.s32 $0xFFFFFF80  }
0x3fe: {  	_ =	swait.ge [sflag:s2], $0x80  }
0x3ff: {  	[sflag:s2] =	ssyncset.done $0x0  }
0x400: {  	[sflag:s2] =	ssyncadd.s32 $0xFFFFFF80  }
0x401: {  	_ =	swait.ge [sflag:s2], $0x80  }
0x402: {  	[sflag:s2] =	ssyncset.done $0x0  }
0x403: {  	[sflag:s2] =	ssyncadd.s32 $0xFFFFFF80  }
0x404: {  	_ =	swait.ge [sflag:s2], $0x80  }
0x405: {  	[sflag:s2] =	ssyncset.done $0x0  }
0x406: {  	[sflag:s2] =	ssyncadd.s32 $0xFFFFFF80  }
0x407: {  	_ =	swait.ge [sflag:s2], $0x80  }
0x408: {  	[sflag:s2] =	ssyncset.done $0x0  }
0x409: {  	[sflag:s2] =	ssyncadd.s32 $0xFFFFFF80  }
0x40a: {  	_ =	swait.ge [sflag:s2], $0x80  }
0x40b: {  	[sflag:s2] =	ssyncset.done $0x0  }
0x40c: {  	[sflag:s2] =	ssyncadd.s32 $0xFFFFFF80  }
0x40d: {  	_ =	swait.ge [sflag:s2], $0x80  }
0x40e: {  	[sflag:s2] =	ssyncset.done $0x0  }
0x40f: {  	[sflag:s2] =	ssyncadd.s32 $0xFFFFFF80  }
0x410: {  	_ =	swait.ge [sflag:s2], $0x80  }
0x411: {  	[sflag:s2] =	ssyncset.done $0x0  }
0x412: {  	[sflag:s2] =	ssyncadd.s32 $0xFFFFFF80  }
0x413: {  	_ =	swait.ge [sflag:s2], $0x80  }
0x414: {  	[sflag:s2] =	ssyncset.done $0x0  }
0x415: {  	[sflag:s2] =	ssyncadd.s32 $0xFFFFFF80  }
0x416: {  	_ =	swait.ge [sflag:s2], $0x80  }
0x417: {  	[sflag:s2] =	ssyncset.done $0x0  }
0x418: {  	[sflag:s2] =	ssyncadd.s32 $0xFFFFFF80  }
0x419: {  	_ =	swait.ge [sflag:s2], $0x80  }
0x41a: {  	[sflag:s2] =	ssyncset.done $0x0  }
0x41b: {  	[sflag:s2] =	ssyncadd.s32 $0xFFFFFF80  }
0x41c: {  	_ =	swait.ge [sflag:s2], $0x80  }
0x41d: {  	[sflag:s2] =	ssyncset.done $0x0  }
0x41e: {  	[sflag:s2] =	ssyncadd.s32 $0xFFFFFF80  }
0x41f: {  	_ =	swait.ge [sflag:s2], $0x80  }
0x420: {  	[sflag:s2] =	ssyncset.done $0x0  }
0x421: {  	[sflag:s2] =	ssyncadd.s32 $0xFFFFFF80  }
0x422: {  	_ =	swait.ge [sflag:s2], $0x80  }
0x423: {  	[sflag:s2] =	ssyncset.done $0x0  }
0x424: {  	[sflag:s2] =	ssyncadd.s32 $0xFFFFFF80  }
0x425: {  	_ =	swait.ge [sflag:s2], $0x80  }
0x426: {  	[sflag:s2] =	ssyncset.done $0x0  }
0x427: {  	[sflag:s2] =	ssyncadd.s32 $0xFFFFFF80  }
0x428: {  	_ =	sfence.sel $0x180000  }
0x429: {  	[bflag:$0x0] =	sbarrier.arrive $0xFFFF  }
0x42a: {  	_ =	strace $0x90000047  }
0x42b: {  	[bflag:$0x2] =	sbarrier.arrive $0xFFFF  }
0x42c: {  	p0 =	sne.s32 s16, $0x0;
	s0 =	rddreg [dreg:$0x1]  }
0x42d: {  	s0 =	sadd.s32 @!p0 $0x100000, s0  }
0x42e: {  	[sflag:s0] =	ssyncadd.tile.s32 @!p0 $0x1;
	_ =	shalt  }
.LBB2_2:
.Ltmp3:
0x42f: {  	(pc) =	sbr.rel .LBB2_5-.Ltmp3, $2  }
0x430: {  	_ =	sdelay $0x2  }
0x431: {  	s16 =	stileid.u32  }
.Lfunc_end2:
_tile_overlayer_lowered:
.L_overlay_start_2:
0x432: {  	(tag) =	ssettag $0x2  }
0x433: {  	s0 =	rddreg [dreg:$0x0];
	s2 =	stileid.u32  }
0x434: {  	s1 =	rddreg [dreg:$0x1];
	p0 =	sne.s32 s2, $0x0  }
0x435: {  	s3 =	rddreg [dreg:$0x2];
	[bflag:$0x3] =	sbarrier.arrive $0xFFFF;
	s2 =	simm.s32 @!p0 $0x1C02  }
0x436: {  	[timem:s3], [sflag:s2] =	dma.local @!p0 [hbm:s0], s1  }
0x437: {  	s0 =	simm.s32 @!p0 $0x2  }
0x438: {  	_ =	swait.ge @!p0 [sflag:s0], s1  }
0x439: {  	s1 =	ssub.s32 @!p0 $0x0, s1;
	[sflag:s0] =	ssyncset.done @!p0 $0x0  }
0x43a: {  	[sflag:s0] =	ssyncadd.s32 @!p0 s1  }
0x43b: {  	[bflag:$0x3] =	sbarrier.arrive $0xFFFF  }
0x43c: {  	_ =	shalt  }

</sc_bundles>
